<compile_context>
chip_gen: v7x
topology: tpu7x:2x2x1
jax: 0.10.2.dev20260603
libtpu: 0.0.44.dev20260713+nightly
codegen_flags: <defaults>
</compile_context>

<pallas_src>
import functools

import jax
import jax.numpy as jnp
from jax import lax
from jax.experimental import pallas as pl
from jax.experimental.pallas import tpu as pltpu
from jax.experimental.pallas import tpu_sc as plsc

N = 10000
NP = 10240
E = 320000
F_IN = 128
F96 = 96
F_H = 32
F_OUT = 45

CHUNK = 128
TILES = 32
G_B1 = 80
EPAD = TILES * G_B1 * CHUNK
ROWS_ALL = EPAD // CHUNK
G_B0 = ROWS_ALL // 16
NSLICE = NP // 16


def _zeros16():
    return jnp.zeros((16,), jnp.float32)


def _b0_body(dst_ref, w_ref, deg_ref, deg_acc, dv, wv, zbuf):
    c = lax.axis_index("c")
    s = lax.axis_index("s")
    wid = s * 2 + c

    def zb(i, _):
        zbuf[pl.ds(i * 16, 16)] = _zeros16()
        return _
    lax.fori_loop(0, NSLICE // 16, zb, None)
    pltpu.sync_copy(zbuf, deg_acc.at[pl.ds(s * NSLICE, NSLICE)])
    pltpu.sync_copy(dst_ref.at[pl.ds(wid * G_B1, G_B1)], dv)
    pltpu.sync_copy(w_ref.at[pl.ds(wid * G_B1, G_B1)], wv)
    plsc.subcore_barrier()

    def scat(j, _):
        pltpu.sync_copy(wv.at[j], deg_acc.at[dv.at[j]], add=True)
        return _
    lax.fori_loop(0, G_B1, scat, None)
    plsc.subcore_barrier()
    pltpu.sync_copy(deg_acc.at[pl.ds(s * NSLICE, NSLICE)],
                    deg_ref.at[c, pl.ds(s * NSLICE, NSLICE)])


_SC_PARAMS = pltpu.CompilerParams(needs_layout_passes=False,
                                  use_tc_tiling_on_sc=False)

_b0_kernel = functools.partial(
    pl.kernel,
    mesh=plsc.VectorSubcoreMesh(core_axis_name="c", subcore_axis_name="s"),
    compiler_params=_SC_PARAMS,
    out_type=jax.ShapeDtypeStruct((2, NP), jnp.float32),
    scratch_types=[
        pltpu.VMEM_SHARED((NP,), jnp.float32),
        pltpu.VMEM((G_B1, CHUNK), jnp.int32),
        pltpu.VMEM((G_B1, CHUNK), jnp.float32),
        pltpu.VMEM((NSLICE,), jnp.float32),
    ],
)(_b0_body)


FH2 = F96 // 2


def _b1_body(src_ref, dst_ref, w_ref, hd0_ref, hd1_ref, acc_ref,
             hd_half, acc_half, srcv, dstv, wv, rows0, rows1, zbuf,
             gsem0, gsem1, ssem0, ssem1):
    c = lax.axis_index("c")
    s = lax.axis_index("s")
    wid = s * 2 + c
    row0 = wid * G_B1

    pltpu.sync_copy(src_ref.at[pl.ds(row0, G_B1)], srcv)
    pltpu.sync_copy(dst_ref.at[pl.ds(row0, G_B1)], dstv)
    pltpu.sync_copy(w_ref.at[pl.ds(row0, G_B1)], wv)

    def zb(i, _):
        for j in range(FH2 // 16):
            zbuf[i, pl.ds(j * 16, 16)] = _zeros16()
        return _
    lax.fori_loop(0, 64, zb, None)

    def scale_buf(g, rows):
        def sc(e8, _):
            for de in range(8):
                e = e8 * 8 + de
                sp = plsc.load_gather(
                    wv, [jnp.full((16,), g, jnp.int32),
                         jnp.full((16,), e, jnp.int32)])
                for j in range(FH2 // 16):
                    rows[e, pl.ds(j * 16, 16)] = rows[e, pl.ds(j * 16, 16)] * sp
            return _
        lax.fori_loop(0, CHUNK // 8, sc, None)

    for h, hd_h in ((0, hd0_ref), (1, hd1_ref)):
        def zc(i, _):
            pltpu.sync_copy(zbuf, acc_half.at[pl.ds(s * NSLICE + i * 64, 64)])
            return _
        lax.fori_loop(0, NSLICE // 64, zc, None)

        @pl.when(s < 15)
        def _():
            pltpu.sync_copy(hd_h.at[pl.ds(s * NSLICE, NSLICE)],
                            hd_half.at[pl.ds(s * NSLICE, NSLICE)])

        @pl.when(s == 15)
        def _():
            pltpu.sync_copy(hd_h.at[pl.ds(15 * NSLICE, N - 15 * NSLICE)],
                            hd_half.at[pl.ds(15 * NSLICE, N - 15 * NSLICE)])

        plsc.subcore_barrier()

        pltpu.async_copy(hd_half.at[srcv.at[0]], rows0, gsem0)
        pltpu.async_copy(hd_half.at[srcv.at[1]], rows1, gsem1)

        def pipe(gp, _):
            g0 = gp * 2
            g1 = g0 + 1
            pltpu.make_async_copy(hd_half.at[srcv.at[g0]], rows0, gsem0).wait()
            scale_buf(g0, rows0)
            pltpu.make_async_copy(hd_half.at[srcv.at[g1]], rows1, gsem1).wait()
            pltpu.async_copy(rows0, acc_half.at[dstv.at[g0]], ssem0, add=True)
            scale_buf(g1, rows1)
            pltpu.async_copy(rows1, acc_half.at[dstv.at[g1]], ssem1, add=True)

            @pl.when(g0 + 2 < G_B1)
            def _():
                pltpu.make_async_copy(rows0, acc_half.at[dstv.at[g0]], ssem0).wait()
                pltpu.async_copy(hd_half.at[srcv.at[g0 + 2]], rows0, gsem0)
                pltpu.make_async_copy(rows1, acc_half.at[dstv.at[g1]], ssem1).wait()
                pltpu.async_copy(hd_half.at[srcv.at[g1 + 2]], rows1, gsem1)
            return _
        lax.fori_loop(0, G_B1 // 2, pipe, None)
        pltpu.make_async_copy(rows0, acc_half.at[dstv.at[G_B1 - 2]], ssem0).wait()
        pltpu.make_async_copy(rows1, acc_half.at[dstv.at[G_B1 - 1]], ssem1).wait()
        plsc.subcore_barrier()

        pltpu.sync_copy(acc_half.at[pl.ds(s * NSLICE, NSLICE)],
                        acc_ref.at[c, h, pl.ds(s * NSLICE, NSLICE)])


_b1_kernel = functools.partial(
    pl.kernel,
    mesh=plsc.VectorSubcoreMesh(core_axis_name="c", subcore_axis_name="s"),
    compiler_params=_SC_PARAMS,
    out_type=jax.ShapeDtypeStruct((2, 2, NP, FH2), jnp.float32),
    scratch_types=[
        pltpu.VMEM_SHARED((NP, FH2), jnp.float32),
        pltpu.VMEM_SHARED((NP, FH2), jnp.float32),
        pltpu.VMEM((G_B1, CHUNK), jnp.int32),
        pltpu.VMEM((G_B1, CHUNK), jnp.int32),
        pltpu.VMEM((G_B1, CHUNK), jnp.float32),
        pltpu.VMEM((CHUNK, FH2), jnp.float32),
        pltpu.VMEM((CHUNK, FH2), jnp.float32),
        pltpu.VMEM((64, FH2), jnp.float32),
        pltpu.SemaphoreType.DMA,
        pltpu.SemaphoreType.DMA,
        pltpu.SemaphoreType.DMA,
        pltpu.SemaphoreType.DMA,
    ],
)(_b1_body)


def _a_body(x_ref, dg0_ref, dg1_ref, wz_ref, wr_ref, wh_ref,
            lz_ref, lr_ref, lh_ref,
            hd0_ref, hd1_ref, dinv_ref):
    lz1 = lz_ref[:, :F_H]
    lr1 = lr_ref[:, :F_H]
    lh1 = lh_ref[:, :F_H]
    wf = jnp.concatenate([
        jnp.dot(lz1, wz_ref[...], preferred_element_type=jnp.float32),
        jnp.dot(lr1, wr_ref[...], preferred_element_type=jnp.float32),
        jnp.dot(lh1, wh_ref[...], preferred_element_type=jnp.float32),
    ], axis=0)
    hall = jnp.dot(x_ref[...], wf.T, preferred_element_type=jnp.float32)
    dinv = lax.rsqrt(dg0_ref[...] + dg1_ref[...] + 1.0)
    dinv_ref[...] = dinv
    hd = hall * dinv
    hd0_ref[...] = hd[:, :FH2]
    hd1_ref[...] = hd[:, FH2:]


def _c_body(a00_ref, a01_ref, a10_ref, a11_ref,
            hd0_ref, hd1_ref, dinv_ref, h_ref,
            lz_ref, lr_ref, lh_ref, bz_ref, br_ref, bh_ref,
            lzb_ref, lrb_ref, lhb_ref, linw_ref, linb_ref, y_ref, hn_ref):
    dinv = dinv_ref[...]
    agg = dinv * jnp.concatenate(
        [a00_ref[...] + a10_ref[...] + hd0_ref[...],
         a01_ref[...] + a11_ref[...] + hd1_ref[...]], axis=1)
    lz1 = lz_ref[:, :F_H]
    lz2 = lz_ref[:, F_H:]
    lr1 = lr_ref[:, :F_H]
    lr2 = lr_ref[:, F_H:]
    lh1 = lh_ref[:, :F_H]
    lh2 = lh_ref[:, F_H:]
    bzf = jnp.dot(bz_ref[...], lz1.T, preferred_element_type=jnp.float32) + lzb_ref[...]
    brf = jnp.dot(br_ref[...], lr1.T, preferred_element_type=jnp.float32) + lrb_ref[...]
    bhf = jnp.dot(bh_ref[...], lh1.T, preferred_element_type=jnp.float32) + lhb_ref[...]
    h = h_ref[...]
    hlz = jnp.dot(h, lz2.T, preferred_element_type=jnp.float32)
    hlr = jnp.dot(h, lr2.T, preferred_element_type=jnp.float32)
    z = jax.nn.sigmoid(agg[:, :F_H] + hlz + bzf)
    r = jax.nn.sigmoid(agg[:, F_H:2 * F_H] + hlr + brf)
    ht = jnp.tanh(agg[:, 2 * F_H:] + jnp.dot(h * r, lh2.T, preferred_element_type=jnp.float32) + bhf)
    hn = z * h + (1.0 - z) * ht
    hn_ref[...] = hn
    y_ref[...] = (jnp.dot(jnp.maximum(hn, 0.0), linw_ref[...].T,
                          preferred_element_type=jnp.float32) + linb_ref[...])


def kernel(x, edge_index, edge_weight, prev_hidden_state,
           Wz, bz, Lz_W, Lz_b, Wr, br, Lr_W, Lr_b,
           Wh, bh, Lh_W, Lh_b, lin_W, lin_b):
    src = edge_index[0]
    dst = edge_index[1]
    pad = EPAD - E
    src2 = jnp.concatenate([src, jnp.zeros((pad,), src.dtype)]).reshape(ROWS_ALL, CHUNK)
    dst2 = jnp.concatenate([dst, jnp.zeros((pad,), dst.dtype)]).reshape(ROWS_ALL, CHUNK)
    w2 = jnp.concatenate([edge_weight, jnp.zeros((pad,), edge_weight.dtype)]).reshape(ROWS_ALL, CHUNK)

    deg_p = _b0_kernel(dst2, w2)

    bn = 1000
    grid = (N // bn,)
    full = lambda shp: pl.BlockSpec(shp, lambda i: (0, 0))
    dg0 = deg_p[0, :N].reshape(N, 1)
    dg1 = deg_p[1, :N].reshape(N, 1)
    hd0, hd1, dinv1 = pl.pallas_call(
        _a_body,
        grid=grid,
        in_specs=[
            pl.BlockSpec((bn, F_IN), lambda i: (i, 0)),
            pl.BlockSpec((bn, 1), lambda i: (i, 0)),
            pl.BlockSpec((bn, 1), lambda i: (i, 0)),
            full((F_H, F_IN)), full((F_H, F_IN)), full((F_H, F_IN)),
            full((F_H, 2 * F_H)), full((F_H, 2 * F_H)), full((F_H, 2 * F_H)),
        ],
        out_specs=[
            pl.BlockSpec((bn, FH2), lambda i: (i, 0)),
            pl.BlockSpec((bn, FH2), lambda i: (i, 0)),
            pl.BlockSpec((bn, 1), lambda i: (i, 0)),
        ],
        out_shape=[
            jax.ShapeDtypeStruct((N, FH2), jnp.float32),
            jax.ShapeDtypeStruct((N, FH2), jnp.float32),
            jax.ShapeDtypeStruct((N, 1), jnp.float32),
        ],
    )(x, dg0, dg1, Wz, Wr, Wh, Lz_W, Lr_W, Lh_W)

    accp = _b1_kernel(src2, dst2, w2, hd0, hd1)

    a00 = accp[0, 0]
    a01 = accp[0, 1]
    a10 = accp[1, 0]
    a11 = accp[1, 1]
    bz1 = bz.reshape(1, F_H)
    br1 = br.reshape(1, F_H)
    bh1 = bh.reshape(1, F_H)
    lzb1 = Lz_b.reshape(1, F_H)
    lrb1 = Lr_b.reshape(1, F_H)
    lhb1 = Lh_b.reshape(1, F_H)
    linb1 = lin_b.reshape(1, F_OUT)

    y, hn = pl.pallas_call(
        _c_body,
        grid=grid,
        in_specs=[
            pl.BlockSpec((bn, FH2), lambda i: (i, 0)),
            pl.BlockSpec((bn, FH2), lambda i: (i, 0)),
            pl.BlockSpec((bn, FH2), lambda i: (i, 0)),
            pl.BlockSpec((bn, FH2), lambda i: (i, 0)),
            pl.BlockSpec((bn, FH2), lambda i: (i, 0)),
            pl.BlockSpec((bn, FH2), lambda i: (i, 0)),
            pl.BlockSpec((bn, 1), lambda i: (i, 0)),
            pl.BlockSpec((bn, F_H), lambda i: (i, 0)),
            full((F_H, 2 * F_H)),
            full((F_H, 2 * F_H)),
            full((F_H, 2 * F_H)),
            full((1, F_H)), full((1, F_H)), full((1, F_H)),
            full((1, F_H)), full((1, F_H)), full((1, F_H)),
            full((F_OUT, F_H)),
            full((1, F_OUT)),
        ],
        out_specs=[
            pl.BlockSpec((bn, F_OUT), lambda i: (i, 0)),
            pl.BlockSpec((bn, F_H), lambda i: (i, 0)),
        ],
        out_shape=[
            jax.ShapeDtypeStruct((N, F_OUT), jnp.float32),
            jax.ShapeDtypeStruct((N, F_H), jnp.float32),
        ],
    )(a00, a01, a10, a11, hd0, hd1, dinv1, prev_hidden_state,
      Lz_W, Lr_W, Lh_W, bz1, br1, bh1, lzb1, lrb1, lhb1,
      lin_W, linb1)

    return (y, hn)

# --- scband reference (transcript-rebuilt; emitter-appended) ---
"""Pipeline reference for scband-recurrent-gcn-10058813407315 (READ-ONLY COPY).

The authoritative reference and input builder live on the scoring server;
editing this copy changes nothing except your own understanding.
"""

import jax, jax.numpy as jnp
import numpy as np

N = 10000
E = 320000
F_IN = 128
F_H = 32
F_OUT = 45


def setup_inputs(seed: int = 0) -> dict:
    key = jax.random.key(seed)
    ks = jax.random.split(key, 20)
    inp = {}
    inp["x"] = jax.random.normal(ks[0], (N, F_IN), dtype=jnp.float32)
    inp["edge_index"] = jax.random.randint(ks[1], (2, E), 0, N, dtype=jnp.int32)
    inp["edge_weight"] = jax.random.uniform(ks[2], (E,), dtype=jnp.float32)
    inp["prev_hidden_state"] = jax.random.normal(ks[3], (N, F_H), dtype=jnp.float32)
    s = 0.1
    # TGCN gate z: GCNConv(F_IN -> F_H) weight/bias + Linear(2*F_H -> F_H)
    inp["Wz"] = jax.random.normal(ks[4], (F_H, F_IN), dtype=jnp.float32) * s
    inp["bz"] = jnp.zeros((F_H,), dtype=jnp.float32)
    inp["Lz_W"] = jax.random.normal(ks[5], (F_H, 2 * F_H), dtype=jnp.float32) * s
    inp["Lz_b"] = jnp.zeros((F_H,), dtype=jnp.float32)
    # gate r
    inp["Wr"] = jax.random.normal(ks[6], (F_H, F_IN), dtype=jnp.float32) * s
    inp["br"] = jnp.zeros((F_H,), dtype=jnp.float32)
    inp["Lr_W"] = jax.random.normal(ks[7], (F_H, 2 * F_H), dtype=jnp.float32) * s
    inp["Lr_b"] = jnp.zeros((F_H,), dtype=jnp.float32)
    # candidate h
    inp["Wh"] = jax.random.normal(ks[8], (F_H, F_IN), dtype=jnp.float32) * s
    inp["bh"] = jnp.zeros((F_H,), dtype=jnp.float32)
    inp["Lh_W"] = jax.random.normal(ks[9], (F_H, 2 * F_H), dtype=jnp.float32) * s
    inp["Lh_b"] = jnp.zeros((F_H,), dtype=jnp.float32)
    # output linear 32 -> 45
    inp["lin_W"] = jax.random.normal(ks[10], (F_OUT, F_H), dtype=jnp.float32) * s
    inp["lin_b"] = jnp.zeros((F_OUT,), dtype=jnp.float32)
    return inp


def gcn_conv(x, edge_index, edge_weight, W, b):
    # PyG GCNConv with add_self_loops=True and symmetric normalization
    n = x.shape[0]
    src = edge_index[0]
    dst = edge_index[1]
    loop = jnp.arange(n, dtype=edge_index.dtype)
    s = jnp.concatenate([src, loop])
    d = jnp.concatenate([dst, loop])
    w = jnp.concatenate([edge_weight, jnp.ones((n,), edge_weight.dtype)])
    deg = jnp.zeros((n,), x.dtype).at[d].add(w)
    dinv = jnp.where(deg > 0, jax.lax.rsqrt(jnp.maximum(deg, 1e-12)), 0.0)
    norm = dinv[s] * w * dinv[d]
    h = x @ W.T
    msg = h[s] * norm[:, None]
    out = jnp.zeros((n, h.shape[1]), x.dtype).at[d].add(msg)
    return out + b


def reference(x, edge_index, edge_weight, prev_hidden_state,
              Wz, bz, Lz_W, Lz_b,
              Wr, br, Lr_W, Lr_b,
              Wh, bh, Lh_W, Lh_b,
              lin_W, lin_b):
    H = prev_hidden_state
    Z = jax.nn.sigmoid(jnp.concatenate([gcn_conv(x, edge_index, edge_weight, Wz, bz), H], axis=1) @ Lz_W.T + Lz_b)
    R = jax.nn.sigmoid(jnp.concatenate([gcn_conv(x, edge_index, edge_weight, Wr, br), H], axis=1) @ Lr_W.T + Lr_b)
    H_tilde = jnp.tanh(jnp.concatenate([gcn_conv(x, edge_index, edge_weight, Wh, bh), H * R], axis=1) @ Lh_W.T + Lh_b)
    H_new = Z * H + (1.0 - Z) * H_tilde
    y = jax.nn.relu(H_new) @ lin_W.T + lin_b
    return (y, H_new)

if __name__ == "__main__":
    import jax
    _d = setup_inputs()
    print(jax.jit(kernel)(*tuple(_d.values())))

</pallas_src>

<mosaic_0001>
#map = affine_map<(d0, d1) -> (0, 0)>
module attributes {stable_mosaic.version = 14 : i64} {
  func.func @_b0_body(%arg0: i32, %arg1: i32, %arg2: memref<2560x128xi32, #tpu.memory_space<hbm>>, %arg3: memref<2560x128xf32, #tpu.memory_space<hbm>>, %arg4: memref<2x10240xf32, #tpu.memory_space<hbm>>, %arg5: memref<10240xf32, #tpu.memory_space<vmem_shared>>, %arg6: memref<80x128xi32, #tpu.memory_space<vmem>>, %arg7: memref<80x128xf32, #tpu.memory_space<vmem>>, %arg8: memref<640xf32, #tpu.memory_space<vmem>>) attributes {dimension_semantics = [#tpu.dimension_semantics<core_parallel>, #tpu.dimension_semantics<subcore_parallel>], iteration_bounds = array<i64: 2, 16>, scalar_prefetch = 0 : i64, scratch_operands = 4 : i64, tpu.core_type = #tpu.core_type<sc_vector_subcore>, window_params = [{transform_indices = #map}, {transform_indices = #map}, {transform_indices = #map}]} {
    %mul3A = arith.constant 2 : i32
    %mul3A_0 = arith.muli %arg1, %mul3A : i32
    %add3A = arith.addi %mul3A_0, %arg0 : i32
    %scan3A = arith.constant 0 : i32
    %scan3A_1 = arith.constant 40 : i32
    %scan3A_2 = arith.addi %scan3A, %scan3A_1 : i32
    %scan3A_3 = arith.constant 1 : i32
    scf.for %scan3A_21 = %scan3A to %scan3A_2 step %scan3A_3  : i32 {
      %broadcast_in_dim3A = arith.constant 0.000000e+00 : f32
      %broadcast_in_dim3A_22 = vector.broadcast %broadcast_in_dim3A : f32 to vector<16xf32>
      %mul3A_23 = arith.constant 16 : i32
      %mul3A_24 = arith.muli %scan3A_21, %mul3A_23 : i32
      %swap3A = arith.index_cast %mul3A_24 : i32 to index
      %swap3A_25 = tpu.vector_load %arg8[%swap3A] {strides = array<i32>} : memref<640xf32, #tpu.memory_space<vmem>>, vector<16xf32>,
      tpu.vector_store %arg8[%swap3A], %broadcast_in_dim3A_22 {strides = array<i32>} : memref<640xf32, #tpu.memory_space<vmem>>, vector<16xf32>,
    }
    %scan3A_4 = arith.constant 40 : i32
    %mul3A_5 = arith.constant 640 : i32
    %mul3A_6 = arith.muli %arg1, %mul3A_5 : i32
    "tpu.region"() ({
      %run_scoped3A = tpu.sem_alloc : memref<!tpu.dma_semaphore, #tpu.memory_space<semaphore_mem>>
      %dma_start3A = tpu.memref_slice %arg5[%mul3A_6] : memref<10240xf32, #tpu.memory_space<vmem_shared>> -> memref<640xf32, #tpu.memory_space<vmem_shared>>
      %dma_start3A_21 = tpu.memref_slice %arg5[%mul3A_6] : memref<10240xf32, #tpu.memory_space<vmem_shared>> -> memref<640xf32, #tpu.memory_space<vmem_shared>>
      tpu.enqueue_dma source(%arg8 : memref<640xf32, #tpu.memory_space<vmem>>) target(%dma_start3A_21 : memref<640xf32, #tpu.memory_space<vmem_shared>>) target_semaphore(%run_scoped3A : memref<!tpu.dma_semaphore, #tpu.memory_space<semaphore_mem>>)
      %dma_wait3A = tpu.memref_slice %arg5[%mul3A_6] : memref<10240xf32, #tpu.memory_space<vmem_shared>> -> memref<640xf32, #tpu.memory_space<vmem_shared>>
      %dma_wait3A_22 = tpu.memref_slice %arg5[%mul3A_6] : memref<10240xf32, #tpu.memory_space<vmem_shared>> -> memref<640xf32, #tpu.memory_space<vmem_shared>>
      tpu.wait_dma2 semaphore(%run_scoped3A : memref<!tpu.dma_semaphore, #tpu.memory_space<semaphore_mem>>) src(%arg8 : memref<640xf32, #tpu.memory_space<vmem>>) dst(%dma_wait3A_22 : memref<640xf32, #tpu.memory_space<vmem_shared>>)
      tpu.yield
    }) : () -> ()
    %mul3A_7 = arith.constant 80 : i32
    %mul3A_8 = arith.muli %add3A, %mul3A_7 : i32
    "tpu.region"() ({
      %run_scoped3A = tpu.sem_alloc : memref<!tpu.dma_semaphore, #tpu.memory_space<semaphore_mem>>
      %dma_start3A = arith.constant 0 : i32
      %dma_start3A_21 = tpu.memref_slice %arg2[%mul3A_8, %dma_start3A] : memref<2560x128xi32, #tpu.memory_space<hbm>> -> memref<80x128xi32, #tpu.memory_space<hbm>>
      %dma_start3A_22 = arith.constant 0 : i32
      %dma_start3A_23 = tpu.memref_slice %arg2[%mul3A_8, %dma_start3A_22] : memref<2560x128xi32, #tpu.memory_space<hbm>> -> memref<80x128xi32, #tpu.memory_space<hbm>>
      tpu.enqueue_dma source(%dma_start3A_23 : memref<80x128xi32, #tpu.memory_space<hbm>>) target(%arg6 : memref<80x128xi32, #tpu.memory_space<vmem>>) target_semaphore(%run_scoped3A : memref<!tpu.dma_semaphore, #tpu.memory_space<semaphore_mem>>)
      %dma_wait3A = arith.constant 0 : i32
      %dma_wait3A_24 = tpu.memref_slice %arg2[%mul3A_8, %dma_wait3A] : memref<2560x128xi32, #tpu.memory_space<hbm>> -> memref<80x128xi32, #tpu.memory_space<hbm>>
      %dma_wait3A_25 = arith.constant 0 : i32
      %dma_wait3A_26 = tpu.memref_slice %arg2[%mul3A_8, %dma_wait3A_25] : memref<2560x128xi32, #tpu.memory_space<hbm>> -> memref<80x128xi32, #tpu.memory_space<hbm>>
      tpu.wait_dma2 semaphore(%run_scoped3A : memref<!tpu.dma_semaphore, #tpu.memory_space<semaphore_mem>>) src(%dma_wait3A_26 : memref<80x128xi32, #tpu.memory_space<hbm>>) dst(%arg6 : memref<80x128xi32, #tpu.memory_space<vmem>>)
      tpu.yield
    }) : () -> ()
    %mul3A_9 = arith.constant 80 : i32
    %mul3A_10 = arith.muli %add3A, %mul3A_9 : i32
    "tpu.region"() ({
      %run_scoped3A = tpu.sem_alloc : memref<!tpu.dma_semaphore, #tpu.memory_space<semaphore_mem>>
      %dma_start3A = arith.constant 0 : i32
      %dma_start3A_21 = tpu.memref_slice %arg3[%mul3A_10, %dma_start3A] : memref<2560x128xf32, #tpu.memory_space<hbm>> -> memref<80x128xf32, #tpu.memory_space<hbm>>
      %dma_start3A_22 = arith.constant 0 : i32
      %dma_start3A_23 = tpu.memref_slice %arg3[%mul3A_10, %dma_start3A_22] : memref<2560x128xf32, #tpu.memory_space<hbm>> -> memref<80x128xf32, #tpu.memory_space<hbm>>
      tpu.enqueue_dma source(%dma_start3A_23 : memref<80x128xf32, #tpu.memory_space<hbm>>) target(%arg7 : memref<80x128xf32, #tpu.memory_space<vmem>>) target_semaphore(%run_scoped3A : memref<!tpu.dma_semaphore, #tpu.memory_space<semaphore_mem>>)
      %dma_wait3A = arith.constant 0 : i32
      %dma_wait3A_24 = tpu.memref_slice %arg3[%mul3A_10, %dma_wait3A] : memref<2560x128xf32, #tpu.memory_space<hbm>> -> memref<80x128xf32, #tpu.memory_space<hbm>>
      %dma_wait3A_25 = arith.constant 0 : i32
      %dma_wait3A_26 = tpu.memref_slice %arg3[%mul3A_10, %dma_wait3A_25] : memref<2560x128xf32, #tpu.memory_space<hbm>> -> memref<80x128xf32, #tpu.memory_space<hbm>>
      tpu.wait_dma2 semaphore(%run_scoped3A : memref<!tpu.dma_semaphore, #tpu.memory_space<semaphore_mem>>) src(%dma_wait3A_26 : memref<80x128xf32, #tpu.memory_space<hbm>>) dst(%arg7 : memref<80x128xf32, #tpu.memory_space<vmem>>)
      tpu.yield
    }) : () -> ()
    %barrier3A = arith.constant 0 : index
    tpu.barrier barrier_id(%barrier3A)
    %scan3A_11 = arith.constant 0 : i32
    %scan3A_12 = arith.constant 80 : i32
    %scan3A_13 = arith.addi %scan3A_11, %scan3A_12 : i32
    %scan3A_14 = arith.constant 1 : i32
    scf.for %scan3A_21 = %scan3A_11 to %scan3A_13 step %scan3A_14  : i32 {
      "tpu.region"() ({
        %run_scoped3A = tpu.sem_alloc : memref<!tpu.dma_semaphore, #tpu.memory_space<semaphore_mem>>
        %dma_start3A = arith.constant 0 : i32
        %dma_start3A_22 = tpu.memref_slice %arg7[%scan3A_21, %dma_start3A] : memref<80x128xf32, #tpu.memory_space<vmem>> -> memref<1x128xf32, #tpu.memory_space<vmem>>
        %dma_start3A_23 = tpu.memref_squeeze %dma_start3A_22 : memref<1x128xf32, #tpu.memory_space<vmem>> -> memref<128xf32, #tpu.memory_space<vmem>>
        %dma_start3A_24 = arith.constant 0 : i32
        %dma_start3A_25 = tpu.memref_slice %arg6[%scan3A_21, %dma_start3A_24] : memref<80x128xi32, #tpu.memory_space<vmem>> -> memref<1x128xi32, #tpu.memory_space<vmem>>
        %dma_start3A_26 = tpu.memref_squeeze %dma_start3A_25 : memref<1x128xi32, #tpu.memory_space<vmem>> -> memref<128xi32, #tpu.memory_space<vmem>>
        %dma_start3A_27 = arith.constant 0 : i32
        %dma_start3A_28 = tpu.memref_slice %arg5[%dma_start3A_27] : memref<10240xf32, #tpu.memory_space<vmem_shared>> -> memref<10240xf32, #tpu.memory_space<vmem_shared>>
        tpu.enqueue_indirect_dma source(%dma_start3A_23 : memref<128xf32, #tpu.memory_space<vmem>>) target(%dma_start3A_28 : memref<10240xf32, #tpu.memory_space<vmem_shared>>) offsets(%dma_start3A_26 : memref<128xi32, #tpu.memory_space<vmem>>) semaphore(%run_scoped3A : memref<!tpu.dma_semaphore, #tpu.memory_space<semaphore_mem>>) {add = true}
        %dma_wait3A = arith.constant 0 : i32
        %dma_wait3A_29 = tpu.memref_slice %arg7[%scan3A_21, %dma_wait3A] : memref<80x128xf32, #tpu.memory_space<vmem>> -> memref<1x128xf32, #tpu.memory_space<vmem>>
        %dma_wait3A_30 = tpu.memref_squeeze %dma_wait3A_29 : memref<1x128xf32, #tpu.memory_space<vmem>> -> memref<128xf32, #tpu.memory_space<vmem>>
        %dma_wait3A_31 = arith.constant 0 : i32
        %dma_wait3A_32 = tpu.memref_slice %arg6[%scan3A_21, %dma_wait3A_31] : memref<80x128xi32, #tpu.memory_space<vmem>> -> memref<1x128xi32, #tpu.memory_space<vmem>>
        %dma_wait3A_33 = tpu.memref_squeeze %dma_wait3A_32 : memref<1x128xi32, #tpu.memory_space<vmem>> -> memref<128xi32, #tpu.memory_space<vmem>>
        %dma_wait3A_34 = arith.constant 0 : i32
        %dma_wait3A_35 = tpu.memref_slice %arg5[%dma_wait3A_34] : memref<10240xf32, #tpu.memory_space<vmem_shared>> -> memref<10240xf32, #tpu.memory_space<vmem_shared>>
        tpu.wait_indirect_dma semaphore(%run_scoped3A : memref<!tpu.dma_semaphore, #tpu.memory_space<semaphore_mem>>) src(%dma_wait3A_30 : memref<128xf32, #tpu.memory_space<vmem>>) dst(%dma_wait3A_35 : memref<10240xf32, #tpu.memory_space<vmem_shared>>)
        tpu.yield
      }) : () -> ()
    }
    %scan3A_15 = arith.constant 80 : i32
    %barrier3A_16 = arith.constant 0 : index
    tpu.barrier barrier_id(%barrier3A_16)
    %mul3A_17 = arith.constant 640 : i32
    %mul3A_18 = arith.muli %arg1, %mul3A_17 : i32
    %mul3A_19 = arith.constant 640 : i32
    %mul3A_20 = arith.muli %arg1, %mul3A_19 : i32
    "tpu.region"() ({
      %run_scoped3A = tpu.sem_alloc : memref<!tpu.dma_semaphore, #tpu.memory_space<semaphore_mem>>
      %dma_start3A = tpu.memref_slice %arg4[%arg0, %mul3A_20] : memref<2x10240xf32, #tpu.memory_space<hbm>> -> memref<1x640xf32, #tpu.memory_space<hbm>>
      %dma_start3A_21 = tpu.memref_squeeze %dma_start3A : memref<1x640xf32, #tpu.memory_space<hbm>> -> memref<640xf32, #tpu.memory_space<hbm>>
      %dma_start3A_22 = tpu.memref_slice %arg5[%mul3A_18] : memref<10240xf32, #tpu.memory_space<vmem_shared>> -> memref<640xf32, #tpu.memory_space<vmem_shared>>
      tpu.enqueue_dma source(%dma_start3A_22 : memref<640xf32, #tpu.memory_space<vmem_shared>>) target(%dma_start3A_21 : memref<640xf32, #tpu.memory_space<hbm>>) target_semaphore(%run_scoped3A : memref<!tpu.dma_semaphore, #tpu.memory_space<semaphore_mem>>)
      %dma_wait3A = tpu.memref_slice %arg4[%arg0, %mul3A_20] : memref<2x10240xf32, #tpu.memory_space<hbm>> -> memref<1x640xf32, #tpu.memory_space<hbm>>
      %dma_wait3A_23 = tpu.memref_squeeze %dma_wait3A : memref<1x640xf32, #tpu.memory_space<hbm>> -> memref<640xf32, #tpu.memory_space<hbm>>
      %dma_wait3A_24 = tpu.memref_slice %arg5[%mul3A_18] : memref<10240xf32, #tpu.memory_space<vmem_shared>> -> memref<640xf32, #tpu.memory_space<vmem_shared>>
      tpu.wait_dma2 semaphore(%run_scoped3A : memref<!tpu.dma_semaphore, #tpu.memory_space<semaphore_mem>>) src(%dma_wait3A_24 : memref<640xf32, #tpu.memory_space<vmem_shared>>) dst(%dma_wait3A_23 : memref<640xf32, #tpu.memory_space<hbm>>)
      tpu.yield
    }) : () -> ()
    return
  }
}

#map = affine_map<(d0, d1) -> (0, 0)>
#map1 = affine_map<(d0, d1) -> (0, 0, 0, 0)>
module attributes {stable_mosaic.version = 14 : i64} {
  func.func @_b1_body(%arg0: i32, %arg1: i32, %arg2: memref<2560x128xi32, #tpu.memory_space<hbm>>, %arg3: memref<2560x128xi32, #tpu.memory_space<hbm>>, %arg4: memref<2560x128xf32, #tpu.memory_space<hbm>>, %arg5: memref<10000x48xf32, #tpu.memory_space<hbm>>, %arg6: memref<10000x48xf32, #tpu.memory_space<hbm>>, %arg7: memref<2x2x10240x48xf32, #tpu.memory_space<hbm>>, %arg8: memref<10240x48xf32, #tpu.memory_space<vmem_shared>>, %arg9: memref<10240x48xf32, #tpu.memory_space<vmem_shared>>, %arg10: memref<80x128xi32, #tpu.memory_space<vmem>>, %arg11: memref<80x128xi32, #tpu.memory_space<vmem>>, %arg12: memref<80x128xf32, #tpu.memory_space<vmem>>, %arg13: memref<128x48xf32, #tpu.memory_space<vmem>>, %arg14: memref<128x48xf32, #tpu.memory_space<vmem>>, %arg15: memref<64x48xf32, #tpu.memory_space<vmem>>, %arg16: memref<!tpu.dma_semaphore, #tpu.memory_space<semaphore_mem>>, %arg17: memref<!tpu.dma_semaphore, #tpu.memory_space<semaphore_mem>>, %arg18: memref<!tpu.dma_semaphore, #tpu.memory_space<semaphore_mem>>, %arg19: memref<!tpu.dma_semaphore, #tpu.memory_space<semaphore_mem>>) attributes {dimension_semantics = [#tpu.dimension_semantics<core_parallel>, #tpu.dimension_semantics<subcore_parallel>], iteration_bounds = array<i64: 2, 16>, scalar_prefetch = 0 : i64, scratch_operands = 12 : i64, tpu.core_type = #tpu.core_type<sc_vector_subcore>, window_params = [{transform_indices = #map}, {transform_indices = #map}, {transform_indices = #map}, {transform_indices = #map}, {transform_indices = #map}, {transform_indices = #map1}]} {
    %mul3A = arith.constant 2 : i32
    %mul3A_0 = arith.muli %arg1, %mul3A : i32
    %add3A = arith.addi %mul3A_0, %arg0 : i32
    %mul3A_1 = arith.constant 80 : i32
    %mul3A_2 = arith.muli %add3A, %mul3A_1 : i32
    "tpu.region"() ({
      %run_scoped3A_109 = tpu.sem_alloc : memref<!tpu.dma_semaphore, #tpu.memory_space<semaphore_mem>>
      %dma_start3A_110 = arith.constant 0 : i32
      %dma_start3A_111 = tpu.memref_slice %arg2[%mul3A_2, %dma_start3A_110] : memref<2560x128xi32, #tpu.memory_space<hbm>> -> memref<80x128xi32, #tpu.memory_space<hbm>>
      %dma_start3A_112 = arith.constant 0 : i32
      %dma_start3A_113 = tpu.memref_slice %arg2[%mul3A_2, %dma_start3A_112] : memref<2560x128xi32, #tpu.memory_space<hbm>> -> memref<80x128xi32, #tpu.memory_space<hbm>>
      tpu.enqueue_dma source(%dma_start3A_113 : memref<80x128xi32, #tpu.memory_space<hbm>>) target(%arg10 : memref<80x128xi32, #tpu.memory_space<vmem>>) target_semaphore(%run_scoped3A_109 : memref<!tpu.dma_semaphore, #tpu.memory_space<semaphore_mem>>)
      %dma_wait3A_114 = arith.constant 0 : i32
      %dma_wait3A_115 = tpu.memref_slice %arg2[%mul3A_2, %dma_wait3A_114] : memref<2560x128xi32, #tpu.memory_space<hbm>> -> memref<80x128xi32, #tpu.memory_space<hbm>>
      %dma_wait3A_116 = arith.constant 0 : i32
      %dma_wait3A_117 = tpu.memref_slice %arg2[%mul3A_2, %dma_wait3A_116] : memref<2560x128xi32, #tpu.memory_space<hbm>> -> memref<80x128xi32, #tpu.memory_space<hbm>>
      tpu.wait_dma2 semaphore(%run_scoped3A_109 : memref<!tpu.dma_semaphore, #tpu.memory_space<semaphore_mem>>) src(%dma_wait3A_117 : memref<80x128xi32, #tpu.memory_space<hbm>>) dst(%arg10 : memref<80x128xi32, #tpu.memory_space<vmem>>)
      tpu.yield
    }) : () -> ()
    "tpu.region"() ({
      %run_scoped3A_109 = tpu.sem_alloc : memref<!tpu.dma_semaphore, #tpu.memory_space<semaphore_mem>>
      %dma_start3A_110 = arith.constant 0 : i32
      %dma_start3A_111 = tpu.memref_slice %arg3[%mul3A_2, %dma_start3A_110] : memref<2560x128xi32, #tpu.memory_space<hbm>> -> memref<80x128xi32, #tpu.memory_space<hbm>>
      %dma_start3A_112 = arith.constant 0 : i32
      %dma_start3A_113 = tpu.memref_slice %arg3[%mul3A_2, %dma_start3A_112] : memref<2560x128xi32, #tpu.memory_space<hbm>> -> memref<80x128xi32, #tpu.memory_space<hbm>>
      tpu.enqueue_dma source(%dma_start3A_113 : memref<80x128xi32, #tpu.memory_space<hbm>>) target(%arg11 : memref<80x128xi32, #tpu.memory_space<vmem>>) target_semaphore(%run_scoped3A_109 : memref<!tpu.dma_semaphore, #tpu.memory_space<semaphore_mem>>)
      %dma_wait3A_114 = arith.constant 0 : i32
      %dma_wait3A_115 = tpu.memref_slice %arg3[%mul3A_2, %dma_wait3A_114] : memref<2560x128xi32, #tpu.memory_space<hbm>> -> memref<80x128xi32, #tpu.memory_space<hbm>>
      %dma_wait3A_116 = arith.constant 0 : i32
      %dma_wait3A_117 = tpu.memref_slice %arg3[%mul3A_2, %dma_wait3A_116] : memref<2560x128xi32, #tpu.memory_space<hbm>> -> memref<80x128xi32, #tpu.memory_space<hbm>>
      tpu.wait_dma2 semaphore(%run_scoped3A_109 : memref<!tpu.dma_semaphore, #tpu.memory_space<semaphore_mem>>) src(%dma_wait3A_117 : memref<80x128xi32, #tpu.memory_space<hbm>>) dst(%arg11 : memref<80x128xi32, #tpu.memory_space<vmem>>)
      tpu.yield
    }) : () -> ()
    "tpu.region"() ({
      %run_scoped3A_109 = tpu.sem_alloc : memref<!tpu.dma_semaphore, #tpu.memory_space<semaphore_mem>>
      %dma_start3A_110 = arith.constant 0 : i32
      %dma_start3A_111 = tpu.memref_slice %arg4[%mul3A_2, %dma_start3A_110] : memref<2560x128xf32, #tpu.memory_space<hbm>> -> memref<80x128xf32, #tpu.memory_space<hbm>>
      %dma_start3A_112 = arith.constant 0 : i32
      %dma_start3A_113 = tpu.memref_slice %arg4[%mul3A_2, %dma_start3A_112] : memref<2560x128xf32, #tpu.memory_space<hbm>> -> memref<80x128xf32, #tpu.memory_space<hbm>>
      tpu.enqueue_dma source(%dma_start3A_113 : memref<80x128xf32, #tpu.memory_space<hbm>>) target(%arg12 : memref<80x128xf32, #tpu.memory_space<vmem>>) target_semaphore(%run_scoped3A_109 : memref<!tpu.dma_semaphore, #tpu.memory_space<semaphore_mem>>)
      %dma_wait3A_114 = arith.constant 0 : i32
      %dma_wait3A_115 = tpu.memref_slice %arg4[%mul3A_2, %dma_wait3A_114] : memref<2560x128xf32, #tpu.memory_space<hbm>> -> memref<80x128xf32, #tpu.memory_space<hbm>>
      %dma_wait3A_116 = arith.constant 0 : i32
      %dma_wait3A_117 = tpu.memref_slice %arg4[%mul3A_2, %dma_wait3A_116] : memref<2560x128xf32, #tpu.memory_space<hbm>> -> memref<80x128xf32, #tpu.memory_space<hbm>>
      tpu.wait_dma2 semaphore(%run_scoped3A_109 : memref<!tpu.dma_semaphore, #tpu.memory_space<semaphore_mem>>) src(%dma_wait3A_117 : memref<80x128xf32, #tpu.memory_space<hbm>>) dst(%arg12 : memref<80x128xf32, #tpu.memory_space<vmem>>)
      tpu.yield
    }) : () -> ()
    %scan3A = arith.constant 0 : i32
    %scan3A_3 = arith.constant 64 : i32
    %scan3A_4 = arith.addi %scan3A, %scan3A_3 : i32
    %scan3A_5 = arith.constant 1 : i32
    scf.for %scan3A_109 = %scan3A to %scan3A_4 step %scan3A_5  : i32 {
      %broadcast_in_dim3A = arith.constant 0.000000e+00 : f32
      %broadcast_in_dim3A_110 = vector.broadcast %broadcast_in_dim3A : f32 to vector<16xf32>
      %swap3A = arith.index_cast %scan3A_109 : i32 to index
      %swap3A_111 = arith.constant 0 : index
      %swap3A_112 = tpu.vector_load %arg15[%swap3A, %swap3A_111] {strides = array<i32>} : memref<64x48xf32, #tpu.memory_space<vmem>>, vector<16xf32>,
      tpu.vector_store %arg15[%swap3A, %swap3A_111], %broadcast_in_dim3A_110 {strides = array<i32>} : memref<64x48xf32, #tpu.memory_space<vmem>>, vector<16xf32>,
      %broadcast_in_dim3A_113 = arith.constant 0.000000e+00 : f32
      %broadcast_in_dim3A_114 = vector.broadcast %broadcast_in_dim3A_113 : f32 to vector<16xf32>
      %swap3A_115 = arith.index_cast %scan3A_109 : i32 to index
      %swap3A_116 = arith.constant 16 : index
      %swap3A_117 = tpu.vector_load %arg15[%swap3A_115, %swap3A_116] {strides = array<i32>} : memref<64x48xf32, #tpu.memory_space<vmem>>, vector<16xf32>,
      tpu.vector_store %arg15[%swap3A_115, %swap3A_116], %broadcast_in_dim3A_114 {strides = array<i32>} : memref<64x48xf32, #tpu.memory_space<vmem>>, vector<16xf32>,
      %broadcast_in_dim3A_118 = arith.constant 0.000000e+00 : f32
      %broadcast_in_dim3A_119 = vector.broadcast %broadcast_in_dim3A_118 : f32 to vector<16xf32>
      %swap3A_120 = arith.index_cast %scan3A_109 : i32 to index
      %swap3A_121 = arith.constant 32 : index
      %swap3A_122 = tpu.vector_load %arg15[%swap3A_120, %swap3A_121] {strides = array<i32>} : memref<64x48xf32, #tpu.memory_space<vmem>>, vector<16xf32>,
      tpu.vector_store %arg15[%swap3A_120, %swap3A_121], %broadcast_in_dim3A_119 {strides = array<i32>} : memref<64x48xf32, #tpu.memory_space<vmem>>, vector<16xf32>,
    }
    %scan3A_6 = arith.constant 64 : i32
    %scan3A_7 = arith.constant 0 : i32
    %scan3A_8 = arith.constant 10 : i32
    %scan3A_9 = arith.addi %scan3A_7, %scan3A_8 : i32
    %scan3A_10 = arith.constant 1 : i32
    scf.for %scan3A_109 = %scan3A_7 to %scan3A_9 step %scan3A_10  : i32 {
      %mul3A_110 = arith.constant 640 : i32
      %mul3A_111 = arith.muli %arg1, %mul3A_110 : i32
      %mul3A_112 = arith.constant 64 : i32
      %mul3A_113 = arith.muli %scan3A_109, %mul3A_112 : i32
      %add3A_114 = arith.addi %mul3A_111, %mul3A_113 : i32
      "tpu.region"() ({
        %run_scoped3A_115 = tpu.sem_alloc : memref<!tpu.dma_semaphore, #tpu.memory_space<semaphore_mem>>
        %dma_start3A_116 = arith.constant 0 : i32
        %dma_start3A_117 = tpu.memref_slice %arg9[%add3A_114, %dma_start3A_116] : memref<10240x48xf32, #tpu.memory_space<vmem_shared>> -> memref<64x48xf32, #tpu.memory_space<vmem_shared>>
        %dma_start3A_118 = arith.constant 0 : i32
        %dma_start3A_119 = tpu.memref_slice %arg9[%add3A_114, %dma_start3A_118] : memref<10240x48xf32, #tpu.memory_space<vmem_shared>> -> memref<64x48xf32, #tpu.memory_space<vmem_shared>>
        tpu.enqueue_dma source(%arg15 : memref<64x48xf32, #tpu.memory_space<vmem>>) target(%dma_start3A_119 : memref<64x48xf32, #tpu.memory_space<vmem_shared>>) target_semaphore(%run_scoped3A_115 : memref<!tpu.dma_semaphore, #tpu.memory_space<semaphore_mem>>)
        %dma_wait3A_120 = arith.constant 0 : i32
        %dma_wait3A_121 = tpu.memref_slice %arg9[%add3A_114, %dma_wait3A_120] : memref<10240x48xf32, #tpu.memory_space<vmem_shared>> -> memref<64x48xf32, #tpu.memory_space<vmem_shared>>
        %dma_wait3A_122 = arith.constant 0 : i32
        %dma_wait3A_123 = tpu.memref_slice %arg9[%add3A_114, %dma_wait3A_122] : memref<10240x48xf32, #tpu.memory_space<vmem_shared>> -> memref<64x48xf32, #tpu.memory_space<vmem_shared>>
        tpu.wait_dma2 semaphore(%run_scoped3A_115 : memref<!tpu.dma_semaphore, #tpu.memory_space<semaphore_mem>>) src(%arg15 : memref<64x48xf32, #tpu.memory_space<vmem>>) dst(%dma_wait3A_123 : memref<64x48xf32, #tpu.memory_space<vmem_shared>>)
        tpu.yield
      }) : () -> ()
    }
    %scan3A_11 = arith.constant 10 : i32
    %lt3A = arith.constant 15 : i32
    %lt3A_12 = arith.cmpi slt, %arg1, %lt3A : i32
    %convert_element_type3A = arith.extui %lt3A_12 : i1 to i32
    %cond3A = arith.constant 0 : i32
    %cond3A_13 = arith.cmpi ne, %convert_element_type3A, %cond3A : i32
    scf.if %cond3A_13 {
      %mul3A_109 = arith.constant 640 : i32
      %mul3A_110 = arith.muli %arg1, %mul3A_109 : i32
      %mul3A_111 = arith.constant 640 : i32
      %mul3A_112 = arith.muli %arg1, %mul3A_111 : i32
      "tpu.region"() ({
        %run_scoped3A_113 = tpu.sem_alloc : memref<!tpu.dma_semaphore, #tpu.memory_space<semaphore_mem>>
        %dma_start3A_114 = arith.constant 0 : i32
        %dma_start3A_115 = tpu.memref_slice %arg8[%mul3A_112, %dma_start3A_114] : memref<10240x48xf32, #tpu.memory_space<vmem_shared>> -> memref<640x48xf32, #tpu.memory_space<vmem_shared>>
        %dma_start3A_116 = arith.constant 0 : i32
        %dma_start3A_117 = tpu.memref_slice %arg5[%mul3A_110, %dma_start3A_116] : memref<10000x48xf32, #tpu.memory_space<hbm>> -> memref<640x48xf32, #tpu.memory_space<hbm>>
        tpu.enqueue_dma source(%dma_start3A_117 : memref<640x48xf32, #tpu.memory_space<hbm>>) target(%dma_start3A_115 : memref<640x48xf32, #tpu.memory_space<vmem_shared>>) target_semaphore(%run_scoped3A_113 : memref<!tpu.dma_semaphore, #tpu.memory_space<semaphore_mem>>)
        %dma_wait3A_118 = arith.constant 0 : i32
        %dma_wait3A_119 = tpu.memref_slice %arg8[%mul3A_112, %dma_wait3A_118] : memref<10240x48xf32, #tpu.memory_space<vmem_shared>> -> memref<640x48xf32, #tpu.memory_space<vmem_shared>>
        %dma_wait3A_120 = arith.constant 0 : i32
        %dma_wait3A_121 = tpu.memref_slice %arg5[%mul3A_110, %dma_wait3A_120] : memref<10000x48xf32, #tpu.memory_space<hbm>> -> memref<640x48xf32, #tpu.memory_space<hbm>>
        tpu.wait_dma2 semaphore(%run_scoped3A_113 : memref<!tpu.dma_semaphore, #tpu.memory_space<semaphore_mem>>) src(%dma_wait3A_121 : memref<640x48xf32, #tpu.memory_space<hbm>>) dst(%dma_wait3A_119 : memref<640x48xf32, #tpu.memory_space<vmem_shared>>)
        tpu.yield
      }) : () -> ()
    } else {
    }
    %eq3A = arith.constant 15 : i32
    %eq3A_14 = arith.cmpi eq, %arg1, %eq3A : i32
    %convert_element_type3A_15 = arith.extui %eq3A_14 : i1 to i32
    %cond3A_16 = arith.constant 0 : i32
    %cond3A_17 = arith.cmpi ne, %convert_element_type3A_15, %cond3A_16 : i32
    scf.if %cond3A_17 {
      "tpu.region"() ({
        %run_scoped3A_109 = tpu.sem_alloc : memref<!tpu.dma_semaphore, #tpu.memory_space<semaphore_mem>>
        %dma_start3A_110 = arith.constant 9600 : i32
        %dma_start3A_111 = arith.constant 0 : i32
        %dma_start3A_112 = tpu.memref_slice %arg8[%dma_start3A_110, %dma_start3A_111] : memref<10240x48xf32, #tpu.memory_space<vmem_shared>> -> memref<400x48xf32, #tpu.memory_space<vmem_shared>>
        %dma_start3A_113 = arith.constant 9600 : i32
        %dma_start3A_114 = arith.constant 0 : i32
        %dma_start3A_115 = tpu.memref_slice %arg5[%dma_start3A_113, %dma_start3A_114] : memref<10000x48xf32, #tpu.memory_space<hbm>> -> memref<400x48xf32, #tpu.memory_space<hbm>>
        tpu.enqueue_dma source(%dma_start3A_115 : memref<400x48xf32, #tpu.memory_space<hbm>>) target(%dma_start3A_112 : memref<400x48xf32, #tpu.memory_space<vmem_shared>>) target_semaphore(%run_scoped3A_109 : memref<!tpu.dma_semaphore, #tpu.memory_space<semaphore_mem>>)
        %dma_wait3A_116 = arith.constant 9600 : i32
        %dma_wait3A_117 = arith.constant 0 : i32
        %dma_wait3A_118 = tpu.memref_slice %arg8[%dma_wait3A_116, %dma_wait3A_117] : memref<10240x48xf32, #tpu.memory_space<vmem_shared>> -> memref<400x48xf32, #tpu.memory_space<vmem_shared>>
        %dma_wait3A_119 = arith.constant 9600 : i32
        %dma_wait3A_120 = arith.constant 0 : i32
        %dma_wait3A_121 = tpu.memref_slice %arg5[%dma_wait3A_119, %dma_wait3A_120] : memref<10000x48xf32, #tpu.memory_space<hbm>> -> memref<400x48xf32, #tpu.memory_space<hbm>>
        tpu.wait_dma2 semaphore(%run_scoped3A_109 : memref<!tpu.dma_semaphore, #tpu.memory_space<semaphore_mem>>) src(%dma_wait3A_121 : memref<400x48xf32, #tpu.memory_space<hbm>>) dst(%dma_wait3A_118 : memref<400x48xf32, #tpu.memory_space<vmem_shared>>)
        tpu.yield
      }) : () -> ()
    } else {
    }
    %barrier3A = arith.constant 0 : index
    tpu.barrier barrier_id(%barrier3A)
    %dma_start3A = arith.constant 0 : i32
    %dma_start3A_18 = arith.constant 0 : i32
    %dma_start3A_19 = tpu.memref_slice %arg10[%dma_start3A, %dma_start3A_18] : memref<80x128xi32, #tpu.memory_space<vmem>> -> memref<1x128xi32, #tpu.memory_space<vmem>>
    %dma_start3A_20 = tpu.memref_squeeze %dma_start3A_19 : memref<1x128xi32, #tpu.memory_space<vmem>> -> memref<128xi32, #tpu.memory_space<vmem>>
    %dma_start3A_21 = arith.constant 0 : i32
    %dma_start3A_22 = arith.constant 0 : i32
    %dma_start3A_23 = tpu.memref_slice %arg8[%dma_start3A_21, %dma_start3A_22] : memref<10240x48xf32, #tpu.memory_space<vmem_shared>> -> memref<10240x48xf32, #tpu.memory_space<vmem_shared>>
    tpu.enqueue_indirect_dma source(%dma_start3A_23 : memref<10240x48xf32, #tpu.memory_space<vmem_shared>>) target(%arg13 : memref<128x48xf32, #tpu.memory_space<vmem>>) offsets(%dma_start3A_20 : memref<128xi32, #tpu.memory_space<vmem>>) semaphore(%arg16 : memref<!tpu.dma_semaphore, #tpu.memory_space<semaphore_mem>>)
    %dma_start3A_24 = arith.constant 1 : i32
    %dma_start3A_25 = arith.constant 0 : i32
    %dma_start3A_26 = tpu.memref_slice %arg10[%dma_start3A_24, %dma_start3A_25] : memref<80x128xi32, #tpu.memory_space<vmem>> -> memref<1x128xi32, #tpu.memory_space<vmem>>
    %dma_start3A_27 = tpu.memref_squeeze %dma_start3A_26 : memref<1x128xi32, #tpu.memory_space<vmem>> -> memref<128xi32, #tpu.memory_space<vmem>>
    %dma_start3A_28 = arith.constant 0 : i32
    %dma_start3A_29 = arith.constant 0 : i32
    %dma_start3A_30 = tpu.memref_slice %arg8[%dma_start3A_28, %dma_start3A_29] : memref<10240x48xf32, #tpu.memory_space<vmem_shared>> -> memref<10240x48xf32, #tpu.memory_space<vmem_shared>>
    tpu.enqueue_indirect_dma source(%dma_start3A_30 : memref<10240x48xf32, #tpu.memory_space<vmem_shared>>) target(%arg14 : memref<128x48xf32, #tpu.memory_space<vmem>>) offsets(%dma_start3A_27 : memref<128xi32, #tpu.memory_space<vmem>>) semaphore(%arg17 : memref<!tpu.dma_semaphore, #tpu.memory_space<semaphore_mem>>)
    %scan3A_31 = arith.constant 0 : i32
    %scan3A_32 = arith.constant 40 : i32
    %scan3A_33 = arith.addi %scan3A_31, %scan3A_32 : i32
    %scan3A_34 = arith.constant 1 : i32
    scf.for %scan3A_109 = %scan3A_31 to %scan3A_33 step %scan3A_34  : i32 {
      %mul3A_110 = arith.constant 2 : i32
      %mul3A_111 = arith.muli %scan3A_109, %mul3A_110 : i32
      %add3A_112 = arith.constant 1 : i32
      %add3A_113 = arith.addi %mul3A_111, %add3A_112 : i32
      %dma_wait3A_114 = arith.constant 0 : i32
      %dma_wait3A_115 = tpu.memref_slice %arg10[%mul3A_111, %dma_wait3A_114] : memref<80x128xi32, #tpu.memory_space<vmem>> -> memref<1x128xi32, #tpu.memory_space<vmem>>
      %dma_wait3A_116 = tpu.memref_squeeze %dma_wait3A_115 : memref<1x128xi32, #tpu.memory_space<vmem>> -> memref<128xi32, #tpu.memory_space<vmem>>
      %dma_wait3A_117 = arith.constant 0 : i32
      %dma_wait3A_118 = arith.constant 0 : i32
      %dma_wait3A_119 = tpu.memref_slice %arg8[%dma_wait3A_117, %dma_wait3A_118] : memref<10240x48xf32, #tpu.memory_space<vmem_shared>> -> memref<10240x48xf32, #tpu.memory_space<vmem_shared>>
      tpu.wait_indirect_dma semaphore(%arg16 : memref<!tpu.dma_semaphore, #tpu.memory_space<semaphore_mem>>) src(%dma_wait3A_119 : memref<10240x48xf32, #tpu.memory_space<vmem_shared>>) dst(%arg13 : memref<128x48xf32, #tpu.memory_space<vmem>>)
      %scan3A_120 = arith.constant 0 : i32
      %scan3A_121 = arith.constant 16 : i32
      %scan3A_122 = arith.addi %scan3A_120, %scan3A_121 : i32
      %scan3A_123 = arith.constant 1 : i32
      scf.for %scan3A_155 = %scan3A_120 to %scan3A_122 step %scan3A_123  : i32 {
        %mul3A_156 = arith.constant 8 : i32
        %mul3A_157 = arith.muli %scan3A_155, %mul3A_156 : i32
        %add3A_158 = arith.constant 0 : i32
        %add3A_159 = arith.addi %mul3A_157, %add3A_158 : i32
        %broadcast_in_dim3A = vector.broadcast %mul3A_111 : i32 to vector<16xi32>
        %broadcast_in_dim3A_160 = vector.broadcast %add3A_159 : i32 to vector<16xi32>
        %gather3A = tpu.vector_load_idx %arg12[%broadcast_in_dim3A, %broadcast_in_dim3A_160] : memref<80x128xf32, #tpu.memory_space<vmem>>[vector<16xi32>, vector<16xi32>], vector<16xf32>,
        %get3A = arith.index_cast %add3A_159 : i32 to index
        %get3A_161 = arith.constant 0 : index
        %get3A_162 = tpu.vector_load %arg13[%get3A, %get3A_161] {strides = array<i32>} : memref<128x48xf32, #tpu.memory_space<vmem>>, vector<16xf32>,
        %mul3A_163 = arith.mulf %get3A_162, %gather3A : vector<16xf32>
        %swap3A = arith.index_cast %add3A_159 : i32 to index
        %swap3A_164 = arith.constant 0 : index
        %swap3A_165 = tpu.vector_load %arg13[%swap3A, %swap3A_164] {strides = array<i32>} : memref<128x48xf32, #tpu.memory_space<vmem>>, vector<16xf32>,
        tpu.vector_store %arg13[%swap3A, %swap3A_164], %mul3A_163 {strides = array<i32>} : memref<128x48xf32, #tpu.memory_space<vmem>>, vector<16xf32>,
        %get3A_166 = arith.index_cast %add3A_159 : i32 to index
        %get3A_167 = arith.constant 16 : index
        %get3A_168 = tpu.vector_load %arg13[%get3A_166, %get3A_167] {strides = array<i32>} : memref<128x48xf32, #tpu.memory_space<vmem>>, vector<16xf32>,
        %mul3A_169 = arith.mulf %get3A_168, %gather3A : vector<16xf32>
        %swap3A_170 = arith.index_cast %add3A_159 : i32 to index
        %swap3A_171 = arith.constant 16 : index
        %swap3A_172 = tpu.vector_load %arg13[%swap3A_170, %swap3A_171] {strides = array<i32>} : memref<128x48xf32, #tpu.memory_space<vmem>>, vector<16xf32>,
        tpu.vector_store %arg13[%swap3A_170, %swap3A_171], %mul3A_169 {strides = array<i32>} : memref<128x48xf32, #tpu.memory_space<vmem>>, vector<16xf32>,
        %get3A_173 = arith.index_cast %add3A_159 : i32 to index
        %get3A_174 = arith.constant 32 : index
        %get3A_175 = tpu.vector_load %arg13[%get3A_173, %get3A_174] {strides = array<i32>} : memref<128x48xf32, #tpu.memory_space<vmem>>, vector<16xf32>,
        %mul3A_176 = arith.mulf %get3A_175, %gather3A : vector<16xf32>
        %swap3A_177 = arith.index_cast %add3A_159 : i32 to index
        %swap3A_178 = arith.constant 32 : index
        %swap3A_179 = tpu.vector_load %arg13[%swap3A_177, %swap3A_178] {strides = array<i32>} : memref<128x48xf32, #tpu.memory_space<vmem>>, vector<16xf32>,
        tpu.vector_store %arg13[%swap3A_177, %swap3A_178], %mul3A_176 {strides = array<i32>} : memref<128x48xf32, #tpu.memory_space<vmem>>, vector<16xf32>,
        %mul3A_180 = arith.constant 8 : i32
        %mul3A_181 = arith.muli %scan3A_155, %mul3A_180 : i32
        %add3A_182 = arith.constant 1 : i32
        %add3A_183 = arith.addi %mul3A_181, %add3A_182 : i32
        %broadcast_in_dim3A_184 = vector.broadcast %mul3A_111 : i32 to vector<16xi32>
        %broadcast_in_dim3A_185 = vector.broadcast %add3A_183 : i32 to vector<16xi32>
        %gather3A_186 = tpu.vector_load_idx %arg12[%broadcast_in_dim3A_184, %broadcast_in_dim3A_185] : memref<80x128xf32, #tpu.memory_space<vmem>>[vector<16xi32>, vector<16xi32>], vector<16xf32>,
        %get3A_187 = arith.index_cast %add3A_183 : i32 to index
        %get3A_188 = arith.constant 0 : index
        %get3A_189 = tpu.vector_load %arg13[%get3A_187, %get3A_188] {strides = array<i32>} : memref<128x48xf32, #tpu.memory_space<vmem>>, vector<16xf32>,
        %mul3A_190 = arith.mulf %get3A_189, %gather3A_186 : vector<16xf32>
        %swap3A_191 = arith.index_cast %add3A_183 : i32 to index
        %swap3A_192 = arith.constant 0 : index
        %swap3A_193 = tpu.vector_load %arg13[%swap3A_191, %swap3A_192] {strides = array<i32>} : memref<128x48xf32, #tpu.memory_space<vmem>>, vector<16xf32>,
        tpu.vector_store %arg13[%swap3A_191, %swap3A_192], %mul3A_190 {strides = array<i32>} : memref<128x48xf32, #tpu.memory_space<vmem>>, vector<16xf32>,
        %get3A_194 = arith.index_cast %add3A_183 : i32 to index
        %get3A_195 = arith.constant 16 : index
        %get3A_196 = tpu.vector_load %arg13[%get3A_194, %get3A_195] {strides = array<i32>} : memref<128x48xf32, #tpu.memory_space<vmem>>, vector<16xf32>,
        %mul3A_197 = arith.mulf %get3A_196, %gather3A_186 : vector<16xf32>
        %swap3A_198 = arith.index_cast %add3A_183 : i32 to index
        %swap3A_199 = arith.constant 16 : index
        %swap3A_200 = tpu.vector_load %arg13[%swap3A_198, %swap3A_199] {strides = array<i32>} : memref<128x48xf32, #tpu.memory_space<vmem>>, vector<16xf32>,
        tpu.vector_store %arg13[%swap3A_198, %swap3A_199], %mul3A_197 {strides = array<i32>} : memref<128x48xf32, #tpu.memory_space<vmem>>, vector<16xf32>,
        %get3A_201 = arith.index_cast %add3A_183 : i32 to index
        %get3A_202 = arith.constant 32 : index
        %get3A_203 = tpu.vector_load %arg13[%get3A_201, %get3A_202] {strides = array<i32>} : memref<128x48xf32, #tpu.memory_space<vmem>>, vector<16xf32>,
        %mul3A_204 = arith.mulf %get3A_203, %gather3A_186 : vector<16xf32>
        %swap3A_205 = arith.index_cast %add3A_183 : i32 to index
        %swap3A_206 = arith.constant 32 : index
        %swap3A_207 = tpu.vector_load %arg13[%swap3A_205, %swap3A_206] {strides = array<i32>} : memref<128x48xf32, #tpu.memory_space<vmem>>, vector<16xf32>,
        tpu.vector_store %arg13[%swap3A_205, %swap3A_206], %mul3A_204 {strides = array<i32>} : memref<128x48xf32, #tpu.memory_space<vmem>>, vector<16xf32>,
        %mul3A_208 = arith.constant 8 : i32
        %mul3A_209 = arith.muli %scan3A_155, %mul3A_208 : i32
        %add3A_210 = arith.constant 2 : i32
        %add3A_211 = arith.addi %mul3A_209, %add3A_210 : i32
        %broadcast_in_dim3A_212 = vector.broadcast %mul3A_111 : i32 to vector<16xi32>
        %broadcast_in_dim3A_213 = vector.broadcast %add3A_211 : i32 to vector<16xi32>
        %gather3A_214 = tpu.vector_load_idx %arg12[%broadcast_in_dim3A_212, %broadcast_in_dim3A_213] : memref<80x128xf32, #tpu.memory_space<vmem>>[vector<16xi32>, vector<16xi32>], vector<16xf32>,
        %get3A_215 = arith.index_cast %add3A_211 : i32 to index
        %get3A_216 = arith.constant 0 : index
        %get3A_217 = tpu.vector_load %arg13[%get3A_215, %get3A_216] {strides = array<i32>} : memref<128x48xf32, #tpu.memory_space<vmem>>, vector<16xf32>,
        %mul3A_218 = arith.mulf %get3A_217, %gather3A_214 : vector<16xf32>
        %swap3A_219 = arith.index_cast %add3A_211 : i32 to index
        %swap3A_220 = arith.constant 0 : index
        %swap3A_221 = tpu.vector_load %arg13[%swap3A_219, %swap3A_220] {strides = array<i32>} : memref<128x48xf32, #tpu.memory_space<vmem>>, vector<16xf32>,
        tpu.vector_store %arg13[%swap3A_219, %swap3A_220], %mul3A_218 {strides = array<i32>} : memref<128x48xf32, #tpu.memory_space<vmem>>, vector<16xf32>,
        %get3A_222 = arith.index_cast %add3A_211 : i32 to index
        %get3A_223 = arith.constant 16 : index
        %get3A_224 = tpu.vector_load %arg13[%get3A_222, %get3A_223] {strides = array<i32>} : memref<128x48xf32, #tpu.memory_space<vmem>>, vector<16xf32>,
        %mul3A_225 = arith.mulf %get3A_224, %gather3A_214 : vector<16xf32>
        %swap3A_226 = arith.index_cast %add3A_211 : i32 to index
        %swap3A_227 = arith.constant 16 : index
        %swap3A_228 = tpu.vector_load %arg13[%swap3A_226, %swap3A_227] {strides = array<i32>} : memref<128x48xf32, #tpu.memory_space<vmem>>, vector<16xf32>,
        tpu.vector_store %arg13[%swap3A_226, %swap3A_227], %mul3A_225 {strides = array<i32>} : memref<128x48xf32, #tpu.memory_space<vmem>>, vector<16xf32>,
        %get3A_229 = arith.index_cast %add3A_211 : i32 to index
        %get3A_230 = arith.constant 32 : index
        %get3A_231 = tpu.vector_load %arg13[%get3A_229, %get3A_230] {strides = array<i32>} : memref<128x48xf32, #tpu.memory_space<vmem>>, vector<16xf32>,
        %mul3A_232 = arith.mulf %get3A_231, %gather3A_214 : vector<16xf32>
        %swap3A_233 = arith.index_cast %add3A_211 : i32 to index
        %swap3A_234 = arith.constant 32 : index
        %swap3A_235 = tpu.vector_load %arg13[%swap3A_233, %swap3A_234] {strides = array<i32>} : memref<128x48xf32, #tpu.memory_space<vmem>>, vector<16xf32>,
        tpu.vector_store %arg13[%swap3A_233, %swap3A_234], %mul3A_232 {strides = array<i32>} : memref<128x48xf32, #tpu.memory_space<vmem>>, vector<16xf32>,
        %mul3A_236 = arith.constant 8 : i32
        %mul3A_237 = arith.muli %scan3A_155, %mul3A_236 : i32
        %add3A_238 = arith.constant 3 : i32
        %add3A_239 = arith.addi %mul3A_237, %add3A_238 : i32
        %broadcast_in_dim3A_240 = vector.broadcast %mul3A_111 : i32 to vector<16xi32>
        %broadcast_in_dim3A_241 = vector.broadcast %add3A_239 : i32 to vector<16xi32>
        %gather3A_242 = tpu.vector_load_idx %arg12[%broadcast_in_dim3A_240, %broadcast_in_dim3A_241] : memref<80x128xf32, #tpu.memory_space<vmem>>[vector<16xi32>, vector<16xi32>], vector<16xf32>,
        %get3A_243 = arith.index_cast %add3A_239 : i32 to index
        %get3A_244 = arith.constant 0 : index
        %get3A_245 = tpu.vector_load %arg13[%get3A_243, %get3A_244] {strides = array<i32>} : memref<128x48xf32, #tpu.memory_space<vmem>>, vector<16xf32>,
        %mul3A_246 = arith.mulf %get3A_245, %gather3A_242 : vector<16xf32>
        %swap3A_247 = arith.index_cast %add3A_239 : i32 to index
        %swap3A_248 = arith.constant 0 : index
        %swap3A_249 = tpu.vector_load %arg13[%swap3A_247, %swap3A_248] {strides = array<i32>} : memref<128x48xf32, #tpu.memory_space<vmem>>, vector<16xf32>,
        tpu.vector_store %arg13[%swap3A_247, %swap3A_248], %mul3A_246 {strides = array<i32>} : memref<128x48xf32, #tpu.memory_space<vmem>>, vector<16xf32>,
        %get3A_250 = arith.index_cast %add3A_239 : i32 to index
        %get3A_251 = arith.constant 16 : index
        %get3A_252 = tpu.vector_load %arg13[%get3A_250, %get3A_251] {strides = array<i32>} : memref<128x48xf32, #tpu.memory_space<vmem>>, vector<16xf32>,
        %mul3A_253 = arith.mulf %get3A_252, %gather3A_242 : vector<16xf32>
        %swap3A_254 = arith.index_cast %add3A_239 : i32 to index
        %swap3A_255 = arith.constant 16 : index
        %swap3A_256 = tpu.vector_load %arg13[%swap3A_254, %swap3A_255] {strides = array<i32>} : memref<128x48xf32, #tpu.memory_space<vmem>>, vector<16xf32>,
        tpu.vector_store %arg13[%swap3A_254, %swap3A_255], %mul3A_253 {strides = array<i32>} : memref<128x48xf32, #tpu.memory_space<vmem>>, vector<16xf32>,
        %get3A_257 = arith.index_cast %add3A_239 : i32 to index
        %get3A_258 = arith.constant 32 : index
        %get3A_259 = tpu.vector_load %arg13[%get3A_257, %get3A_258] {strides = array<i32>} : memref<128x48xf32, #tpu.memory_space<vmem>>, vector<16xf32>,
        %mul3A_260 = arith.mulf %get3A_259, %gather3A_242 : vector<16xf32>
        %swap3A_261 = arith.index_cast %add3A_239 : i32 to index
        %swap3A_262 = arith.constant 32 : index
        %swap3A_263 = tpu.vector_load %arg13[%swap3A_261, %swap3A_262] {strides = array<i32>} : memref<128x48xf32, #tpu.memory_space<vmem>>, vector<16xf32>,
        tpu.vector_store %arg13[%swap3A_261, %swap3A_262], %mul3A_260 {strides = array<i32>} : memref<128x48xf32, #tpu.memory_space<vmem>>, vector<16xf32>,
        %mul3A_264 = arith.constant 8 : i32
        %mul3A_265 = arith.muli %scan3A_155, %mul3A_264 : i32
        %add3A_266 = arith.constant 4 : i32
        %add3A_267 = arith.addi %mul3A_265, %add3A_266 : i32
        %broadcast_in_dim3A_268 = vector.broadcast %mul3A_111 : i32 to vector<16xi32>
        %broadcast_in_dim3A_269 = vector.broadcast %add3A_267 : i32 to vector<16xi32>
        %gather3A_270 = tpu.vector_load_idx %arg12[%broadcast_in_dim3A_268, %broadcast_in_dim3A_269] : memref<80x128xf32, #tpu.memory_space<vmem>>[vector<16xi32>, vector<16xi32>], vector<16xf32>,
        %get3A_271 = arith.index_cast %add3A_267 : i32 to index
        %get3A_272 = arith.constant 0 : index
        %get3A_273 = tpu.vector_load %arg13[%get3A_271, %get3A_272] {strides = array<i32>} : memref<128x48xf32, #tpu.memory_space<vmem>>, vector<16xf32>,
        %mul3A_274 = arith.mulf %get3A_273, %gather3A_270 : vector<16xf32>
        %swap3A_275 = arith.index_cast %add3A_267 : i32 to index
        %swap3A_276 = arith.constant 0 : index
        %swap3A_277 = tpu.vector_load %arg13[%swap3A_275, %swap3A_276] {strides = array<i32>} : memref<128x48xf32, #tpu.memory_space<vmem>>, vector<16xf32>,
        tpu.vector_store %arg13[%swap3A_275, %swap3A_276], %mul3A_274 {strides = array<i32>} : memref<128x48xf32, #tpu.memory_space<vmem>>, vector<16xf32>,
        %get3A_278 = arith.index_cast %add3A_267 : i32 to index
        %get3A_279 = arith.constant 16 : index
        %get3A_280 = tpu.vector_load %arg13[%get3A_278, %get3A_279] {strides = array<i32>} : memref<128x48xf32, #tpu.memory_space<vmem>>, vector<16xf32>,
        %mul3A_281 = arith.mulf %get3A_280, %gather3A_270 : vector<16xf32>
        %swap3A_282 = arith.index_cast %add3A_267 : i32 to index
        %swap3A_283 = arith.constant 16 : index
        %swap3A_284 = tpu.vector_load %arg13[%swap3A_282, %swap3A_283] {strides = array<i32>} : memref<128x48xf32, #tpu.memory_space<vmem>>, vector<16xf32>,
        tpu.vector_store %arg13[%swap3A_282, %swap3A_283], %mul3A_281 {strides = array<i32>} : memref<128x48xf32, #tpu.memory_space<vmem>>, vector<16xf32>,
        %get3A_285 = arith.index_cast %add3A_267 : i32 to index
        %get3A_286 = arith.constant 32 : index
        %get3A_287 = tpu.vector_load %arg13[%get3A_285, %get3A_286] {strides = array<i32>} : memref<128x48xf32, #tpu.memory_space<vmem>>, vector<16xf32>,
        %mul3A_288 = arith.mulf %get3A_287, %gather3A_270 : vector<16xf32>
        %swap3A_289 = arith.index_cast %add3A_267 : i32 to index
        %swap3A_290 = arith.constant 32 : index
        %swap3A_291 = tpu.vector_load %arg13[%swap3A_289, %swap3A_290] {strides = array<i32>} : memref<128x48xf32, #tpu.memory_space<vmem>>, vector<16xf32>,
        tpu.vector_store %arg13[%swap3A_289, %swap3A_290], %mul3A_288 {strides = array<i32>} : memref<128x48xf32, #tpu.memory_space<vmem>>, vector<16xf32>,
        %mul3A_292 = arith.constant 8 : i32
        %mul3A_293 = arith.muli %scan3A_155, %mul3A_292 : i32
        %add3A_294 = arith.constant 5 : i32
        %add3A_295 = arith.addi %mul3A_293, %add3A_294 : i32
        %broadcast_in_dim3A_296 = vector.broadcast %mul3A_111 : i32 to vector<16xi32>
        %broadcast_in_dim3A_297 = vector.broadcast %add3A_295 : i32 to vector<16xi32>
        %gather3A_298 = tpu.vector_load_idx %arg12[%broadcast_in_dim3A_296, %broadcast_in_dim3A_297] : memref<80x128xf32, #tpu.memory_space<vmem>>[vector<16xi32>, vector<16xi32>], vector<16xf32>,
        %get3A_299 = arith.index_cast %add3A_295 : i32 to index
        %get3A_300 = arith.constant 0 : index
        %get3A_301 = tpu.vector_load %arg13[%get3A_299, %get3A_300] {strides = array<i32>} : memref<128x48xf32, #tpu.memory_space<vmem>>, vector<16xf32>,
        %mul3A_302 = arith.mulf %get3A_301, %gather3A_298 : vector<16xf32>
        %swap3A_303 = arith.index_cast %add3A_295 : i32 to index
        %swap3A_304 = arith.constant 0 : index
        %swap3A_305 = tpu.vector_load %arg13[%swap3A_303, %swap3A_304] {strides = array<i32>} : memref<128x48xf32, #tpu.memory_space<vmem>>, vector<16xf32>,
        tpu.vector_store %arg13[%swap3A_303, %swap3A_304], %mul3A_302 {strides = array<i32>} : memref<128x48xf32, #tpu.memory_space<vmem>>, vector<16xf32>,
        %get3A_306 = arith.index_cast %add3A_295 : i32 to index
        %get3A_307 = arith.constant 16 : index
        %get3A_308 = tpu.vector_load %arg13[%get3A_306, %get3A_307] {strides = array<i32>} : memref<128x48xf32, #tpu.memory_space<vmem>>, vector<16xf32>,
        %mul3A_309 = arith.mulf %get3A_308, %gather3A_298 : vector<16xf32>
        %swap3A_310 = arith.index_cast %add3A_295 : i32 to index
        %swap3A_311 = arith.constant 16 : index
        %swap3A_312 = tpu.vector_load %arg13[%swap3A_310, %swap3A_311] {strides = array<i32>} : memref<128x48xf32, #tpu.memory_space<vmem>>, vector<16xf32>,
        tpu.vector_store %arg13[%swap3A_310, %swap3A_311], %mul3A_309 {strides = array<i32>} : memref<128x48xf32, #tpu.memory_space<vmem>>, vector<16xf32>,
        %get3A_313 = arith.index_cast %add3A_295 : i32 to index
        %get3A_314 = arith.constant 32 : index
        %get3A_315 = tpu.vector_load %arg13[%get3A_313, %get3A_314] {strides = array<i32>} : memref<128x48xf32, #tpu.memory_space<vmem>>, vector<16xf32>,
        %mul3A_316 = arith.mulf %get3A_315, %gather3A_298 : vector<16xf32>
        %swap3A_317 = arith.index_cast %add3A_295 : i32 to index
        %swap3A_318 = arith.constant 32 : index
        %swap3A_319 = tpu.vector_load %arg13[%swap3A_317, %swap3A_318] {strides = array<i32>} : memref<128x48xf32, #tpu.memory_space<vmem>>, vector<16xf32>,
        tpu.vector_store %arg13[%swap3A_317, %swap3A_318], %mul3A_316 {strides = array<i32>} : memref<128x48xf32, #tpu.memory_space<vmem>>, vector<16xf32>,
        %mul3A_320 = arith.constant 8 : i32
        %mul3A_321 = arith.muli %scan3A_155, %mul3A_320 : i32
        %add3A_322 = arith.constant 6 : i32
        %add3A_323 = arith.addi %mul3A_321, %add3A_322 : i32
        %broadcast_in_dim3A_324 = vector.broadcast %mul3A_111 : i32 to vector<16xi32>
        %broadcast_in_dim3A_325 = vector.broadcast %add3A_323 : i32 to vector<16xi32>
        %gather3A_326 = tpu.vector_load_idx %arg12[%broadcast_in_dim3A_324, %broadcast_in_dim3A_325] : memref<80x128xf32, #tpu.memory_space<vmem>>[vector<16xi32>, vector<16xi32>], vector<16xf32>,
        %get3A_327 = arith.index_cast %add3A_323 : i32 to index
        %get3A_328 = arith.constant 0 : index
        %get3A_329 = tpu.vector_load %arg13[%get3A_327, %get3A_328] {strides = array<i32>} : memref<128x48xf32, #tpu.memory_space<vmem>>, vector<16xf32>,
        %mul3A_330 = arith.mulf %get3A_329, %gather3A_326 : vector<16xf32>
        %swap3A_331 = arith.index_cast %add3A_323 : i32 to index
        %swap3A_332 = arith.constant 0 : index
        %swap3A_333 = tpu.vector_load %arg13[%swap3A_331, %swap3A_332] {strides = array<i32>} : memref<128x48xf32, #tpu.memory_space<vmem>>, vector<16xf32>,
        tpu.vector_store %arg13[%swap3A_331, %swap3A_332], %mul3A_330 {strides = array<i32>} : memref<128x48xf32, #tpu.memory_space<vmem>>, vector<16xf32>,
        %get3A_334 = arith.index_cast %add3A_323 : i32 to index
        %get3A_335 = arith.constant 16 : index
        %get3A_336 = tpu.vector_load %arg13[%get3A_334, %get3A_335] {strides = array<i32>} : memref<128x48xf32, #tpu.memory_space<vmem>>, vector<16xf32>,
        %mul3A_337 = arith.mulf %get3A_336, %gather3A_326 : vector<16xf32>
        %swap3A_338 = arith.index_cast %add3A_323 : i32 to index
        %swap3A_339 = arith.constant 16 : index
        %swap3A_340 = tpu.vector_load %arg13[%swap3A_338, %swap3A_339] {strides = array<i32>} : memref<128x48xf32, #tpu.memory_space<vmem>>, vector<16xf32>,
        tpu.vector_store %arg13[%swap3A_338, %swap3A_339], %mul3A_337 {strides = array<i32>} : memref<128x48xf32, #tpu.memory_space<vmem>>, vector<16xf32>,
        %get3A_341 = arith.index_cast %add3A_323 : i32 to index
        %get3A_342 = arith.constant 32 : index
        %get3A_343 = tpu.vector_load %arg13[%get3A_341, %get3A_342] {strides = array<i32>} : memref<128x48xf32, #tpu.memory_space<vmem>>, vector<16xf32>,
        %mul3A_344 = arith.mulf %get3A_343, %gather3A_326 : vector<16xf32>
        %swap3A_345 = arith.index_cast %add3A_323 : i32 to index
        %swap3A_346 = arith.constant 32 : index
        %swap3A_347 = tpu.vector_load %arg13[%swap3A_345, %swap3A_346] {strides = array<i32>} : memref<128x48xf32, #tpu.memory_space<vmem>>, vector<16xf32>,
        tpu.vector_store %arg13[%swap3A_345, %swap3A_346], %mul3A_344 {strides = array<i32>} : memref<128x48xf32, #tpu.memory_space<vmem>>, vector<16xf32>,
        %mul3A_348 = arith.constant 8 : i32
        %mul3A_349 = arith.muli %scan3A_155, %mul3A_348 : i32
        %add3A_350 = arith.constant 7 : i32
        %add3A_351 = arith.addi %mul3A_349, %add3A_350 : i32
        %broadcast_in_dim3A_352 = vector.broadcast %mul3A_111 : i32 to vector<16xi32>
        %broadcast_in_dim3A_353 = vector.broadcast %add3A_351 : i32 to vector<16xi32>
        %gather3A_354 = tpu.vector_load_idx %arg12[%broadcast_in_dim3A_352, %broadcast_in_dim3A_353] : memref<80x128xf32, #tpu.memory_space<vmem>>[vector<16xi32>, vector<16xi32>], vector<16xf32>,
        %get3A_355 = arith.index_cast %add3A_351 : i32 to index
        %get3A_356 = arith.constant 0 : index
        %get3A_357 = tpu.vector_load %arg13[%get3A_355, %get3A_356] {strides = array<i32>} : memref<128x48xf32, #tpu.memory_space<vmem>>, vector<16xf32>,
        %mul3A_358 = arith.mulf %get3A_357, %gather3A_354 : vector<16xf32>
        %swap3A_359 = arith.index_cast %add3A_351 : i32 to index
        %swap3A_360 = arith.constant 0 : index
        %swap3A_361 = tpu.vector_load %arg13[%swap3A_359, %swap3A_360] {strides = array<i32>} : memref<128x48xf32, #tpu.memory_space<vmem>>, vector<16xf32>,
        tpu.vector_store %arg13[%swap3A_359, %swap3A_360], %mul3A_358 {strides = array<i32>} : memref<128x48xf32, #tpu.memory_space<vmem>>, vector<16xf32>,
        %get3A_362 = arith.index_cast %add3A_351 : i32 to index
        %get3A_363 = arith.constant 16 : index
        %get3A_364 = tpu.vector_load %arg13[%get3A_362, %get3A_363] {strides = array<i32>} : memref<128x48xf32, #tpu.memory_space<vmem>>, vector<16xf32>,
        %mul3A_365 = arith.mulf %get3A_364, %gather3A_354 : vector<16xf32>
        %swap3A_366 = arith.index_cast %add3A_351 : i32 to index
        %swap3A_367 = arith.constant 16 : index
        %swap3A_368 = tpu.vector_load %arg13[%swap3A_366, %swap3A_367] {strides = array<i32>} : memref<128x48xf32, #tpu.memory_space<vmem>>, vector<16xf32>,
        tpu.vector_store %arg13[%swap3A_366, %swap3A_367], %mul3A_365 {strides = array<i32>} : memref<128x48xf32, #tpu.memory_space<vmem>>, vector<16xf32>,
        %get3A_369 = arith.index_cast %add3A_351 : i32 to index
        %get3A_370 = arith.constant 32 : index
        %get3A_371 = tpu.vector_load %arg13[%get3A_369, %get3A_370] {strides = array<i32>} : memref<128x48xf32, #tpu.memory_space<vmem>>, vector<16xf32>,
        %mul3A_372 = arith.mulf %get3A_371, %gather3A_354 : vector<16xf32>
        %swap3A_373 = arith.index_cast %add3A_351 : i32 to index
        %swap3A_374 = arith.constant 32 : index
        %swap3A_375 = tpu.vector_load %arg13[%swap3A_373, %swap3A_374] {strides = array<i32>} : memref<128x48xf32, #tpu.memory_space<vmem>>, vector<16xf32>,
        tpu.vector_store %arg13[%swap3A_373, %swap3A_374], %mul3A_372 {strides = array<i32>} : memref<128x48xf32, #tpu.memory_space<vmem>>, vector<16xf32>,
      }
      %scan3A_124 = arith.constant 16 : i32
      %dma_wait3A_125 = arith.constant 0 : i32
      %dma_wait3A_126 = tpu.memref_slice %arg10[%add3A_113, %dma_wait3A_125] : memref<80x128xi32, #tpu.memory_space<vmem>> -> memref<1x128xi32, #tpu.memory_space<vmem>>
      %dma_wait3A_127 = tpu.memref_squeeze %dma_wait3A_126 : memref<1x128xi32, #tpu.memory_space<vmem>> -> memref<128xi32, #tpu.memory_space<vmem>>
      %dma_wait3A_128 = arith.constant 0 : i32
      %dma_wait3A_129 = arith.constant 0 : i32
      %dma_wait3A_130 = tpu.memref_slice %arg8[%dma_wait3A_128, %dma_wait3A_129] : memref<10240x48xf32, #tpu.memory_space<vmem_shared>> -> memref<10240x48xf32, #tpu.memory_space<vmem_shared>>
      tpu.wait_indirect_dma semaphore(%arg17 : memref<!tpu.dma_semaphore, #tpu.memory_space<semaphore_mem>>) src(%dma_wait3A_130 : memref<10240x48xf32, #tpu.memory_space<vmem_shared>>) dst(%arg14 : memref<128x48xf32, #tpu.memory_space<vmem>>)
      %dma_start3A_131 = arith.constant 0 : i32
      %dma_start3A_132 = tpu.memref_slice %arg11[%mul3A_111, %dma_start3A_131] : memref<80x128xi32, #tpu.memory_space<vmem>> -> memref<1x128xi32, #tpu.memory_space<vmem>>
      %dma_start3A_133 = tpu.memref_squeeze %dma_start3A_132 : memref<1x128xi32, #tpu.memory_space<vmem>> -> memref<128xi32, #tpu.memory_space<vmem>>
      %dma_start3A_134 = arith.constant 0 : i32
      %dma_start3A_135 = arith.constant 0 : i32
      %dma_start3A_136 = tpu.memref_slice %arg9[%dma_start3A_134, %dma_start3A_135] : memref<10240x48xf32, #tpu.memory_space<vmem_shared>> -> memref<10240x48xf32, #tpu.memory_space<vmem_shared>>
      tpu.enqueue_indirect_dma source(%arg13 : memref<128x48xf32, #tpu.memory_space<vmem>>) target(%dma_start3A_136 : memref<10240x48xf32, #tpu.memory_space<vmem_shared>>) offsets(%dma_start3A_133 : memref<128xi32, #tpu.memory_space<vmem>>) semaphore(%arg18 : memref<!tpu.dma_semaphore, #tpu.memory_space<semaphore_mem>>) {add = true}
      %scan3A_137 = arith.constant 0 : i32
      %scan3A_138 = arith.constant 16 : i32
      %scan3A_139 = arith.addi %scan3A_137, %scan3A_138 : i32
      %scan3A_140 = arith.constant 1 : i32
      scf.for %scan3A_155 = %scan3A_137 to %scan3A_139 step %scan3A_140  : i32 {
        %mul3A_156 = arith.constant 8 : i32
        %mul3A_157 = arith.muli %scan3A_155, %mul3A_156 : i32
        %add3A_158 = arith.constant 0 : i32
        %add3A_159 = arith.addi %mul3A_157, %add3A_158 : i32
        %broadcast_in_dim3A = vector.broadcast %add3A_113 : i32 to vector<16xi32>
        %broadcast_in_dim3A_160 = vector.broadcast %add3A_159 : i32 to vector<16xi32>
        %gather3A = tpu.vector_load_idx %arg12[%broadcast_in_dim3A, %broadcast_in_dim3A_160] : memref<80x128xf32, #tpu.memory_space<vmem>>[vector<16xi32>, vector<16xi32>], vector<16xf32>,
        %get3A = arith.index_cast %add3A_159 : i32 to index
        %get3A_161 = arith.constant 0 : index
        %get3A_162 = tpu.vector_load %arg14[%get3A, %get3A_161] {strides = array<i32>} : memref<128x48xf32, #tpu.memory_space<vmem>>, vector<16xf32>,
        %mul3A_163 = arith.mulf %get3A_162, %gather3A : vector<16xf32>
        %swap3A = arith.index_cast %add3A_159 : i32 to index
        %swap3A_164 = arith.constant 0 : index
        %swap3A_165 = tpu.vector_load %arg14[%swap3A, %swap3A_164] {strides = array<i32>} : memref<128x48xf32, #tpu.memory_space<vmem>>, vector<16xf32>,
        tpu.vector_store %arg14[%swap3A, %swap3A_164], %mul3A_163 {strides = array<i32>} : memref<128x48xf32, #tpu.memory_space<vmem>>, vector<16xf32>,
        %get3A_166 = arith.index_cast %add3A_159 : i32 to index
        %get3A_167 = arith.constant 16 : index
        %get3A_168 = tpu.vector_load %arg14[%get3A_166, %get3A_167] {strides = array<i32>} : memref<128x48xf32, #tpu.memory_space<vmem>>, vector<16xf32>,
        %mul3A_169 = arith.mulf %get3A_168, %gather3A : vector<16xf32>
        %swap3A_170 = arith.index_cast %add3A_159 : i32 to index
        %swap3A_171 = arith.constant 16 : index
        %swap3A_172 = tpu.vector_load %arg14[%swap3A_170, %swap3A_171] {strides = array<i32>} : memref<128x48xf32, #tpu.memory_space<vmem>>, vector<16xf32>,
        tpu.vector_store %arg14[%swap3A_170, %swap3A_171], %mul3A_169 {strides = array<i32>} : memref<128x48xf32, #tpu.memory_space<vmem>>, vector<16xf32>,
        %get3A_173 = arith.index_cast %add3A_159 : i32 to index
        %get3A_174 = arith.constant 32 : index
        %get3A_175 = tpu.vector_load %arg14[%get3A_173, %get3A_174] {strides = array<i32>} : memref<128x48xf32, #tpu.memory_space<vmem>>, vector<16xf32>,
        %mul3A_176 = arith.mulf %get3A_175, %gather3A : vector<16xf32>
        %swap3A_177 = arith.index_cast %add3A_159 : i32 to index
        %swap3A_178 = arith.constant 32 : index
        %swap3A_179 = tpu.vector_load %arg14[%swap3A_177, %swap3A_178] {strides = array<i32>} : memref<128x48xf32, #tpu.memory_space<vmem>>, vector<16xf32>,
        tpu.vector_store %arg14[%swap3A_177, %swap3A_178], %mul3A_176 {strides = array<i32>} : memref<128x48xf32, #tpu.memory_space<vmem>>, vector<16xf32>,
        %mul3A_180 = arith.constant 8 : i32
        %mul3A_181 = arith.muli %scan3A_155, %mul3A_180 : i32
        %add3A_182 = arith.constant 1 : i32
        %add3A_183 = arith.addi %mul3A_181, %add3A_182 : i32
        %broadcast_in_dim3A_184 = vector.broadcast %add3A_113 : i32 to vector<16xi32>
        %broadcast_in_dim3A_185 = vector.broadcast %add3A_183 : i32 to vector<16xi32>
        %gather3A_186 = tpu.vector_load_idx %arg12[%broadcast_in_dim3A_184, %broadcast_in_dim3A_185] : memref<80x128xf32, #tpu.memory_space<vmem>>[vector<16xi32>, vector<16xi32>], vector<16xf32>,
        %get3A_187 = arith.index_cast %add3A_183 : i32 to index
        %get3A_188 = arith.constant 0 : index
        %get3A_189 = tpu.vector_load %arg14[%get3A_187, %get3A_188] {strides = array<i32>} : memref<128x48xf32, #tpu.memory_space<vmem>>, vector<16xf32>,
        %mul3A_190 = arith.mulf %get3A_189, %gather3A_186 : vector<16xf32>
        %swap3A_191 = arith.index_cast %add3A_183 : i32 to index
        %swap3A_192 = arith.constant 0 : index
        %swap3A_193 = tpu.vector_load %arg14[%swap3A_191, %swap3A_192] {strides = array<i32>} : memref<128x48xf32, #tpu.memory_space<vmem>>, vector<16xf32>,
        tpu.vector_store %arg14[%swap3A_191, %swap3A_192], %mul3A_190 {strides = array<i32>} : memref<128x48xf32, #tpu.memory_space<vmem>>, vector<16xf32>,
        %get3A_194 = arith.index_cast %add3A_183 : i32 to index
        %get3A_195 = arith.constant 16 : index
        %get3A_196 = tpu.vector_load %arg14[%get3A_194, %get3A_195] {strides = array<i32>} : memref<128x48xf32, #tpu.memory_space<vmem>>, vector<16xf32>,
        %mul3A_197 = arith.mulf %get3A_196, %gather3A_186 : vector<16xf32>
        %swap3A_198 = arith.index_cast %add3A_183 : i32 to index
        %swap3A_199 = arith.constant 16 : index
        %swap3A_200 = tpu.vector_load %arg14[%swap3A_198, %swap3A_199] {strides = array<i32>} : memref<128x48xf32, #tpu.memory_space<vmem>>, vector<16xf32>,
        tpu.vector_store %arg14[%swap3A_198, %swap3A_199], %mul3A_197 {strides = array<i32>} : memref<128x48xf32, #tpu.memory_space<vmem>>, vector<16xf32>,
        %get3A_201 = arith.index_cast %add3A_183 : i32 to index
        %get3A_202 = arith.constant 32 : index
        %get3A_203 = tpu.vector_load %arg14[%get3A_201, %get3A_202] {strides = array<i32>} : memref<128x48xf32, #tpu.memory_space<vmem>>, vector<16xf32>,
        %mul3A_204 = arith.mulf %get3A_203, %gather3A_186 : vector<16xf32>
        %swap3A_205 = arith.index_cast %add3A_183 : i32 to index
        %swap3A_206 = arith.constant 32 : index
        %swap3A_207 = tpu.vector_load %arg14[%swap3A_205, %swap3A_206] {strides = array<i32>} : memref<128x48xf32, #tpu.memory_space<vmem>>, vector<16xf32>,
        tpu.vector_store %arg14[%swap3A_205, %swap3A_206], %mul3A_204 {strides = array<i32>} : memref<128x48xf32, #tpu.memory_space<vmem>>, vector<16xf32>,
        %mul3A_208 = arith.constant 8 : i32
        %mul3A_209 = arith.muli %scan3A_155, %mul3A_208 : i32
        %add3A_210 = arith.constant 2 : i32
        %add3A_211 = arith.addi %mul3A_209, %add3A_210 : i32
        %broadcast_in_dim3A_212 = vector.broadcast %add3A_113 : i32 to vector<16xi32>
        %broadcast_in_dim3A_213 = vector.broadcast %add3A_211 : i32 to vector<16xi32>
        %gather3A_214 = tpu.vector_load_idx %arg12[%broadcast_in_dim3A_212, %broadcast_in_dim3A_213] : memref<80x128xf32, #tpu.memory_space<vmem>>[vector<16xi32>, vector<16xi32>], vector<16xf32>,
        %get3A_215 = arith.index_cast %add3A_211 : i32 to index
        %get3A_216 = arith.constant 0 : index
        %get3A_217 = tpu.vector_load %arg14[%get3A_215, %get3A_216] {strides = array<i32>} : memref<128x48xf32, #tpu.memory_space<vmem>>, vector<16xf32>,
        %mul3A_218 = arith.mulf %get3A_217, %gather3A_214 : vector<16xf32>
        %swap3A_219 = arith.index_cast %add3A_211 : i32 to index
        %swap3A_220 = arith.constant 0 : index
        %swap3A_221 = tpu.vector_load %arg14[%swap3A_219, %swap3A_220] {strides = array<i32>} : memref<128x48xf32, #tpu.memory_space<vmem>>, vector<16xf32>,
        tpu.vector_store %arg14[%swap3A_219, %swap3A_220], %mul3A_218 {strides = array<i32>} : memref<128x48xf32, #tpu.memory_space<vmem>>, vector<16xf32>,
        %get3A_222 = arith.index_cast %add3A_211 : i32 to index
        %get3A_223 = arith.constant 16 : index
        %get3A_224 = tpu.vector_load %arg14[%get3A_222, %get3A_223] {strides = array<i32>} : memref<128x48xf32, #tpu.memory_space<vmem>>, vector<16xf32>,
        %mul3A_225 = arith.mulf %get3A_224, %gather3A_214 : vector<16xf32>
        %swap3A_226 = arith.index_cast %add3A_211 : i32 to index
        %swap3A_227 = arith.constant 16 : index
        %swap3A_228 = tpu.vector_load %arg14[%swap3A_226, %swap3A_227] {strides = array<i32>} : memref<128x48xf32, #tpu.memory_space<vmem>>, vector<16xf32>,
        tpu.vector_store %arg14[%swap3A_226, %swap3A_227], %mul3A_225 {strides = array<i32>} : memref<128x48xf32, #tpu.memory_space<vmem>>, vector<16xf32>,
        %get3A_229 = arith.index_cast %add3A_211 : i32 to index
        %get3A_230 = arith.constant 32 : index
        %get3A_231 = tpu.vector_load %arg14[%get3A_229, %get3A_230] {strides = array<i32>} : memref<128x48xf32, #tpu.memory_space<vmem>>, vector<16xf32>,
        %mul3A_232 = arith.mulf %get3A_231, %gather3A_214 : vector<16xf32>
        %swap3A_233 = arith.index_cast %add3A_211 : i32 to index
        %swap3A_234 = arith.constant 32 : index
        %swap3A_235 = tpu.vector_load %arg14[%swap3A_233, %swap3A_234] {strides = array<i32>} : memref<128x48xf32, #tpu.memory_space<vmem>>, vector<16xf32>,
        tpu.vector_store %arg14[%swap3A_233, %swap3A_234], %mul3A_232 {strides = array<i32>} : memref<128x48xf32, #tpu.memory_space<vmem>>, vector<16xf32>,
        %mul3A_236 = arith.constant 8 : i32
        %mul3A_237 = arith.muli %scan3A_155, %mul3A_236 : i32
        %add3A_238 = arith.constant 3 : i32
        %add3A_239 = arith.addi %mul3A_237, %add3A_238 : i32
        %broadcast_in_dim3A_240 = vector.broadcast %add3A_113 : i32 to vector<16xi32>
        %broadcast_in_dim3A_241 = vector.broadcast %add3A_239 : i32 to vector<16xi32>
        %gather3A_242 = tpu.vector_load_idx %arg12[%broadcast_in_dim3A_240, %broadcast_in_dim3A_241] : memref<80x128xf32, #tpu.memory_space<vmem>>[vector<16xi32>, vector<16xi32>], vector<16xf32>,
        %get3A_243 = arith.index_cast %add3A_239 : i32 to index
        %get3A_244 = arith.constant 0 : index
        %get3A_245 = tpu.vector_load %arg14[%get3A_243, %get3A_244] {strides = array<i32>} : memref<128x48xf32, #tpu.memory_space<vmem>>, vector<16xf32>,
        %mul3A_246 = arith.mulf %get3A_245, %gather3A_242 : vector<16xf32>
        %swap3A_247 = arith.index_cast %add3A_239 : i32 to index
        %swap3A_248 = arith.constant 0 : index
        %swap3A_249 = tpu.vector_load %arg14[%swap3A_247, %swap3A_248] {strides = array<i32>} : memref<128x48xf32, #tpu.memory_space<vmem>>, vector<16xf32>,
        tpu.vector_store %arg14[%swap3A_247, %swap3A_248], %mul3A_246 {strides = array<i32>} : memref<128x48xf32, #tpu.memory_space<vmem>>, vector<16xf32>,
        %get3A_250 = arith.index_cast %add3A_239 : i32 to index
        %get3A_251 = arith.constant 16 : index
        %get3A_252 = tpu.vector_load %arg14[%get3A_250, %get3A_251] {strides = array<i32>} : memref<128x48xf32, #tpu.memory_space<vmem>>, vector<16xf32>,
        %mul3A_253 = arith.mulf %get3A_252, %gather3A_242 : vector<16xf32>
        %swap3A_254 = arith.index_cast %add3A_239 : i32 to index
        %swap3A_255 = arith.constant 16 : index
        %swap3A_256 = tpu.vector_load %arg14[%swap3A_254, %swap3A_255] {strides = array<i32>} : memref<128x48xf32, #tpu.memory_space<vmem>>, vector<16xf32>,
        tpu.vector_store %arg14[%swap3A_254, %swap3A_255], %mul3A_253 {strides = array<i32>} : memref<128x48xf32, #tpu.memory_space<vmem>>, vector<16xf32>,
        %get3A_257 = arith.index_cast %add3A_239 : i32 to index
        %get3A_258 = arith.constant 32 : index
        %get3A_259 = tpu.vector_load %arg14[%get3A_257, %get3A_258] {strides = array<i32>} : memref<128x48xf32, #tpu.memory_space<vmem>>, vector<16xf32>,
        %mul3A_260 = arith.mulf %get3A_259, %gather3A_242 : vector<16xf32>
        %swap3A_261 = arith.index_cast %add3A_239 : i32 to index
        %swap3A_262 = arith.constant 32 : index
        %swap3A_263 = tpu.vector_load %arg14[%swap3A_261, %swap3A_262] {strides = array<i32>} : memref<128x48xf32, #tpu.memory_space<vmem>>, vector<16xf32>,
        tpu.vector_store %arg14[%swap3A_261, %swap3A_262], %mul3A_260 {strides = array<i32>} : memref<128x48xf32, #tpu.memory_space<vmem>>, vector<16xf32>,
        %mul3A_264 = arith.constant 8 : i32
        %mul3A_265 = arith.muli %scan3A_155, %mul3A_264 : i32
        %add3A_266 = arith.constant 4 : i32
        %add3A_267 = arith.addi %mul3A_265, %add3A_266 : i32
        %broadcast_in_dim3A_268 = vector.broadcast %add3A_113 : i32 to vector<16xi32>
        %broadcast_in_dim3A_269 = vector.broadcast %add3A_267 : i32 to vector<16xi32>
        %gather3A_270 = tpu.vector_load_idx %arg12[%broadcast_in_dim3A_268, %broadcast_in_dim3A_269] : memref<80x128xf32, #tpu.memory_space<vmem>>[vector<16xi32>, vector<16xi32>], vector<16xf32>,
        %get3A_271 = arith.index_cast %add3A_267 : i32 to index
        %get3A_272 = arith.constant 0 : index
        %get3A_273 = tpu.vector_load %arg14[%get3A_271, %get3A_272] {strides = array<i32>} : memref<128x48xf32, #tpu.memory_space<vmem>>, vector<16xf32>,
        %mul3A_274 = arith.mulf %get3A_273, %gather3A_270 : vector<16xf32>
        %swap3A_275 = arith.index_cast %add3A_267 : i32 to index
        %swap3A_276 = arith.constant 0 : index
        %swap3A_277 = tpu.vector_load %arg14[%swap3A_275, %swap3A_276] {strides = array<i32>} : memref<128x48xf32, #tpu.memory_space<vmem>>, vector<16xf32>,
        tpu.vector_store %arg14[%swap3A_275, %swap3A_276], %mul3A_274 {strides = array<i32>} : memref<128x48xf32, #tpu.memory_space<vmem>>, vector<16xf32>,
        %get3A_278 = arith.index_cast %add3A_267 : i32 to index
        %get3A_279 = arith.constant 16 : index
        %get3A_280 = tpu.vector_load %arg14[%get3A_278, %get3A_279] {strides = array<i32>} : memref<128x48xf32, #tpu.memory_space<vmem>>, vector<16xf32>,
        %mul3A_281 = arith.mulf %get3A_280, %gather3A_270 : vector<16xf32>
        %swap3A_282 = arith.index_cast %add3A_267 : i32 to index
        %swap3A_283 = arith.constant 16 : index
        %swap3A_284 = tpu.vector_load %arg14[%swap3A_282, %swap3A_283] {strides = array<i32>} : memref<128x48xf32, #tpu.memory_space<vmem>>, vector<16xf32>,
        tpu.vector_store %arg14[%swap3A_282, %swap3A_283], %mul3A_281 {strides = array<i32>} : memref<128x48xf32, #tpu.memory_space<vmem>>, vector<16xf32>,
        %get3A_285 = arith.index_cast %add3A_267 : i32 to index
        %get3A_286 = arith.constant 32 : index
        %get3A_287 = tpu.vector_load %arg14[%get3A_285, %get3A_286] {strides = array<i32>} : memref<128x48xf32, #tpu.memory_space<vmem>>, vector<16xf32>,
        %mul3A_288 = arith.mulf %get3A_287, %gather3A_270 : vector<16xf32>
        %swap3A_289 = arith.index_cast %add3A_267 : i32 to index
        %swap3A_290 = arith.constant 32 : index
        %swap3A_291 = tpu.vector_load %arg14[%swap3A_289, %swap3A_290] {strides = array<i32>} : memref<128x48xf32, #tpu.memory_space<vmem>>, vector<16xf32>,
        tpu.vector_store %arg14[%swap3A_289, %swap3A_290], %mul3A_288 {strides = array<i32>} : memref<128x48xf32, #tpu.memory_space<vmem>>, vector<16xf32>,
        %mul3A_292 = arith.constant 8 : i32
        %mul3A_293 = arith.muli %scan3A_155, %mul3A_292 : i32
        %add3A_294 = arith.constant 5 : i32
        %add3A_295 = arith.addi %mul3A_293, %add3A_294 : i32
        %broadcast_in_dim3A_296 = vector.broadcast %add3A_113 : i32 to vector<16xi32>
        %broadcast_in_dim3A_297 = vector.broadcast %add3A_295 : i32 to vector<16xi32>
        %gather3A_298 = tpu.vector_load_idx %arg12[%broadcast_in_dim3A_296, %broadcast_in_dim3A_297] : memref<80x128xf32, #tpu.memory_space<vmem>>[vector<16xi32>, vector<16xi32>], vector<16xf32>,
        %get3A_299 = arith.index_cast %add3A_295 : i32 to index
        %get3A_300 = arith.constant 0 : index
        %get3A_301 = tpu.vector_load %arg14[%get3A_299, %get3A_300] {strides = array<i32>} : memref<128x48xf32, #tpu.memory_space<vmem>>, vector<16xf32>,
        %mul3A_302 = arith.mulf %get3A_301, %gather3A_298 : vector<16xf32>
        %swap3A_303 = arith.index_cast %add3A_295 : i32 to index
        %swap3A_304 = arith.constant 0 : index
        %swap3A_305 = tpu.vector_load %arg14[%swap3A_303, %swap3A_304] {strides = array<i32>} : memref<128x48xf32, #tpu.memory_space<vmem>>, vector<16xf32>,
        tpu.vector_store %arg14[%swap3A_303, %swap3A_304], %mul3A_302 {strides = array<i32>} : memref<128x48xf32, #tpu.memory_space<vmem>>, vector<16xf32>,
        %get3A_306 = arith.index_cast %add3A_295 : i32 to index
        %get3A_307 = arith.constant 16 : index
        %get3A_308 = tpu.vector_load %arg14[%get3A_306, %get3A_307] {strides = array<i32>} : memref<128x48xf32, #tpu.memory_space<vmem>>, vector<16xf32>,
        %mul3A_309 = arith.mulf %get3A_308, %gather3A_298 : vector<16xf32>
        %swap3A_310 = arith.index_cast %add3A_295 : i32 to index
        %swap3A_311 = arith.constant 16 : index
        %swap3A_312 = tpu.vector_load %arg14[%swap3A_310, %swap3A_311] {strides = array<i32>} : memref<128x48xf32, #tpu.memory_space<vmem>>, vector<16xf32>,
        tpu.vector_store %arg14[%swap3A_310, %swap3A_311], %mul3A_309 {strides = array<i32>} : memref<128x48xf32, #tpu.memory_space<vmem>>, vector<16xf32>,
        %get3A_313 = arith.index_cast %add3A_295 : i32 to index
        %get3A_314 = arith.constant 32 : index
        %get3A_315 = tpu.vector_load %arg14[%get3A_313, %get3A_314] {strides = array<i32>} : memref<128x48xf32, #tpu.memory_space<vmem>>, vector<16xf32>,
        %mul3A_316 = arith.mulf %get3A_315, %gather3A_298 : vector<16xf32>
        %swap3A_317 = arith.index_cast %add3A_295 : i32 to index
        %swap3A_318 = arith.constant 32 : index
        %swap3A_319 = tpu.vector_load %arg14[%swap3A_317, %swap3A_318] {strides = array<i32>} : memref<128x48xf32, #tpu.memory_space<vmem>>, vector<16xf32>,
        tpu.vector_store %arg14[%swap3A_317, %swap3A_318], %mul3A_316 {strides = array<i32>} : memref<128x48xf32, #tpu.memory_space<vmem>>, vector<16xf32>,
        %mul3A_320 = arith.constant 8 : i32
        %mul3A_321 = arith.muli %scan3A_155, %mul3A_320 : i32
        %add3A_322 = arith.constant 6 : i32
        %add3A_323 = arith.addi %mul3A_321, %add3A_322 : i32
        %broadcast_in_dim3A_324 = vector.broadcast %add3A_113 : i32 to vector<16xi32>
        %broadcast_in_dim3A_325 = vector.broadcast %add3A_323 : i32 to vector<16xi32>
        %gather3A_326 = tpu.vector_load_idx %arg12[%broadcast_in_dim3A_324, %broadcast_in_dim3A_325] : memref<80x128xf32, #tpu.memory_space<vmem>>[vector<16xi32>, vector<16xi32>], vector<16xf32>,
        %get3A_327 = arith.index_cast %add3A_323 : i32 to index
        %get3A_328 = arith.constant 0 : index
        %get3A_329 = tpu.vector_load %arg14[%get3A_327, %get3A_328] {strides = array<i32>} : memref<128x48xf32, #tpu.memory_space<vmem>>, vector<16xf32>,
        %mul3A_330 = arith.mulf %get3A_329, %gather3A_326 : vector<16xf32>
        %swap3A_331 = arith.index_cast %add3A_323 : i32 to index
        %swap3A_332 = arith.constant 0 : index
        %swap3A_333 = tpu.vector_load %arg14[%swap3A_331, %swap3A_332] {strides = array<i32>} : memref<128x48xf32, #tpu.memory_space<vmem>>, vector<16xf32>,
        tpu.vector_store %arg14[%swap3A_331, %swap3A_332], %mul3A_330 {strides = array<i32>} : memref<128x48xf32, #tpu.memory_space<vmem>>, vector<16xf32>,
        %get3A_334 = arith.index_cast %add3A_323 : i32 to index
        %get3A_335 = arith.constant 16 : index
        %get3A_336 = tpu.vector_load %arg14[%get3A_334, %get3A_335] {strides = array<i32>} : memref<128x48xf32, #tpu.memory_space<vmem>>, vector<16xf32>,
        %mul3A_337 = arith.mulf %get3A_336, %gather3A_326 : vector<16xf32>
        %swap3A_338 = arith.index_cast %add3A_323 : i32 to index
        %swap3A_339 = arith.constant 16 : index
        %swap3A_340 = tpu.vector_load %arg14[%swap3A_338, %swap3A_339] {strides = array<i32>} : memref<128x48xf32, #tpu.memory_space<vmem>>, vector<16xf32>,
        tpu.vector_store %arg14[%swap3A_338, %swap3A_339], %mul3A_337 {strides = array<i32>} : memref<128x48xf32, #tpu.memory_space<vmem>>, vector<16xf32>,
        %get3A_341 = arith.index_cast %add3A_323 : i32 to index
        %get3A_342 = arith.constant 32 : index
        %get3A_343 = tpu.vector_load %arg14[%get3A_341, %get3A_342] {strides = array<i32>} : memref<128x48xf32, #tpu.memory_space<vmem>>, vector<16xf32>,
        %mul3A_344 = arith.mulf %get3A_343, %gather3A_326 : vector<16xf32>
        %swap3A_345 = arith.index_cast %add3A_323 : i32 to index
        %swap3A_346 = arith.constant 32 : index
        %swap3A_347 = tpu.vector_load %arg14[%swap3A_345, %swap3A_346] {strides = array<i32>} : memref<128x48xf32, #tpu.memory_space<vmem>>, vector<16xf32>,
        tpu.vector_store %arg14[%swap3A_345, %swap3A_346], %mul3A_344 {strides = array<i32>} : memref<128x48xf32, #tpu.memory_space<vmem>>, vector<16xf32>,
        %mul3A_348 = arith.constant 8 : i32
        %mul3A_349 = arith.muli %scan3A_155, %mul3A_348 : i32
        %add3A_350 = arith.constant 7 : i32
        %add3A_351 = arith.addi %mul3A_349, %add3A_350 : i32
        %broadcast_in_dim3A_352 = vector.broadcast %add3A_113 : i32 to vector<16xi32>
        %broadcast_in_dim3A_353 = vector.broadcast %add3A_351 : i32 to vector<16xi32>
        %gather3A_354 = tpu.vector_load_idx %arg12[%broadcast_in_dim3A_352, %broadcast_in_dim3A_353] : memref<80x128xf32, #tpu.memory_space<vmem>>[vector<16xi32>, vector<16xi32>], vector<16xf32>,
        %get3A_355 = arith.index_cast %add3A_351 : i32 to index
        %get3A_356 = arith.constant 0 : index
        %get3A_357 = tpu.vector_load %arg14[%get3A_355, %get3A_356] {strides = array<i32>} : memref<128x48xf32, #tpu.memory_space<vmem>>, vector<16xf32>,
        %mul3A_358 = arith.mulf %get3A_357, %gather3A_354 : vector<16xf32>
        %swap3A_359 = arith.index_cast %add3A_351 : i32 to index
        %swap3A_360 = arith.constant 0 : index
        %swap3A_361 = tpu.vector_load %arg14[%swap3A_359, %swap3A_360] {strides = array<i32>} : memref<128x48xf32, #tpu.memory_space<vmem>>, vector<16xf32>,
        tpu.vector_store %arg14[%swap3A_359, %swap3A_360], %mul3A_358 {strides = array<i32>} : memref<128x48xf32, #tpu.memory_space<vmem>>, vector<16xf32>,
        %get3A_362 = arith.index_cast %add3A_351 : i32 to index
        %get3A_363 = arith.constant 16 : index
        %get3A_364 = tpu.vector_load %arg14[%get3A_362, %get3A_363] {strides = array<i32>} : memref<128x48xf32, #tpu.memory_space<vmem>>, vector<16xf32>,
        %mul3A_365 = arith.mulf %get3A_364, %gather3A_354 : vector<16xf32>
        %swap3A_366 = arith.index_cast %add3A_351 : i32 to index
        %swap3A_367 = arith.constant 16 : index
        %swap3A_368 = tpu.vector_load %arg14[%swap3A_366, %swap3A_367] {strides = array<i32>} : memref<128x48xf32, #tpu.memory_space<vmem>>, vector<16xf32>,
        tpu.vector_store %arg14[%swap3A_366, %swap3A_367], %mul3A_365 {strides = array<i32>} : memref<128x48xf32, #tpu.memory_space<vmem>>, vector<16xf32>,
        %get3A_369 = arith.index_cast %add3A_351 : i32 to index
        %get3A_370 = arith.constant 32 : index
        %get3A_371 = tpu.vector_load %arg14[%get3A_369, %get3A_370] {strides = array<i32>} : memref<128x48xf32, #tpu.memory_space<vmem>>, vector<16xf32>,
        %mul3A_372 = arith.mulf %get3A_371, %gather3A_354 : vector<16xf32>
        %swap3A_373 = arith.index_cast %add3A_351 : i32 to index
        %swap3A_374 = arith.constant 32 : index
        %swap3A_375 = tpu.vector_load %arg14[%swap3A_373, %swap3A_374] {strides = array<i32>} : memref<128x48xf32, #tpu.memory_space<vmem>>, vector<16xf32>,
        tpu.vector_store %arg14[%swap3A_373, %swap3A_374], %mul3A_372 {strides = array<i32>} : memref<128x48xf32, #tpu.memory_space<vmem>>, vector<16xf32>,
      }
      %scan3A_141 = arith.constant 16 : i32
      %dma_start3A_142 = arith.constant 0 : i32
      %dma_start3A_143 = tpu.memref_slice %arg11[%add3A_113, %dma_start3A_142] : memref<80x128xi32, #tpu.memory_space<vmem>> -> memref<1x128xi32, #tpu.memory_space<vmem>>
      %dma_start3A_144 = tpu.memref_squeeze %dma_start3A_143 : memref<1x128xi32, #tpu.memory_space<vmem>> -> memref<128xi32, #tpu.memory_space<vmem>>
      %dma_start3A_145 = arith.constant 0 : i32
      %dma_start3A_146 = arith.constant 0 : i32
      %dma_start3A_147 = tpu.memref_slice %arg9[%dma_start3A_145, %dma_start3A_146] : memref<10240x48xf32, #tpu.memory_space<vmem_shared>> -> memref<10240x48xf32, #tpu.memory_space<vmem_shared>>
      tpu.enqueue_indirect_dma source(%arg14 : memref<128x48xf32, #tpu.memory_space<vmem>>) target(%dma_start3A_147 : memref<10240x48xf32, #tpu.memory_space<vmem_shared>>) offsets(%dma_start3A_144 : memref<128xi32, #tpu.memory_space<vmem>>) semaphore(%arg19 : memref<!tpu.dma_semaphore, #tpu.memory_space<semaphore_mem>>) {add = true}
      %add3A_148 = arith.constant 2 : i32
      %add3A_149 = arith.addi %mul3A_111, %add3A_148 : i32
      %lt3A_150 = arith.constant 80 : i32
      %lt3A_151 = arith.cmpi slt, %add3A_149, %lt3A_150 : i32
      %convert_element_type3A_152 = arith.extui %lt3A_151 : i1 to i32
      %cond3A_153 = arith.constant 0 : i32
      %cond3A_154 = arith.cmpi ne, %convert_element_type3A_152, %cond3A_153 : i32
      scf.if %cond3A_154 {
        %dma_wait3A_155 = arith.constant 0 : i32
        %dma_wait3A_156 = tpu.memref_slice %arg11[%mul3A_111, %dma_wait3A_155] : memref<80x128xi32, #tpu.memory_space<vmem>> -> memref<1x128xi32, #tpu.memory_space<vmem>>
        %dma_wait3A_157 = tpu.memref_squeeze %dma_wait3A_156 : memref<1x128xi32, #tpu.memory_space<vmem>> -> memref<128xi32, #tpu.memory_space<vmem>>
        %dma_wait3A_158 = arith.constant 0 : i32
        %dma_wait3A_159 = arith.constant 0 : i32
        %dma_wait3A_160 = tpu.memref_slice %arg9[%dma_wait3A_158, %dma_wait3A_159] : memref<10240x48xf32, #tpu.memory_space<vmem_shared>> -> memref<10240x48xf32, #tpu.memory_space<vmem_shared>>
        tpu.wait_indirect_dma semaphore(%arg18 : memref<!tpu.dma_semaphore, #tpu.memory_space<semaphore_mem>>) src(%arg13 : memref<128x48xf32, #tpu.memory_space<vmem>>) dst(%dma_wait3A_160 : memref<10240x48xf32, #tpu.memory_space<vmem_shared>>)
        %add3A_161 = arith.constant 2 : i32
        %add3A_162 = arith.addi %mul3A_111, %add3A_161 : i32
        %dma_start3A_163 = arith.constant 0 : i32
        %dma_start3A_164 = tpu.memref_slice %arg10[%add3A_162, %dma_start3A_163] : memref<80x128xi32, #tpu.memory_space<vmem>> -> memref<1x128xi32, #tpu.memory_space<vmem>>
        %dma_start3A_165 = tpu.memref_squeeze %dma_start3A_164 : memref<1x128xi32, #tpu.memory_space<vmem>> -> memref<128xi32, #tpu.memory_space<vmem>>
        %dma_start3A_166 = arith.constant 0 : i32
        %dma_start3A_167 = arith.constant 0 : i32
        %dma_start3A_168 = tpu.memref_slice %arg8[%dma_start3A_166, %dma_start3A_167] : memref<10240x48xf32, #tpu.memory_space<vmem_shared>> -> memref<10240x48xf32, #tpu.memory_space<vmem_shared>>
        tpu.enqueue_indirect_dma source(%dma_start3A_168 : memref<10240x48xf32, #tpu.memory_space<vmem_shared>>) target(%arg13 : memref<128x48xf32, #tpu.memory_space<vmem>>) offsets(%dma_start3A_165 : memref<128xi32, #tpu.memory_space<vmem>>) semaphore(%arg16 : memref<!tpu.dma_semaphore, #tpu.memory_space<semaphore_mem>>)
        %dma_wait3A_169 = arith.constant 0 : i32
        %dma_wait3A_170 = tpu.memref_slice %arg11[%add3A_113, %dma_wait3A_169] : memref<80x128xi32, #tpu.memory_space<vmem>> -> memref<1x128xi32, #tpu.memory_space<vmem>>
        %dma_wait3A_171 = tpu.memref_squeeze %dma_wait3A_170 : memref<1x128xi32, #tpu.memory_space<vmem>> -> memref<128xi32, #tpu.memory_space<vmem>>
        %dma_wait3A_172 = arith.constant 0 : i32
        %dma_wait3A_173 = arith.constant 0 : i32
        %dma_wait3A_174 = tpu.memref_slice %arg9[%dma_wait3A_172, %dma_wait3A_173] : memref<10240x48xf32, #tpu.memory_space<vmem_shared>> -> memref<10240x48xf32, #tpu.memory_space<vmem_shared>>
        tpu.wait_indirect_dma semaphore(%arg19 : memref<!tpu.dma_semaphore, #tpu.memory_space<semaphore_mem>>) src(%arg14 : memref<128x48xf32, #tpu.memory_space<vmem>>) dst(%dma_wait3A_174 : memref<10240x48xf32, #tpu.memory_space<vmem_shared>>)
        %add3A_175 = arith.constant 2 : i32
        %add3A_176 = arith.addi %add3A_113, %add3A_175 : i32
        %dma_start3A_177 = arith.constant 0 : i32
        %dma_start3A_178 = tpu.memref_slice %arg10[%add3A_176, %dma_start3A_177] : memref<80x128xi32, #tpu.memory_space<vmem>> -> memref<1x128xi32, #tpu.memory_space<vmem>>
        %dma_start3A_179 = tpu.memref_squeeze %dma_start3A_178 : memref<1x128xi32, #tpu.memory_space<vmem>> -> memref<128xi32, #tpu.memory_space<vmem>>
        %dma_start3A_180 = arith.constant 0 : i32
        %dma_start3A_181 = arith.constant 0 : i32
        %dma_start3A_182 = tpu.memref_slice %arg8[%dma_start3A_180, %dma_start3A_181] : memref<10240x48xf32, #tpu.memory_space<vmem_shared>> -> memref<10240x48xf32, #tpu.memory_space<vmem_shared>>
        tpu.enqueue_indirect_dma source(%dma_start3A_182 : memref<10240x48xf32, #tpu.memory_space<vmem_shared>>) target(%arg14 : memref<128x48xf32, #tpu.memory_space<vmem>>) offsets(%dma_start3A_179 : memref<128xi32, #tpu.memory_space<vmem>>) semaphore(%arg17 : memref<!tpu.dma_semaphore, #tpu.memory_space<semaphore_mem>>)
      } else {
      }
    }
    %scan3A_35 = arith.constant 40 : i32
    %dma_wait3A = arith.constant 78 : i32
    %dma_wait3A_36 = arith.constant 0 : i32
    %dma_wait3A_37 = tpu.memref_slice %arg11[%dma_wait3A, %dma_wait3A_36] : memref<80x128xi32, #tpu.memory_space<vmem>> -> memref<1x128xi32, #tpu.memory_space<vmem>>
    %dma_wait3A_38 = tpu.memref_squeeze %dma_wait3A_37 : memref<1x128xi32, #tpu.memory_space<vmem>> -> memref<128xi32, #tpu.memory_space<vmem>>
    %dma_wait3A_39 = arith.constant 0 : i32
    %dma_wait3A_40 = arith.constant 0 : i32
    %dma_wait3A_41 = tpu.memref_slice %arg9[%dma_wait3A_39, %dma_wait3A_40] : memref<10240x48xf32, #tpu.memory_space<vmem_shared>> -> memref<10240x48xf32, #tpu.memory_space<vmem_shared>>
    tpu.wait_indirect_dma semaphore(%arg18 : memref<!tpu.dma_semaphore, #tpu.memory_space<semaphore_mem>>) src(%arg13 : memref<128x48xf32, #tpu.memory_space<vmem>>) dst(%dma_wait3A_41 : memref<10240x48xf32, #tpu.memory_space<vmem_shared>>)
    %dma_wait3A_42 = arith.constant 79 : i32
    %dma_wait3A_43 = arith.constant 0 : i32
    %dma_wait3A_44 = tpu.memref_slice %arg11[%dma_wait3A_42, %dma_wait3A_43] : memref<80x128xi32, #tpu.memory_space<vmem>> -> memref<1x128xi32, #tpu.memory_space<vmem>>
    %dma_wait3A_45 = tpu.memref_squeeze %dma_wait3A_44 : memref<1x128xi32, #tpu.memory_space<vmem>> -> memref<128xi32, #tpu.memory_space<vmem>>
    %dma_wait3A_46 = arith.constant 0 : i32
    %dma_wait3A_47 = arith.constant 0 : i32
    %dma_wait3A_48 = tpu.memref_slice %arg9[%dma_wait3A_46, %dma_wait3A_47] : memref<10240x48xf32, #tpu.memory_space<vmem_shared>> -> memref<10240x48xf32, #tpu.memory_space<vmem_shared>>
    tpu.wait_indirect_dma semaphore(%arg19 : memref<!tpu.dma_semaphore, #tpu.memory_space<semaphore_mem>>) src(%arg14 : memref<128x48xf32, #tpu.memory_space<vmem>>) dst(%dma_wait3A_48 : memref<10240x48xf32, #tpu.memory_space<vmem_shared>>)
    %barrier3A_49 = arith.constant 0 : index
    tpu.barrier barrier_id(%barrier3A_49)
    %mul3A_50 = arith.constant 640 : i32
    %mul3A_51 = arith.muli %arg1, %mul3A_50 : i32
    %mul3A_52 = arith.constant 640 : i32
    %mul3A_53 = arith.muli %arg1, %mul3A_52 : i32
    %run_scoped3A = arith.constant 0 : i32
    "tpu.region"() ({
      %run_scoped3A_109 = tpu.sem_alloc : memref<!tpu.dma_semaphore, #tpu.memory_space<semaphore_mem>>
      %dma_start3A_110 = arith.constant 0 : i32
      %dma_start3A_111 = tpu.memref_slice %arg7[%arg0, %run_scoped3A, %mul3A_53, %dma_start3A_110] : memref<2x2x10240x48xf32, #tpu.memory_space<hbm>> -> memref<1x1x640x48xf32, #tpu.memory_space<hbm>>
      %dma_start3A_112 = tpu.memref_squeeze %dma_start3A_111 : memref<1x1x640x48xf32, #tpu.memory_space<hbm>> -> memref<640x48xf32, #tpu.memory_space<hbm>>
      %dma_start3A_113 = arith.constant 0 : i32
      %dma_start3A_114 = tpu.memref_slice %arg9[%mul3A_51, %dma_start3A_113] : memref<10240x48xf32, #tpu.memory_space<vmem_shared>> -> memref<640x48xf32, #tpu.memory_space<vmem_shared>>
      tpu.enqueue_dma source(%dma_start3A_114 : memref<640x48xf32, #tpu.memory_space<vmem_shared>>) target(%dma_start3A_112 : memref<640x48xf32, #tpu.memory_space<hbm>>) target_semaphore(%run_scoped3A_109 : memref<!tpu.dma_semaphore, #tpu.memory_space<semaphore_mem>>)
      %dma_wait3A_115 = arith.constant 0 : i32
      %dma_wait3A_116 = tpu.memref_slice %arg7[%arg0, %run_scoped3A, %mul3A_53, %dma_wait3A_115] : memref<2x2x10240x48xf32, #tpu.memory_space<hbm>> -> memref<1x1x640x48xf32, #tpu.memory_space<hbm>>
      %dma_wait3A_117 = tpu.memref_squeeze %dma_wait3A_116 : memref<1x1x640x48xf32, #tpu.memory_space<hbm>> -> memref<640x48xf32, #tpu.memory_space<hbm>>
      %dma_wait3A_118 = arith.constant 0 : i32
      %dma_wait3A_119 = tpu.memref_slice %arg9[%mul3A_51, %dma_wait3A_118] : memref<10240x48xf32, #tpu.memory_space<vmem_shared>> -> memref<640x48xf32, #tpu.memory_space<vmem_shared>>
      tpu.wait_dma2 semaphore(%run_scoped3A_109 : memref<!tpu.dma_semaphore, #tpu.memory_space<semaphore_mem>>) src(%dma_wait3A_119 : memref<640x48xf32, #tpu.memory_space<vmem_shared>>) dst(%dma_wait3A_117 : memref<640x48xf32, #tpu.memory_space<hbm>>)
      tpu.yield
    }) : () -> ()
    %scan3A_54 = arith.constant 0 : i32
    %scan3A_55 = arith.constant 10 : i32
    %scan3A_56 = arith.addi %scan3A_54, %scan3A_55 : i32
    %scan3A_57 = arith.constant 1 : i32
    scf.for %scan3A_109 = %scan3A_54 to %scan3A_56 step %scan3A_57  : i32 {
      %mul3A_110 = arith.constant 640 : i32
      %mul3A_111 = arith.muli %arg1, %mul3A_110 : i32
      %mul3A_112 = arith.constant 64 : i32
      %mul3A_113 = arith.muli %scan3A_109, %mul3A_112 : i32
      %add3A_114 = arith.addi %mul3A_111, %mul3A_113 : i32
      "tpu.region"() ({
        %run_scoped3A_115 = tpu.sem_alloc : memref<!tpu.dma_semaphore, #tpu.memory_space<semaphore_mem>>
        %dma_start3A_116 = arith.constant 0 : i32
        %dma_start3A_117 = tpu.memref_slice %arg9[%add3A_114, %dma_start3A_116] : memref<10240x48xf32, #tpu.memory_space<vmem_shared>> -> memref<64x48xf32, #tpu.memory_space<vmem_shared>>
        %dma_start3A_118 = arith.constant 0 : i32
        %dma_start3A_119 = tpu.memref_slice %arg9[%add3A_114, %dma_start3A_118] : memref<10240x48xf32, #tpu.memory_space<vmem_shared>> -> memref<64x48xf32, #tpu.memory_space<vmem_shared>>
        tpu.enqueue_dma source(%arg15 : memref<64x48xf32, #tpu.memory_space<vmem>>) target(%dma_start3A_119 : memref<64x48xf32, #tpu.memory_space<vmem_shared>>) target_semaphore(%run_scoped3A_115 : memref<!tpu.dma_semaphore, #tpu.memory_space<semaphore_mem>>)
        %dma_wait3A_120 = arith.constant 0 : i32
        %dma_wait3A_121 = tpu.memref_slice %arg9[%add3A_114, %dma_wait3A_120] : memref<10240x48xf32, #tpu.memory_space<vmem_shared>> -> memref<64x48xf32, #tpu.memory_space<vmem_shared>>
        %dma_wait3A_122 = arith.constant 0 : i32
        %dma_wait3A_123 = tpu.memref_slice %arg9[%add3A_114, %dma_wait3A_122] : memref<10240x48xf32, #tpu.memory_space<vmem_shared>> -> memref<64x48xf32, #tpu.memory_space<vmem_shared>>
        tpu.wait_dma2 semaphore(%run_scoped3A_115 : memref<!tpu.dma_semaphore, #tpu.memory_space<semaphore_mem>>) src(%arg15 : memref<64x48xf32, #tpu.memory_space<vmem>>) dst(%dma_wait3A_123 : memref<64x48xf32, #tpu.memory_space<vmem_shared>>)
        tpu.yield
      }) : () -> ()
    }
    %scan3A_58 = arith.constant 10 : i32
    %lt3A_59 = arith.constant 15 : i32
    %lt3A_60 = arith.cmpi slt, %arg1, %lt3A_59 : i32
    %convert_element_type3A_61 = arith.extui %lt3A_60 : i1 to i32
    %cond3A_62 = arith.constant 0 : i32
    %cond3A_63 = arith.cmpi ne, %convert_element_type3A_61, %cond3A_62 : i32
    scf.if %cond3A_63 {
      %mul3A_109 = arith.constant 640 : i32
      %mul3A_110 = arith.muli %arg1, %mul3A_109 : i32
      %mul3A_111 = arith.constant 640 : i32
      %mul3A_112 = arith.muli %arg1, %mul3A_111 : i32
      "tpu.region"() ({
        %run_scoped3A_113 = tpu.sem_alloc : memref<!tpu.dma_semaphore, #tpu.memory_space<semaphore_mem>>
        %dma_start3A_114 = arith.constant 0 : i32
        %dma_start3A_115 = tpu.memref_slice %arg8[%mul3A_112, %dma_start3A_114] : memref<10240x48xf32, #tpu.memory_space<vmem_shared>> -> memref<640x48xf32, #tpu.memory_space<vmem_shared>>
        %dma_start3A_116 = arith.constant 0 : i32
        %dma_start3A_117 = tpu.memref_slice %arg6[%mul3A_110, %dma_start3A_116] : memref<10000x48xf32, #tpu.memory_space<hbm>> -> memref<640x48xf32, #tpu.memory_space<hbm>>
        tpu.enqueue_dma source(%dma_start3A_117 : memref<640x48xf32, #tpu.memory_space<hbm>>) target(%dma_start3A_115 : memref<640x48xf32, #tpu.memory_space<vmem_shared>>) target_semaphore(%run_scoped3A_113 : memref<!tpu.dma_semaphore, #tpu.memory_space<semaphore_mem>>)
        %dma_wait3A_118 = arith.constant 0 : i32
        %dma_wait3A_119 = tpu.memref_slice %arg8[%mul3A_112, %dma_wait3A_118] : memref<10240x48xf32, #tpu.memory_space<vmem_shared>> -> memref<640x48xf32, #tpu.memory_space<vmem_shared>>
        %dma_wait3A_120 = arith.constant 0 : i32
        %dma_wait3A_121 = tpu.memref_slice %arg6[%mul3A_110, %dma_wait3A_120] : memref<10000x48xf32, #tpu.memory_space<hbm>> -> memref<640x48xf32, #tpu.memory_space<hbm>>
        tpu.wait_dma2 semaphore(%run_scoped3A_113 : memref<!tpu.dma_semaphore, #tpu.memory_space<semaphore_mem>>) src(%dma_wait3A_121 : memref<640x48xf32, #tpu.memory_space<hbm>>) dst(%dma_wait3A_119 : memref<640x48xf32, #tpu.memory_space<vmem_shared>>)
        tpu.yield
      }) : () -> ()
    } else {
    }
    %eq3A_64 = arith.constant 15 : i32
    %eq3A_65 = arith.cmpi eq, %arg1, %eq3A_64 : i32
    %convert_element_type3A_66 = arith.extui %eq3A_65 : i1 to i32
    %cond3A_67 = arith.constant 0 : i32
    %cond3A_68 = arith.cmpi ne, %convert_element_type3A_66, %cond3A_67 : i32
    scf.if %cond3A_68 {
      "tpu.region"() ({
        %run_scoped3A_109 = tpu.sem_alloc : memref<!tpu.dma_semaphore, #tpu.memory_space<semaphore_mem>>
        %dma_start3A_110 = arith.constant 9600 : i32
        %dma_start3A_111 = arith.constant 0 : i32
        %dma_start3A_112 = tpu.memref_slice %arg8[%dma_start3A_110, %dma_start3A_111] : memref<10240x48xf32, #tpu.memory_space<vmem_shared>> -> memref<400x48xf32, #tpu.memory_space<vmem_shared>>
        %dma_start3A_113 = arith.constant 9600 : i32
        %dma_start3A_114 = arith.constant 0 : i32
        %dma_start3A_115 = tpu.memref_slice %arg6[%dma_start3A_113, %dma_start3A_114] : memref<10000x48xf32, #tpu.memory_space<hbm>> -> memref<400x48xf32, #tpu.memory_space<hbm>>
        tpu.enqueue_dma source(%dma_start3A_115 : memref<400x48xf32, #tpu.memory_space<hbm>>) target(%dma_start3A_112 : memref<400x48xf32, #tpu.memory_space<vmem_shared>>) target_semaphore(%run_scoped3A_109 : memref<!tpu.dma_semaphore, #tpu.memory_space<semaphore_mem>>)
        %dma_wait3A_116 = arith.constant 9600 : i32
        %dma_wait3A_117 = arith.constant 0 : i32
        %dma_wait3A_118 = tpu.memref_slice %arg8[%dma_wait3A_116, %dma_wait3A_117] : memref<10240x48xf32, #tpu.memory_space<vmem_shared>> -> memref<400x48xf32, #tpu.memory_space<vmem_shared>>
        %dma_wait3A_119 = arith.constant 9600 : i32
        %dma_wait3A_120 = arith.constant 0 : i32
        %dma_wait3A_121 = tpu.memref_slice %arg6[%dma_wait3A_119, %dma_wait3A_120] : memref<10000x48xf32, #tpu.memory_space<hbm>> -> memref<400x48xf32, #tpu.memory_space<hbm>>
        tpu.wait_dma2 semaphore(%run_scoped3A_109 : memref<!tpu.dma_semaphore, #tpu.memory_space<semaphore_mem>>) src(%dma_wait3A_121 : memref<400x48xf32, #tpu.memory_space<hbm>>) dst(%dma_wait3A_118 : memref<400x48xf32, #tpu.memory_space<vmem_shared>>)
        tpu.yield
      }) : () -> ()
    } else {
    }
    %barrier3A_69 = arith.constant 0 : index
    tpu.barrier barrier_id(%barrier3A_69)
    %dma_start3A_70 = arith.constant 0 : i32
    %dma_start3A_71 = arith.constant 0 : i32
    %dma_start3A_72 = tpu.memref_slice %arg10[%dma_start3A_70, %dma_start3A_71] : memref<80x128xi32, #tpu.memory_space<vmem>> -> memref<1x128xi32, #tpu.memory_space<vmem>>
    %dma_start3A_73 = tpu.memref_squeeze %dma_start3A_72 : memref<1x128xi32, #tpu.memory_space<vmem>> -> memref<128xi32, #tpu.memory_space<vmem>>
    %dma_start3A_74 = arith.constant 0 : i32
    %dma_start3A_75 = arith.constant 0 : i32
    %dma_start3A_76 = tpu.memref_slice %arg8[%dma_start3A_74, %dma_start3A_75] : memref<10240x48xf32, #tpu.memory_space<vmem_shared>> -> memref<10240x48xf32, #tpu.memory_space<vmem_shared>>
    tpu.enqueue_indirect_dma source(%dma_start3A_76 : memref<10240x48xf32, #tpu.memory_space<vmem_shared>>) target(%arg13 : memref<128x48xf32, #tpu.memory_space<vmem>>) offsets(%dma_start3A_73 : memref<128xi32, #tpu.memory_space<vmem>>) semaphore(%arg16 : memref<!tpu.dma_semaphore, #tpu.memory_space<semaphore_mem>>)
    %dma_start3A_77 = arith.constant 1 : i32
    %dma_start3A_78 = arith.constant 0 : i32
    %dma_start3A_79 = tpu.memref_slice %arg10[%dma_start3A_77, %dma_start3A_78] : memref<80x128xi32, #tpu.memory_space<vmem>> -> memref<1x128xi32, #tpu.memory_space<vmem>>
    %dma_start3A_80 = tpu.memref_squeeze %dma_start3A_79 : memref<1x128xi32, #tpu.memory_space<vmem>> -> memref<128xi32, #tpu.memory_space<vmem>>
    %dma_start3A_81 = arith.constant 0 : i32
    %dma_start3A_82 = arith.constant 0 : i32
    %dma_start3A_83 = tpu.memref_slice %arg8[%dma_start3A_81, %dma_start3A_82] : memref<10240x48xf32, #tpu.memory_space<vmem_shared>> -> memref<10240x48xf32, #tpu.memory_space<vmem_shared>>
    tpu.enqueue_indirect_dma source(%dma_start3A_83 : memref<10240x48xf32, #tpu.memory_space<vmem_shared>>) target(%arg14 : memref<128x48xf32, #tpu.memory_space<vmem>>) offsets(%dma_start3A_80 : memref<128xi32, #tpu.memory_space<vmem>>) semaphore(%arg17 : memref<!tpu.dma_semaphore, #tpu.memory_space<semaphore_mem>>)
    %scan3A_84 = arith.constant 0 : i32
    %scan3A_85 = arith.constant 40 : i32
    %scan3A_86 = arith.addi %scan3A_84, %scan3A_85 : i32
    %scan3A_87 = arith.constant 1 : i32
    scf.for %scan3A_109 = %scan3A_84 to %scan3A_86 step %scan3A_87  : i32 {
      %mul3A_110 = arith.constant 2 : i32
      %mul3A_111 = arith.muli %scan3A_109, %mul3A_110 : i32
      %add3A_112 = arith.constant 1 : i32
      %add3A_113 = arith.addi %mul3A_111, %add3A_112 : i32
      %dma_wait3A_114 = arith.constant 0 : i32
      %dma_wait3A_115 = tpu.memref_slice %arg10[%mul3A_111, %dma_wait3A_114] : memref<80x128xi32, #tpu.memory_space<vmem>> -> memref<1x128xi32, #tpu.memory_space<vmem>>
      %dma_wait3A_116 = tpu.memref_squeeze %dma_wait3A_115 : memref<1x128xi32, #tpu.memory_space<vmem>> -> memref<128xi32, #tpu.memory_space<vmem>>
      %dma_wait3A_117 = arith.constant 0 : i32
      %dma_wait3A_118 = arith.constant 0 : i32
      %dma_wait3A_119 = tpu.memref_slice %arg8[%dma_wait3A_117, %dma_wait3A_118] : memref<10240x48xf32, #tpu.memory_space<vmem_shared>> -> memref<10240x48xf32, #tpu.memory_space<vmem_shared>>
      tpu.wait_indirect_dma semaphore(%arg16 : memref<!tpu.dma_semaphore, #tpu.memory_space<semaphore_mem>>) src(%dma_wait3A_119 : memref<10240x48xf32, #tpu.memory_space<vmem_shared>>) dst(%arg13 : memref<128x48xf32, #tpu.memory_space<vmem>>)
      %scan3A_120 = arith.constant 0 : i32
      %scan3A_121 = arith.constant 16 : i32
      %scan3A_122 = arith.addi %scan3A_120, %scan3A_121 : i32
      %scan3A_123 = arith.constant 1 : i32
      scf.for %scan3A_155 = %scan3A_120 to %scan3A_122 step %scan3A_123  : i32 {
        %mul3A_156 = arith.constant 8 : i32
        %mul3A_157 = arith.muli %scan3A_155, %mul3A_156 : i32
        %add3A_158 = arith.constant 0 : i32
        %add3A_159 = arith.addi %mul3A_157, %add3A_158 : i32
        %broadcast_in_dim3A = vector.broadcast %mul3A_111 : i32 to vector<16xi32>
        %broadcast_in_dim3A_160 = vector.broadcast %add3A_159 : i32 to vector<16xi32>
        %gather3A = tpu.vector_load_idx %arg12[%broadcast_in_dim3A, %broadcast_in_dim3A_160] : memref<80x128xf32, #tpu.memory_space<vmem>>[vector<16xi32>, vector<16xi32>], vector<16xf32>,
        %get3A = arith.index_cast %add3A_159 : i32 to index
        %get3A_161 = arith.constant 0 : index
        %get3A_162 = tpu.vector_load %arg13[%get3A, %get3A_161] {strides = array<i32>} : memref<128x48xf32, #tpu.memory_space<vmem>>, vector<16xf32>,
        %mul3A_163 = arith.mulf %get3A_162, %gather3A : vector<16xf32>
        %swap3A = arith.index_cast %add3A_159 : i32 to index
        %swap3A_164 = arith.constant 0 : index
        %swap3A_165 = tpu.vector_load %arg13[%swap3A, %swap3A_164] {strides = array<i32>} : memref<128x48xf32, #tpu.memory_space<vmem>>, vector<16xf32>,
        tpu.vector_store %arg13[%swap3A, %swap3A_164], %mul3A_163 {strides = array<i32>} : memref<128x48xf32, #tpu.memory_space<vmem>>, vector<16xf32>,
        %get3A_166 = arith.index_cast %add3A_159 : i32 to index
        %get3A_167 = arith.constant 16 : index
        %get3A_168 = tpu.vector_load %arg13[%get3A_166, %get3A_167] {strides = array<i32>} : memref<128x48xf32, #tpu.memory_space<vmem>>, vector<16xf32>,
        %mul3A_169 = arith.mulf %get3A_168, %gather3A : vector<16xf32>
        %swap3A_170 = arith.index_cast %add3A_159 : i32 to index
        %swap3A_171 = arith.constant 16 : index
        %swap3A_172 = tpu.vector_load %arg13[%swap3A_170, %swap3A_171] {strides = array<i32>} : memref<128x48xf32, #tpu.memory_space<vmem>>, vector<16xf32>,
        tpu.vector_store %arg13[%swap3A_170, %swap3A_171], %mul3A_169 {strides = array<i32>} : memref<128x48xf32, #tpu.memory_space<vmem>>, vector<16xf32>,
        %get3A_173 = arith.index_cast %add3A_159 : i32 to index
        %get3A_174 = arith.constant 32 : index
        %get3A_175 = tpu.vector_load %arg13[%get3A_173, %get3A_174] {strides = array<i32>} : memref<128x48xf32, #tpu.memory_space<vmem>>, vector<16xf32>,
        %mul3A_176 = arith.mulf %get3A_175, %gather3A : vector<16xf32>
        %swap3A_177 = arith.index_cast %add3A_159 : i32 to index
        %swap3A_178 = arith.constant 32 : index
        %swap3A_179 = tpu.vector_load %arg13[%swap3A_177, %swap3A_178] {strides = array<i32>} : memref<128x48xf32, #tpu.memory_space<vmem>>, vector<16xf32>,
        tpu.vector_store %arg13[%swap3A_177, %swap3A_178], %mul3A_176 {strides = array<i32>} : memref<128x48xf32, #tpu.memory_space<vmem>>, vector<16xf32>,
        %mul3A_180 = arith.constant 8 : i32
        %mul3A_181 = arith.muli %scan3A_155, %mul3A_180 : i32
        %add3A_182 = arith.constant 1 : i32
        %add3A_183 = arith.addi %mul3A_181, %add3A_182 : i32
        %broadcast_in_dim3A_184 = vector.broadcast %mul3A_111 : i32 to vector<16xi32>
        %broadcast_in_dim3A_185 = vector.broadcast %add3A_183 : i32 to vector<16xi32>
        %gather3A_186 = tpu.vector_load_idx %arg12[%broadcast_in_dim3A_184, %broadcast_in_dim3A_185] : memref<80x128xf32, #tpu.memory_space<vmem>>[vector<16xi32>, vector<16xi32>], vector<16xf32>,
        %get3A_187 = arith.index_cast %add3A_183 : i32 to index
        %get3A_188 = arith.constant 0 : index
        %get3A_189 = tpu.vector_load %arg13[%get3A_187, %get3A_188] {strides = array<i32>} : memref<128x48xf32, #tpu.memory_space<vmem>>, vector<16xf32>,
        %mul3A_190 = arith.mulf %get3A_189, %gather3A_186 : vector<16xf32>
        %swap3A_191 = arith.index_cast %add3A_183 : i32 to index
        %swap3A_192 = arith.constant 0 : index
        %swap3A_193 = tpu.vector_load %arg13[%swap3A_191, %swap3A_192] {strides = array<i32>} : memref<128x48xf32, #tpu.memory_space<vmem>>, vector<16xf32>,
        tpu.vector_store %arg13[%swap3A_191, %swap3A_192], %mul3A_190 {strides = array<i32>} : memref<128x48xf32, #tpu.memory_space<vmem>>, vector<16xf32>,
        %get3A_194 = arith.index_cast %add3A_183 : i32 to index
        %get3A_195 = arith.constant 16 : index
        %get3A_196 = tpu.vector_load %arg13[%get3A_194, %get3A_195] {strides = array<i32>} : memref<128x48xf32, #tpu.memory_space<vmem>>, vector<16xf32>,
        %mul3A_197 = arith.mulf %get3A_196, %gather3A_186 : vector<16xf32>
        %swap3A_198 = arith.index_cast %add3A_183 : i32 to index
        %swap3A_199 = arith.constant 16 : index
        %swap3A_200 = tpu.vector_load %arg13[%swap3A_198, %swap3A_199] {strides = array<i32>} : memref<128x48xf32, #tpu.memory_space<vmem>>, vector<16xf32>,
        tpu.vector_store %arg13[%swap3A_198, %swap3A_199], %mul3A_197 {strides = array<i32>} : memref<128x48xf32, #tpu.memory_space<vmem>>, vector<16xf32>,
        %get3A_201 = arith.index_cast %add3A_183 : i32 to index
        %get3A_202 = arith.constant 32 : index
        %get3A_203 = tpu.vector_load %arg13[%get3A_201, %get3A_202] {strides = array<i32>} : memref<128x48xf32, #tpu.memory_space<vmem>>, vector<16xf32>,
        %mul3A_204 = arith.mulf %get3A_203, %gather3A_186 : vector<16xf32>
        %swap3A_205 = arith.index_cast %add3A_183 : i32 to index
        %swap3A_206 = arith.constant 32 : index
        %swap3A_207 = tpu.vector_load %arg13[%swap3A_205, %swap3A_206] {strides = array<i32>} : memref<128x48xf32, #tpu.memory_space<vmem>>, vector<16xf32>,
        tpu.vector_store %arg13[%swap3A_205, %swap3A_206], %mul3A_204 {strides = array<i32>} : memref<128x48xf32, #tpu.memory_space<vmem>>, vector<16xf32>,
        %mul3A_208 = arith.constant 8 : i32
        %mul3A_209 = arith.muli %scan3A_155, %mul3A_208 : i32
        %add3A_210 = arith.constant 2 : i32
        %add3A_211 = arith.addi %mul3A_209, %add3A_210 : i32
        %broadcast_in_dim3A_212 = vector.broadcast %mul3A_111 : i32 to vector<16xi32>
        %broadcast_in_dim3A_213 = vector.broadcast %add3A_211 : i32 to vector<16xi32>
        %gather3A_214 = tpu.vector_load_idx %arg12[%broadcast_in_dim3A_212, %broadcast_in_dim3A_213] : memref<80x128xf32, #tpu.memory_space<vmem>>[vector<16xi32>, vector<16xi32>], vector<16xf32>,
        %get3A_215 = arith.index_cast %add3A_211 : i32 to index
        %get3A_216 = arith.constant 0 : index
        %get3A_217 = tpu.vector_load %arg13[%get3A_215, %get3A_216] {strides = array<i32>} : memref<128x48xf32, #tpu.memory_space<vmem>>, vector<16xf32>,
        %mul3A_218 = arith.mulf %get3A_217, %gather3A_214 : vector<16xf32>
        %swap3A_219 = arith.index_cast %add3A_211 : i32 to index
        %swap3A_220 = arith.constant 0 : index
        %swap3A_221 = tpu.vector_load %arg13[%swap3A_219, %swap3A_220] {strides = array<i32>} : memref<128x48xf32, #tpu.memory_space<vmem>>, vector<16xf32>,
        tpu.vector_store %arg13[%swap3A_219, %swap3A_220], %mul3A_218 {strides = array<i32>} : memref<128x48xf32, #tpu.memory_space<vmem>>, vector<16xf32>,
        %get3A_222 = arith.index_cast %add3A_211 : i32 to index
        %get3A_223 = arith.constant 16 : index
        %get3A_224 = tpu.vector_load %arg13[%get3A_222, %get3A_223] {strides = array<i32>} : memref<128x48xf32, #tpu.memory_space<vmem>>, vector<16xf32>,
        %mul3A_225 = arith.mulf %get3A_224, %gather3A_214 : vector<16xf32>
        %swap3A_226 = arith.index_cast %add3A_211 : i32 to index
        %swap3A_227 = arith.constant 16 : index
        %swap3A_228 = tpu.vector_load %arg13[%swap3A_226, %swap3A_227] {strides = array<i32>} : memref<128x48xf32, #tpu.memory_space<vmem>>, vector<16xf32>,
        tpu.vector_store %arg13[%swap3A_226, %swap3A_227], %mul3A_225 {strides = array<i32>} : memref<128x48xf32, #tpu.memory_space<vmem>>, vector<16xf32>,
        %get3A_229 = arith.index_cast %add3A_211 : i32 to index
        %get3A_230 = arith.constant 32 : index
        %get3A_231 = tpu.vector_load %arg13[%get3A_229, %get3A_230] {strides = array<i32>} : memref<128x48xf32, #tpu.memory_space<vmem>>, vector<16xf32>,
        %mul3A_232 = arith.mulf %get3A_231, %gather3A_214 : vector<16xf32>
        %swap3A_233 = arith.index_cast %add3A_211 : i32 to index
        %swap3A_234 = arith.constant 32 : index
        %swap3A_235 = tpu.vector_load %arg13[%swap3A_233, %swap3A_234] {strides = array<i32>} : memref<128x48xf32, #tpu.memory_space<vmem>>, vector<16xf32>,
        tpu.vector_store %arg13[%swap3A_233, %swap3A_234], %mul3A_232 {strides = array<i32>} : memref<128x48xf32, #tpu.memory_space<vmem>>, vector<16xf32>,
        %mul3A_236 = arith.constant 8 : i32
        %mul3A_237 = arith.muli %scan3A_155, %mul3A_236 : i32
        %add3A_238 = arith.constant 3 : i32
        %add3A_239 = arith.addi %mul3A_237, %add3A_238 : i32
        %broadcast_in_dim3A_240 = vector.broadcast %mul3A_111 : i32 to vector<16xi32>
        %broadcast_in_dim3A_241 = vector.broadcast %add3A_239 : i32 to vector<16xi32>
        %gather3A_242 = tpu.vector_load_idx %arg12[%broadcast_in_dim3A_240, %broadcast_in_dim3A_241] : memref<80x128xf32, #tpu.memory_space<vmem>>[vector<16xi32>, vector<16xi32>], vector<16xf32>,
        %get3A_243 = arith.index_cast %add3A_239 : i32 to index
        %get3A_244 = arith.constant 0 : index
        %get3A_245 = tpu.vector_load %arg13[%get3A_243, %get3A_244] {strides = array<i32>} : memref<128x48xf32, #tpu.memory_space<vmem>>, vector<16xf32>,
        %mul3A_246 = arith.mulf %get3A_245, %gather3A_242 : vector<16xf32>
        %swap3A_247 = arith.index_cast %add3A_239 : i32 to index
        %swap3A_248 = arith.constant 0 : index
        %swap3A_249 = tpu.vector_load %arg13[%swap3A_247, %swap3A_248] {strides = array<i32>} : memref<128x48xf32, #tpu.memory_space<vmem>>, vector<16xf32>,
        tpu.vector_store %arg13[%swap3A_247, %swap3A_248], %mul3A_246 {strides = array<i32>} : memref<128x48xf32, #tpu.memory_space<vmem>>, vector<16xf32>,
        %get3A_250 = arith.index_cast %add3A_239 : i32 to index
        %get3A_251 = arith.constant 16 : index
        %get3A_252 = tpu.vector_load %arg13[%get3A_250, %get3A_251] {strides = array<i32>} : memref<128x48xf32, #tpu.memory_space<vmem>>, vector<16xf32>,
        %mul3A_253 = arith.mulf %get3A_252, %gather3A_242 : vector<16xf32>
        %swap3A_254 = arith.index_cast %add3A_239 : i32 to index
        %swap3A_255 = arith.constant 16 : index
        %swap3A_256 = tpu.vector_load %arg13[%swap3A_254, %swap3A_255] {strides = array<i32>} : memref<128x48xf32, #tpu.memory_space<vmem>>, vector<16xf32>,
        tpu.vector_store %arg13[%swap3A_254, %swap3A_255], %mul3A_253 {strides = array<i32>} : memref<128x48xf32, #tpu.memory_space<vmem>>, vector<16xf32>,
        %get3A_257 = arith.index_cast %add3A_239 : i32 to index
        %get3A_258 = arith.constant 32 : index
        %get3A_259 = tpu.vector_load %arg13[%get3A_257, %get3A_258] {strides = array<i32>} : memref<128x48xf32, #tpu.memory_space<vmem>>, vector<16xf32>,
        %mul3A_260 = arith.mulf %get3A_259, %gather3A_242 : vector<16xf32>
        %swap3A_261 = arith.index_cast %add3A_239 : i32 to index
        %swap3A_262 = arith.constant 32 : index
        %swap3A_263 = tpu.vector_load %arg13[%swap3A_261, %swap3A_262] {strides = array<i32>} : memref<128x48xf32, #tpu.memory_space<vmem>>, vector<16xf32>,
        tpu.vector_store %arg13[%swap3A_261, %swap3A_262], %mul3A_260 {strides = array<i32>} : memref<128x48xf32, #tpu.memory_space<vmem>>, vector<16xf32>,
        %mul3A_264 = arith.constant 8 : i32
        %mul3A_265 = arith.muli %scan3A_155, %mul3A_264 : i32
        %add3A_266 = arith.constant 4 : i32
        %add3A_267 = arith.addi %mul3A_265, %add3A_266 : i32
        %broadcast_in_dim3A_268 = vector.broadcast %mul3A_111 : i32 to vector<16xi32>
        %broadcast_in_dim3A_269 = vector.broadcast %add3A_267 : i32 to vector<16xi32>
        %gather3A_270 = tpu.vector_load_idx %arg12[%broadcast_in_dim3A_268, %broadcast_in_dim3A_269] : memref<80x128xf32, #tpu.memory_space<vmem>>[vector<16xi32>, vector<16xi32>], vector<16xf32>,
        %get3A_271 = arith.index_cast %add3A_267 : i32 to index
        %get3A_272 = arith.constant 0 : index
        %get3A_273 = tpu.vector_load %arg13[%get3A_271, %get3A_272] {strides = array<i32>} : memref<128x48xf32, #tpu.memory_space<vmem>>, vector<16xf32>,
        %mul3A_274 = arith.mulf %get3A_273, %gather3A_270 : vector<16xf32>
        %swap3A_275 = arith.index_cast %add3A_267 : i32 to index
        %swap3A_276 = arith.constant 0 : index
        %swap3A_277 = tpu.vector_load %arg13[%swap3A_275, %swap3A_276] {strides = array<i32>} : memref<128x48xf32, #tpu.memory_space<vmem>>, vector<16xf32>,
        tpu.vector_store %arg13[%swap3A_275, %swap3A_276], %mul3A_274 {strides = array<i32>} : memref<128x48xf32, #tpu.memory_space<vmem>>, vector<16xf32>,
        %get3A_278 = arith.index_cast %add3A_267 : i32 to index
        %get3A_279 = arith.constant 16 : index
        %get3A_280 = tpu.vector_load %arg13[%get3A_278, %get3A_279] {strides = array<i32>} : memref<128x48xf32, #tpu.memory_space<vmem>>, vector<16xf32>,
        %mul3A_281 = arith.mulf %get3A_280, %gather3A_270 : vector<16xf32>
        %swap3A_282 = arith.index_cast %add3A_267 : i32 to index
        %swap3A_283 = arith.constant 16 : index
        %swap3A_284 = tpu.vector_load %arg13[%swap3A_282, %swap3A_283] {strides = array<i32>} : memref<128x48xf32, #tpu.memory_space<vmem>>, vector<16xf32>,
        tpu.vector_store %arg13[%swap3A_282, %swap3A_283], %mul3A_281 {strides = array<i32>} : memref<128x48xf32, #tpu.memory_space<vmem>>, vector<16xf32>,
        %get3A_285 = arith.index_cast %add3A_267 : i32 to index
        %get3A_286 = arith.constant 32 : index
        %get3A_287 = tpu.vector_load %arg13[%get3A_285, %get3A_286] {strides = array<i32>} : memref<128x48xf32, #tpu.memory_space<vmem>>, vector<16xf32>,
        %mul3A_288 = arith.mulf %get3A_287, %gather3A_270 : vector<16xf32>
        %swap3A_289 = arith.index_cast %add3A_267 : i32 to index
        %swap3A_290 = arith.constant 32 : index
        %swap3A_291 = tpu.vector_load %arg13[%swap3A_289, %swap3A_290] {strides = array<i32>} : memref<128x48xf32, #tpu.memory_space<vmem>>, vector<16xf32>,
        tpu.vector_store %arg13[%swap3A_289, %swap3A_290], %mul3A_288 {strides = array<i32>} : memref<128x48xf32, #tpu.memory_space<vmem>>, vector<16xf32>,
        %mul3A_292 = arith.constant 8 : i32
        %mul3A_293 = arith.muli %scan3A_155, %mul3A_292 : i32
        %add3A_294 = arith.constant 5 : i32
        %add3A_295 = arith.addi %mul3A_293, %add3A_294 : i32
        %broadcast_in_dim3A_296 = vector.broadcast %mul3A_111 : i32 to vector<16xi32>
        %broadcast_in_dim3A_297 = vector.broadcast %add3A_295 : i32 to vector<16xi32>
        %gather3A_298 = tpu.vector_load_idx %arg12[%broadcast_in_dim3A_296, %broadcast_in_dim3A_297] : memref<80x128xf32, #tpu.memory_space<vmem>>[vector<16xi32>, vector<16xi32>], vector<16xf32>,
        %get3A_299 = arith.index_cast %add3A_295 : i32 to index
        %get3A_300 = arith.constant 0 : index
        %get3A_301 = tpu.vector_load %arg13[%get3A_299, %get3A_300] {strides = array<i32>} : memref<128x48xf32, #tpu.memory_space<vmem>>, vector<16xf32>,
        %mul3A_302 = arith.mulf %get3A_301, %gather3A_298 : vector<16xf32>
        %swap3A_303 = arith.index_cast %add3A_295 : i32 to index
        %swap3A_304 = arith.constant 0 : index
        %swap3A_305 = tpu.vector_load %arg13[%swap3A_303, %swap3A_304] {strides = array<i32>} : memref<128x48xf32, #tpu.memory_space<vmem>>, vector<16xf32>,
        tpu.vector_store %arg13[%swap3A_303, %swap3A_304], %mul3A_302 {strides = array<i32>} : memref<128x48xf32, #tpu.memory_space<vmem>>, vector<16xf32>,
        %get3A_306 = arith.index_cast %add3A_295 : i32 to index
        %get3A_307 = arith.constant 16 : index
        %get3A_308 = tpu.vector_load %arg13[%get3A_306, %get3A_307] {strides = array<i32>} : memref<128x48xf32, #tpu.memory_space<vmem>>, vector<16xf32>,
        %mul3A_309 = arith.mulf %get3A_308, %gather3A_298 : vector<16xf32>
        %swap3A_310 = arith.index_cast %add3A_295 : i32 to index
        %swap3A_311 = arith.constant 16 : index
        %swap3A_312 = tpu.vector_load %arg13[%swap3A_310, %swap3A_311] {strides = array<i32>} : memref<128x48xf32, #tpu.memory_space<vmem>>, vector<16xf32>,
        tpu.vector_store %arg13[%swap3A_310, %swap3A_311], %mul3A_309 {strides = array<i32>} : memref<128x48xf32, #tpu.memory_space<vmem>>, vector<16xf32>,
        %get3A_313 = arith.index_cast %add3A_295 : i32 to index
        %get3A_314 = arith.constant 32 : index
        %get3A_315 = tpu.vector_load %arg13[%get3A_313, %get3A_314] {strides = array<i32>} : memref<128x48xf32, #tpu.memory_space<vmem>>, vector<16xf32>,
        %mul3A_316 = arith.mulf %get3A_315, %gather3A_298 : vector<16xf32>
        %swap3A_317 = arith.index_cast %add3A_295 : i32 to index
        %swap3A_318 = arith.constant 32 : index
        %swap3A_319 = tpu.vector_load %arg13[%swap3A_317, %swap3A_318] {strides = array<i32>} : memref<128x48xf32, #tpu.memory_space<vmem>>, vector<16xf32>,
        tpu.vector_store %arg13[%swap3A_317, %swap3A_318], %mul3A_316 {strides = array<i32>} : memref<128x48xf32, #tpu.memory_space<vmem>>, vector<16xf32>,
        %mul3A_320 = arith.constant 8 : i32
        %mul3A_321 = arith.muli %scan3A_155, %mul3A_320 : i32
        %add3A_322 = arith.constant 6 : i32
        %add3A_323 = arith.addi %mul3A_321, %add3A_322 : i32
        %broadcast_in_dim3A_324 = vector.broadcast %mul3A_111 : i32 to vector<16xi32>
        %broadcast_in_dim3A_325 = vector.broadcast %add3A_323 : i32 to vector<16xi32>
        %gather3A_326 = tpu.vector_load_idx %arg12[%broadcast_in_dim3A_324, %broadcast_in_dim3A_325] : memref<80x128xf32, #tpu.memory_space<vmem>>[vector<16xi32>, vector<16xi32>], vector<16xf32>,
        %get3A_327 = arith.index_cast %add3A_323 : i32 to index
        %get3A_328 = arith.constant 0 : index
        %get3A_329 = tpu.vector_load %arg13[%get3A_327, %get3A_328] {strides = array<i32>} : memref<128x48xf32, #tpu.memory_space<vmem>>, vector<16xf32>,
        %mul3A_330 = arith.mulf %get3A_329, %gather3A_326 : vector<16xf32>
        %swap3A_331 = arith.index_cast %add3A_323 : i32 to index
        %swap3A_332 = arith.constant 0 : index
        %swap3A_333 = tpu.vector_load %arg13[%swap3A_331, %swap3A_332] {strides = array<i32>} : memref<128x48xf32, #tpu.memory_space<vmem>>, vector<16xf32>,
        tpu.vector_store %arg13[%swap3A_331, %swap3A_332], %mul3A_330 {strides = array<i32>} : memref<128x48xf32, #tpu.memory_space<vmem>>, vector<16xf32>,
        %get3A_334 = arith.index_cast %add3A_323 : i32 to index
        %get3A_335 = arith.constant 16 : index
        %get3A_336 = tpu.vector_load %arg13[%get3A_334, %get3A_335] {strides = array<i32>} : memref<128x48xf32, #tpu.memory_space<vmem>>, vector<16xf32>,
        %mul3A_337 = arith.mulf %get3A_336, %gather3A_326 : vector<16xf32>
        %swap3A_338 = arith.index_cast %add3A_323 : i32 to index
        %swap3A_339 = arith.constant 16 : index
        %swap3A_340 = tpu.vector_load %arg13[%swap3A_338, %swap3A_339] {strides = array<i32>} : memref<128x48xf32, #tpu.memory_space<vmem>>, vector<16xf32>,
        tpu.vector_store %arg13[%swap3A_338, %swap3A_339], %mul3A_337 {strides = array<i32>} : memref<128x48xf32, #tpu.memory_space<vmem>>, vector<16xf32>,
        %get3A_341 = arith.index_cast %add3A_323 : i32 to index
        %get3A_342 = arith.constant 32 : index
        %get3A_343 = tpu.vector_load %arg13[%get3A_341, %get3A_342] {strides = array<i32>} : memref<128x48xf32, #tpu.memory_space<vmem>>, vector<16xf32>,
        %mul3A_344 = arith.mulf %get3A_343, %gather3A_326 : vector<16xf32>
        %swap3A_345 = arith.index_cast %add3A_323 : i32 to index
        %swap3A_346 = arith.constant 32 : index
        %swap3A_347 = tpu.vector_load %arg13[%swap3A_345, %swap3A_346] {strides = array<i32>} : memref<128x48xf32, #tpu.memory_space<vmem>>, vector<16xf32>,
        tpu.vector_store %arg13[%swap3A_345, %swap3A_346], %mul3A_344 {strides = array<i32>} : memref<128x48xf32, #tpu.memory_space<vmem>>, vector<16xf32>,
        %mul3A_348 = arith.constant 8 : i32
        %mul3A_349 = arith.muli %scan3A_155, %mul3A_348 : i32
        %add3A_350 = arith.constant 7 : i32
        %add3A_351 = arith.addi %mul3A_349, %add3A_350 : i32
        %broadcast_in_dim3A_352 = vector.broadcast %mul3A_111 : i32 to vector<16xi32>
        %broadcast_in_dim3A_353 = vector.broadcast %add3A_351 : i32 to vector<16xi32>
        %gather3A_354 = tpu.vector_load_idx %arg12[%broadcast_in_dim3A_352, %broadcast_in_dim3A_353] : memref<80x128xf32, #tpu.memory_space<vmem>>[vector<16xi32>, vector<16xi32>], vector<16xf32>,
        %get3A_355 = arith.index_cast %add3A_351 : i32 to index
        %get3A_356 = arith.constant 0 : index
        %get3A_357 = tpu.vector_load %arg13[%get3A_355, %get3A_356] {strides = array<i32>} : memref<128x48xf32, #tpu.memory_space<vmem>>, vector<16xf32>,
        %mul3A_358 = arith.mulf %get3A_357, %gather3A_354 : vector<16xf32>
        %swap3A_359 = arith.index_cast %add3A_351 : i32 to index
        %swap3A_360 = arith.constant 0 : index
        %swap3A_361 = tpu.vector_load %arg13[%swap3A_359, %swap3A_360] {strides = array<i32>} : memref<128x48xf32, #tpu.memory_space<vmem>>, vector<16xf32>,
        tpu.vector_store %arg13[%swap3A_359, %swap3A_360], %mul3A_358 {strides = array<i32>} : memref<128x48xf32, #tpu.memory_space<vmem>>, vector<16xf32>,
        %get3A_362 = arith.index_cast %add3A_351 : i32 to index
        %get3A_363 = arith.constant 16 : index
        %get3A_364 = tpu.vector_load %arg13[%get3A_362, %get3A_363] {strides = array<i32>} : memref<128x48xf32, #tpu.memory_space<vmem>>, vector<16xf32>,
        %mul3A_365 = arith.mulf %get3A_364, %gather3A_354 : vector<16xf32>
        %swap3A_366 = arith.index_cast %add3A_351 : i32 to index
        %swap3A_367 = arith.constant 16 : index
        %swap3A_368 = tpu.vector_load %arg13[%swap3A_366, %swap3A_367] {strides = array<i32>} : memref<128x48xf32, #tpu.memory_space<vmem>>, vector<16xf32>,
        tpu.vector_store %arg13[%swap3A_366, %swap3A_367], %mul3A_365 {strides = array<i32>} : memref<128x48xf32, #tpu.memory_space<vmem>>, vector<16xf32>,
        %get3A_369 = arith.index_cast %add3A_351 : i32 to index
        %get3A_370 = arith.constant 32 : index
        %get3A_371 = tpu.vector_load %arg13[%get3A_369, %get3A_370] {strides = array<i32>} : memref<128x48xf32, #tpu.memory_space<vmem>>, vector<16xf32>,
        %mul3A_372 = arith.mulf %get3A_371, %gather3A_354 : vector<16xf32>
        %swap3A_373 = arith.index_cast %add3A_351 : i32 to index
        %swap3A_374 = arith.constant 32 : index
        %swap3A_375 = tpu.vector_load %arg13[%swap3A_373, %swap3A_374] {strides = array<i32>} : memref<128x48xf32, #tpu.memory_space<vmem>>, vector<16xf32>,
        tpu.vector_store %arg13[%swap3A_373, %swap3A_374], %mul3A_372 {strides = array<i32>} : memref<128x48xf32, #tpu.memory_space<vmem>>, vector<16xf32>,
      }
      %scan3A_124 = arith.constant 16 : i32
      %dma_wait3A_125 = arith.constant 0 : i32
      %dma_wait3A_126 = tpu.memref_slice %arg10[%add3A_113, %dma_wait3A_125] : memref<80x128xi32, #tpu.memory_space<vmem>> -> memref<1x128xi32, #tpu.memory_space<vmem>>
      %dma_wait3A_127 = tpu.memref_squeeze %dma_wait3A_126 : memref<1x128xi32, #tpu.memory_space<vmem>> -> memref<128xi32, #tpu.memory_space<vmem>>
      %dma_wait3A_128 = arith.constant 0 : i32
      %dma_wait3A_129 = arith.constant 0 : i32
      %dma_wait3A_130 = tpu.memref_slice %arg8[%dma_wait3A_128, %dma_wait3A_129] : memref<10240x48xf32, #tpu.memory_space<vmem_shared>> -> memref<10240x48xf32, #tpu.memory_space<vmem_shared>>
      tpu.wait_indirect_dma semaphore(%arg17 : memref<!tpu.dma_semaphore, #tpu.memory_space<semaphore_mem>>) src(%dma_wait3A_130 : memref<10240x48xf32, #tpu.memory_space<vmem_shared>>) dst(%arg14 : memref<128x48xf32, #tpu.memory_space<vmem>>)
      %dma_start3A_131 = arith.constant 0 : i32
      %dma_start3A_132 = tpu.memref_slice %arg11[%mul3A_111, %dma_start3A_131] : memref<80x128xi32, #tpu.memory_space<vmem>> -> memref<1x128xi32, #tpu.memory_space<vmem>>
      %dma_start3A_133 = tpu.memref_squeeze %dma_start3A_132 : memref<1x128xi32, #tpu.memory_space<vmem>> -> memref<128xi32, #tpu.memory_space<vmem>>
      %dma_start3A_134 = arith.constant 0 : i32
      %dma_start3A_135 = arith.constant 0 : i32
      %dma_start3A_136 = tpu.memref_slice %arg9[%dma_start3A_134, %dma_start3A_135] : memref<10240x48xf32, #tpu.memory_space<vmem_shared>> -> memref<10240x48xf32, #tpu.memory_space<vmem_shared>>
      tpu.enqueue_indirect_dma source(%arg13 : memref<128x48xf32, #tpu.memory_space<vmem>>) target(%dma_start3A_136 : memref<10240x48xf32, #tpu.memory_space<vmem_shared>>) offsets(%dma_start3A_133 : memref<128xi32, #tpu.memory_space<vmem>>) semaphore(%arg18 : memref<!tpu.dma_semaphore, #tpu.memory_space<semaphore_mem>>) {add = true}
      %scan3A_137 = arith.constant 0 : i32
      %scan3A_138 = arith.constant 16 : i32
      %scan3A_139 = arith.addi %scan3A_137, %scan3A_138 : i32
      %scan3A_140 = arith.constant 1 : i32
      scf.for %scan3A_155 = %scan3A_137 to %scan3A_139 step %scan3A_140  : i32 {
        %mul3A_156 = arith.constant 8 : i32
        %mul3A_157 = arith.muli %scan3A_155, %mul3A_156 : i32
        %add3A_158 = arith.constant 0 : i32
        %add3A_159 = arith.addi %mul3A_157, %add3A_158 : i32
        %broadcast_in_dim3A = vector.broadcast %add3A_113 : i32 to vector<16xi32>
        %broadcast_in_dim3A_160 = vector.broadcast %add3A_159 : i32 to vector<16xi32>
        %gather3A = tpu.vector_load_idx %arg12[%broadcast_in_dim3A, %broadcast_in_dim3A_160] : memref<80x128xf32, #tpu.memory_space<vmem>>[vector<16xi32>, vector<16xi32>], vector<16xf32>,
        %get3A = arith.index_cast %add3A_159 : i32 to index
        %get3A_161 = arith.constant 0 : index
        %get3A_162 = tpu.vector_load %arg14[%get3A, %get3A_161] {strides = array<i32>} : memref<128x48xf32, #tpu.memory_space<vmem>>, vector<16xf32>,
        %mul3A_163 = arith.mulf %get3A_162, %gather3A : vector<16xf32>
        %swap3A = arith.index_cast %add3A_159 : i32 to index
        %swap3A_164 = arith.constant 0 : index
        %swap3A_165 = tpu.vector_load %arg14[%swap3A, %swap3A_164] {strides = array<i32>} : memref<128x48xf32, #tpu.memory_space<vmem>>, vector<16xf32>,
        tpu.vector_store %arg14[%swap3A, %swap3A_164], %mul3A_163 {strides = array<i32>} : memref<128x48xf32, #tpu.memory_space<vmem>>, vector<16xf32>,
        %get3A_166 = arith.index_cast %add3A_159 : i32 to index
        %get3A_167 = arith.constant 16 : index
        %get3A_168 = tpu.vector_load %arg14[%get3A_166, %get3A_167] {strides = array<i32>} : memref<128x48xf32, #tpu.memory_space<vmem>>, vector<16xf32>,
        %mul3A_169 = arith.mulf %get3A_168, %gather3A : vector<16xf32>
        %swap3A_170 = arith.index_cast %add3A_159 : i32 to index
        %swap3A_171 = arith.constant 16 : index
        %swap3A_172 = tpu.vector_load %arg14[%swap3A_170, %swap3A_171] {strides = array<i32>} : memref<128x48xf32, #tpu.memory_space<vmem>>, vector<16xf32>,
        tpu.vector_store %arg14[%swap3A_170, %swap3A_171], %mul3A_169 {strides = array<i32>} : memref<128x48xf32, #tpu.memory_space<vmem>>, vector<16xf32>,
        %get3A_173 = arith.index_cast %add3A_159 : i32 to index
        %get3A_174 = arith.constant 32 : index
        %get3A_175 = tpu.vector_load %arg14[%get3A_173, %get3A_174] {strides = array<i32>} : memref<128x48xf32, #tpu.memory_space<vmem>>, vector<16xf32>,
        %mul3A_176 = arith.mulf %get3A_175, %gather3A : vector<16xf32>
        %swap3A_177 = arith.index_cast %add3A_159 : i32 to index
        %swap3A_178 = arith.constant 32 : index
        %swap3A_179 = tpu.vector_load %arg14[%swap3A_177, %swap3A_178] {strides = array<i32>} : memref<128x48xf32, #tpu.memory_space<vmem>>, vector<16xf32>,
        tpu.vector_store %arg14[%swap3A_177, %swap3A_178], %mul3A_176 {strides = array<i32>} : memref<128x48xf32, #tpu.memory_space<vmem>>, vector<16xf32>,
        %mul3A_180 = arith.constant 8 : i32
        %mul3A_181 = arith.muli %scan3A_155, %mul3A_180 : i32
        %add3A_182 = arith.constant 1 : i32
        %add3A_183 = arith.addi %mul3A_181, %add3A_182 : i32
        %broadcast_in_dim3A_184 = vector.broadcast %add3A_113 : i32 to vector<16xi32>
        %broadcast_in_dim3A_185 = vector.broadcast %add3A_183 : i32 to vector<16xi32>
        %gather3A_186 = tpu.vector_load_idx %arg12[%broadcast_in_dim3A_184, %broadcast_in_dim3A_185] : memref<80x128xf32, #tpu.memory_space<vmem>>[vector<16xi32>, vector<16xi32>], vector<16xf32>,
        %get3A_187 = arith.index_cast %add3A_183 : i32 to index
        %get3A_188 = arith.constant 0 : index
        %get3A_189 = tpu.vector_load %arg14[%get3A_187, %get3A_188] {strides = array<i32>} : memref<128x48xf32, #tpu.memory_space<vmem>>, vector<16xf32>,
        %mul3A_190 = arith.mulf %get3A_189, %gather3A_186 : vector<16xf32>
        %swap3A_191 = arith.index_cast %add3A_183 : i32 to index
        %swap3A_192 = arith.constant 0 : index
        %swap3A_193 = tpu.vector_load %arg14[%swap3A_191, %swap3A_192] {strides = array<i32>} : memref<128x48xf32, #tpu.memory_space<vmem>>, vector<16xf32>,
        tpu.vector_store %arg14[%swap3A_191, %swap3A_192], %mul3A_190 {strides = array<i32>} : memref<128x48xf32, #tpu.memory_space<vmem>>, vector<16xf32>,
        %get3A_194 = arith.index_cast %add3A_183 : i32 to index
        %get3A_195 = arith.constant 16 : index
        %get3A_196 = tpu.vector_load %arg14[%get3A_194, %get3A_195] {strides = array<i32>} : memref<128x48xf32, #tpu.memory_space<vmem>>, vector<16xf32>,
        %mul3A_197 = arith.mulf %get3A_196, %gather3A_186 : vector<16xf32>
        %swap3A_198 = arith.index_cast %add3A_183 : i32 to index
        %swap3A_199 = arith.constant 16 : index
        %swap3A_200 = tpu.vector_load %arg14[%swap3A_198, %swap3A_199] {strides = array<i32>} : memref<128x48xf32, #tpu.memory_space<vmem>>, vector<16xf32>,
        tpu.vector_store %arg14[%swap3A_198, %swap3A_199], %mul3A_197 {strides = array<i32>} : memref<128x48xf32, #tpu.memory_space<vmem>>, vector<16xf32>,
        %get3A_201 = arith.index_cast %add3A_183 : i32 to index
        %get3A_202 = arith.constant 32 : index
        %get3A_203 = tpu.vector_load %arg14[%get3A_201, %get3A_202] {strides = array<i32>} : memref<128x48xf32, #tpu.memory_space<vmem>>, vector<16xf32>,
        %mul3A_204 = arith.mulf %get3A_203, %gather3A_186 : vector<16xf32>
        %swap3A_205 = arith.index_cast %add3A_183 : i32 to index
        %swap3A_206 = arith.constant 32 : index
        %swap3A_207 = tpu.vector_load %arg14[%swap3A_205, %swap3A_206] {strides = array<i32>} : memref<128x48xf32, #tpu.memory_space<vmem>>, vector<16xf32>,
        tpu.vector_store %arg14[%swap3A_205, %swap3A_206], %mul3A_204 {strides = array<i32>} : memref<128x48xf32, #tpu.memory_space<vmem>>, vector<16xf32>,
        %mul3A_208 = arith.constant 8 : i32
        %mul3A_209 = arith.muli %scan3A_155, %mul3A_208 : i32
        %add3A_210 = arith.constant 2 : i32
        %add3A_211 = arith.addi %mul3A_209, %add3A_210 : i32
        %broadcast_in_dim3A_212 = vector.broadcast %add3A_113 : i32 to vector<16xi32>
        %broadcast_in_dim3A_213 = vector.broadcast %add3A_211 : i32 to vector<16xi32>
        %gather3A_214 = tpu.vector_load_idx %arg12[%broadcast_in_dim3A_212, %broadcast_in_dim3A_213] : memref<80x128xf32, #tpu.memory_space<vmem>>[vector<16xi32>, vector<16xi32>], vector<16xf32>,
        %get3A_215 = arith.index_cast %add3A_211 : i32 to index
        %get3A_216 = arith.constant 0 : index
        %get3A_217 = tpu.vector_load %arg14[%get3A_215, %get3A_216] {strides = array<i32>} : memref<128x48xf32, #tpu.memory_space<vmem>>, vector<16xf32>,
        %mul3A_218 = arith.mulf %get3A_217, %gather3A_214 : vector<16xf32>
        %swap3A_219 = arith.index_cast %add3A_211 : i32 to index
        %swap3A_220 = arith.constant 0 : index
        %swap3A_221 = tpu.vector_load %arg14[%swap3A_219, %swap3A_220] {strides = array<i32>} : memref<128x48xf32, #tpu.memory_space<vmem>>, vector<16xf32>,
        tpu.vector_store %arg14[%swap3A_219, %swap3A_220], %mul3A_218 {strides = array<i32>} : memref<128x48xf32, #tpu.memory_space<vmem>>, vector<16xf32>,
        %get3A_222 = arith.index_cast %add3A_211 : i32 to index
        %get3A_223 = arith.constant 16 : index
        %get3A_224 = tpu.vector_load %arg14[%get3A_222, %get3A_223] {strides = array<i32>} : memref<128x48xf32, #tpu.memory_space<vmem>>, vector<16xf32>,
        %mul3A_225 = arith.mulf %get3A_224, %gather3A_214 : vector<16xf32>
        %swap3A_226 = arith.index_cast %add3A_211 : i32 to index
        %swap3A_227 = arith.constant 16 : index
        %swap3A_228 = tpu.vector_load %arg14[%swap3A_226, %swap3A_227] {strides = array<i32>} : memref<128x48xf32, #tpu.memory_space<vmem>>, vector<16xf32>,
        tpu.vector_store %arg14[%swap3A_226, %swap3A_227], %mul3A_225 {strides = array<i32>} : memref<128x48xf32, #tpu.memory_space<vmem>>, vector<16xf32>,
        %get3A_229 = arith.index_cast %add3A_211 : i32 to index
        %get3A_230 = arith.constant 32 : index
        %get3A_231 = tpu.vector_load %arg14[%get3A_229, %get3A_230] {strides = array<i32>} : memref<128x48xf32, #tpu.memory_space<vmem>>, vector<16xf32>,
        %mul3A_232 = arith.mulf %get3A_231, %gather3A_214 : vector<16xf32>
        %swap3A_233 = arith.index_cast %add3A_211 : i32 to index
        %swap3A_234 = arith.constant 32 : index
        %swap3A_235 = tpu.vector_load %arg14[%swap3A_233, %swap3A_234] {strides = array<i32>} : memref<128x48xf32, #tpu.memory_space<vmem>>, vector<16xf32>,
        tpu.vector_store %arg14[%swap3A_233, %swap3A_234], %mul3A_232 {strides = array<i32>} : memref<128x48xf32, #tpu.memory_space<vmem>>, vector<16xf32>,
        %mul3A_236 = arith.constant 8 : i32
        %mul3A_237 = arith.muli %scan3A_155, %mul3A_236 : i32
        %add3A_238 = arith.constant 3 : i32
        %add3A_239 = arith.addi %mul3A_237, %add3A_238 : i32
        %broadcast_in_dim3A_240 = vector.broadcast %add3A_113 : i32 to vector<16xi32>
        %broadcast_in_dim3A_241 = vector.broadcast %add3A_239 : i32 to vector<16xi32>
        %gather3A_242 = tpu.vector_load_idx %arg12[%broadcast_in_dim3A_240, %broadcast_in_dim3A_241] : memref<80x128xf32, #tpu.memory_space<vmem>>[vector<16xi32>, vector<16xi32>], vector<16xf32>,
        %get3A_243 = arith.index_cast %add3A_239 : i32 to index
        %get3A_244 = arith.constant 0 : index
        %get3A_245 = tpu.vector_load %arg14[%get3A_243, %get3A_244] {strides = array<i32>} : memref<128x48xf32, #tpu.memory_space<vmem>>, vector<16xf32>,
        %mul3A_246 = arith.mulf %get3A_245, %gather3A_242 : vector<16xf32>
        %swap3A_247 = arith.index_cast %add3A_239 : i32 to index
        %swap3A_248 = arith.constant 0 : index
        %swap3A_249 = tpu.vector_load %arg14[%swap3A_247, %swap3A_248] {strides = array<i32>} : memref<128x48xf32, #tpu.memory_space<vmem>>, vector<16xf32>,
        tpu.vector_store %arg14[%swap3A_247, %swap3A_248], %mul3A_246 {strides = array<i32>} : memref<128x48xf32, #tpu.memory_space<vmem>>, vector<16xf32>,
        %get3A_250 = arith.index_cast %add3A_239 : i32 to index
        %get3A_251 = arith.constant 16 : index
        %get3A_252 = tpu.vector_load %arg14[%get3A_250, %get3A_251] {strides = array<i32>} : memref<128x48xf32, #tpu.memory_space<vmem>>, vector<16xf32>,
        %mul3A_253 = arith.mulf %get3A_252, %gather3A_242 : vector<16xf32>
        %swap3A_254 = arith.index_cast %add3A_239 : i32 to index
        %swap3A_255 = arith.constant 16 : index
        %swap3A_256 = tpu.vector_load %arg14[%swap3A_254, %swap3A_255] {strides = array<i32>} : memref<128x48xf32, #tpu.memory_space<vmem>>, vector<16xf32>,
        tpu.vector_store %arg14[%swap3A_254, %swap3A_255], %mul3A_253 {strides = array<i32>} : memref<128x48xf32, #tpu.memory_space<vmem>>, vector<16xf32>,
        %get3A_257 = arith.index_cast %add3A_239 : i32 to index
        %get3A_258 = arith.constant 32 : index
        %get3A_259 = tpu.vector_load %arg14[%get3A_257, %get3A_258] {strides = array<i32>} : memref<128x48xf32, #tpu.memory_space<vmem>>, vector<16xf32>,
        %mul3A_260 = arith.mulf %get3A_259, %gather3A_242 : vector<16xf32>
        %swap3A_261 = arith.index_cast %add3A_239 : i32 to index
        %swap3A_262 = arith.constant 32 : index
        %swap3A_263 = tpu.vector_load %arg14[%swap3A_261, %swap3A_262] {strides = array<i32>} : memref<128x48xf32, #tpu.memory_space<vmem>>, vector<16xf32>,
        tpu.vector_store %arg14[%swap3A_261, %swap3A_262], %mul3A_260 {strides = array<i32>} : memref<128x48xf32, #tpu.memory_space<vmem>>, vector<16xf32>,
        %mul3A_264 = arith.constant 8 : i32
        %mul3A_265 = arith.muli %scan3A_155, %mul3A_264 : i32
        %add3A_266 = arith.constant 4 : i32
        %add3A_267 = arith.addi %mul3A_265, %add3A_266 : i32
        %broadcast_in_dim3A_268 = vector.broadcast %add3A_113 : i32 to vector<16xi32>
        %broadcast_in_dim3A_269 = vector.broadcast %add3A_267 : i32 to vector<16xi32>
        %gather3A_270 = tpu.vector_load_idx %arg12[%broadcast_in_dim3A_268, %broadcast_in_dim3A_269] : memref<80x128xf32, #tpu.memory_space<vmem>>[vector<16xi32>, vector<16xi32>], vector<16xf32>,
        %get3A_271 = arith.index_cast %add3A_267 : i32 to index
        %get3A_272 = arith.constant 0 : index
        %get3A_273 = tpu.vector_load %arg14[%get3A_271, %get3A_272] {strides = array<i32>} : memref<128x48xf32, #tpu.memory_space<vmem>>, vector<16xf32>,
        %mul3A_274 = arith.mulf %get3A_273, %gather3A_270 : vector<16xf32>
        %swap3A_275 = arith.index_cast %add3A_267 : i32 to index
        %swap3A_276 = arith.constant 0 : index
        %swap3A_277 = tpu.vector_load %arg14[%swap3A_275, %swap3A_276] {strides = array<i32>} : memref<128x48xf32, #tpu.memory_space<vmem>>, vector<16xf32>,
        tpu.vector_store %arg14[%swap3A_275, %swap3A_276], %mul3A_274 {strides = array<i32>} : memref<128x48xf32, #tpu.memory_space<vmem>>, vector<16xf32>,
        %get3A_278 = arith.index_cast %add3A_267 : i32 to index
        %get3A_279 = arith.constant 16 : index
        %get3A_280 = tpu.vector_load %arg14[%get3A_278, %get3A_279] {strides = array<i32>} : memref<128x48xf32, #tpu.memory_space<vmem>>, vector<16xf32>,
        %mul3A_281 = arith.mulf %get3A_280, %gather3A_270 : vector<16xf32>
        %swap3A_282 = arith.index_cast %add3A_267 : i32 to index
        %swap3A_283 = arith.constant 16 : index
        %swap3A_284 = tpu.vector_load %arg14[%swap3A_282, %swap3A_283] {strides = array<i32>} : memref<128x48xf32, #tpu.memory_space<vmem>>, vector<16xf32>,
        tpu.vector_store %arg14[%swap3A_282, %swap3A_283], %mul3A_281 {strides = array<i32>} : memref<128x48xf32, #tpu.memory_space<vmem>>, vector<16xf32>,
        %get3A_285 = arith.index_cast %add3A_267 : i32 to index
        %get3A_286 = arith.constant 32 : index
        %get3A_287 = tpu.vector_load %arg14[%get3A_285, %get3A_286] {strides = array<i32>} : memref<128x48xf32, #tpu.memory_space<vmem>>, vector<16xf32>,
        %mul3A_288 = arith.mulf %get3A_287, %gather3A_270 : vector<16xf32>
        %swap3A_289 = arith.index_cast %add3A_267 : i32 to index
        %swap3A_290 = arith.constant 32 : index
        %swap3A_291 = tpu.vector_load %arg14[%swap3A_289, %swap3A_290] {strides = array<i32>} : memref<128x48xf32, #tpu.memory_space<vmem>>, vector<16xf32>,
        tpu.vector_store %arg14[%swap3A_289, %swap3A_290], %mul3A_288 {strides = array<i32>} : memref<128x48xf32, #tpu.memory_space<vmem>>, vector<16xf32>,
        %mul3A_292 = arith.constant 8 : i32
        %mul3A_293 = arith.muli %scan3A_155, %mul3A_292 : i32
        %add3A_294 = arith.constant 5 : i32
        %add3A_295 = arith.addi %mul3A_293, %add3A_294 : i32
        %broadcast_in_dim3A_296 = vector.broadcast %add3A_113 : i32 to vector<16xi32>
        %broadcast_in_dim3A_297 = vector.broadcast %add3A_295 : i32 to vector<16xi32>
        %gather3A_298 = tpu.vector_load_idx %arg12[%broadcast_in_dim3A_296, %broadcast_in_dim3A_297] : memref<80x128xf32, #tpu.memory_space<vmem>>[vector<16xi32>, vector<16xi32>], vector<16xf32>,
        %get3A_299 = arith.index_cast %add3A_295 : i32 to index
        %get3A_300 = arith.constant 0 : index
        %get3A_301 = tpu.vector_load %arg14[%get3A_299, %get3A_300] {strides = array<i32>} : memref<128x48xf32, #tpu.memory_space<vmem>>, vector<16xf32>,
        %mul3A_302 = arith.mulf %get3A_301, %gather3A_298 : vector<16xf32>
        %swap3A_303 = arith.index_cast %add3A_295 : i32 to index
        %swap3A_304 = arith.constant 0 : index
        %swap3A_305 = tpu.vector_load %arg14[%swap3A_303, %swap3A_304] {strides = array<i32>} : memref<128x48xf32, #tpu.memory_space<vmem>>, vector<16xf32>,
        tpu.vector_store %arg14[%swap3A_303, %swap3A_304], %mul3A_302 {strides = array<i32>} : memref<128x48xf32, #tpu.memory_space<vmem>>, vector<16xf32>,
        %get3A_306 = arith.index_cast %add3A_295 : i32 to index
        %get3A_307 = arith.constant 16 : index
        %get3A_308 = tpu.vector_load %arg14[%get3A_306, %get3A_307] {strides = array<i32>} : memref<128x48xf32, #tpu.memory_space<vmem>>, vector<16xf32>,
        %mul3A_309 = arith.mulf %get3A_308, %gather3A_298 : vector<16xf32>
        %swap3A_310 = arith.index_cast %add3A_295 : i32 to index
        %swap3A_311 = arith.constant 16 : index
        %swap3A_312 = tpu.vector_load %arg14[%swap3A_310, %swap3A_311] {strides = array<i32>} : memref<128x48xf32, #tpu.memory_space<vmem>>, vector<16xf32>,
        tpu.vector_store %arg14[%swap3A_310, %swap3A_311], %mul3A_309 {strides = array<i32>} : memref<128x48xf32, #tpu.memory_space<vmem>>, vector<16xf32>,
        %get3A_313 = arith.index_cast %add3A_295 : i32 to index
        %get3A_314 = arith.constant 32 : index
        %get3A_315 = tpu.vector_load %arg14[%get3A_313, %get3A_314] {strides = array<i32>} : memref<128x48xf32, #tpu.memory_space<vmem>>, vector<16xf32>,
        %mul3A_316 = arith.mulf %get3A_315, %gather3A_298 : vector<16xf32>
        %swap3A_317 = arith.index_cast %add3A_295 : i32 to index
        %swap3A_318 = arith.constant 32 : index
        %swap3A_319 = tpu.vector_load %arg14[%swap3A_317, %swap3A_318] {strides = array<i32>} : memref<128x48xf32, #tpu.memory_space<vmem>>, vector<16xf32>,
        tpu.vector_store %arg14[%swap3A_317, %swap3A_318], %mul3A_316 {strides = array<i32>} : memref<128x48xf32, #tpu.memory_space<vmem>>, vector<16xf32>,
        %mul3A_320 = arith.constant 8 : i32
        %mul3A_321 = arith.muli %scan3A_155, %mul3A_320 : i32
        %add3A_322 = arith.constant 6 : i32
        %add3A_323 = arith.addi %mul3A_321, %add3A_322 : i32
        %broadcast_in_dim3A_324 = vector.broadcast %add3A_113 : i32 to vector<16xi32>
        %broadcast_in_dim3A_325 = vector.broadcast %add3A_323 : i32 to vector<16xi32>
        %gather3A_326 = tpu.vector_load_idx %arg12[%broadcast_in_dim3A_324, %broadcast_in_dim3A_325] : memref<80x128xf32, #tpu.memory_space<vmem>>[vector<16xi32>, vector<16xi32>], vector<16xf32>,
        %get3A_327 = arith.index_cast %add3A_323 : i32 to index
        %get3A_328 = arith.constant 0 : index
        %get3A_329 = tpu.vector_load %arg14[%get3A_327, %get3A_328] {strides = array<i32>} : memref<128x48xf32, #tpu.memory_space<vmem>>, vector<16xf32>,
        %mul3A_330 = arith.mulf %get3A_329, %gather3A_326 : vector<16xf32>
        %swap3A_331 = arith.index_cast %add3A_323 : i32 to index
        %swap3A_332 = arith.constant 0 : index
        %swap3A_333 = tpu.vector_load %arg14[%swap3A_331, %swap3A_332] {strides = array<i32>} : memref<128x48xf32, #tpu.memory_space<vmem>>, vector<16xf32>,
        tpu.vector_store %arg14[%swap3A_331, %swap3A_332], %mul3A_330 {strides = array<i32>} : memref<128x48xf32, #tpu.memory_space<vmem>>, vector<16xf32>,
        %get3A_334 = arith.index_cast %add3A_323 : i32 to index
        %get3A_335 = arith.constant 16 : index
        %get3A_336 = tpu.vector_load %arg14[%get3A_334, %get3A_335] {strides = array<i32>} : memref<128x48xf32, #tpu.memory_space<vmem>>, vector<16xf32>,
        %mul3A_337 = arith.mulf %get3A_336, %gather3A_326 : vector<16xf32>
        %swap3A_338 = arith.index_cast %add3A_323 : i32 to index
        %swap3A_339 = arith.constant 16 : index
        %swap3A_340 = tpu.vector_load %arg14[%swap3A_338, %swap3A_339] {strides = array<i32>} : memref<128x48xf32, #tpu.memory_space<vmem>>, vector<16xf32>,
        tpu.vector_store %arg14[%swap3A_338, %swap3A_339], %mul3A_337 {strides = array<i32>} : memref<128x48xf32, #tpu.memory_space<vmem>>, vector<16xf32>,
        %get3A_341 = arith.index_cast %add3A_323 : i32 to index
        %get3A_342 = arith.constant 32 : index
        %get3A_343 = tpu.vector_load %arg14[%get3A_341, %get3A_342] {strides = array<i32>} : memref<128x48xf32, #tpu.memory_space<vmem>>, vector<16xf32>,
        %mul3A_344 = arith.mulf %get3A_343, %gather3A_326 : vector<16xf32>
        %swap3A_345 = arith.index_cast %add3A_323 : i32 to index
        %swap3A_346 = arith.constant 32 : index
        %swap3A_347 = tpu.vector_load %arg14[%swap3A_345, %swap3A_346] {strides = array<i32>} : memref<128x48xf32, #tpu.memory_space<vmem>>, vector<16xf32>,
        tpu.vector_store %arg14[%swap3A_345, %swap3A_346], %mul3A_344 {strides = array<i32>} : memref<128x48xf32, #tpu.memory_space<vmem>>, vector<16xf32>,
        %mul3A_348 = arith.constant 8 : i32
        %mul3A_349 = arith.muli %scan3A_155, %mul3A_348 : i32
        %add3A_350 = arith.constant 7 : i32
        %add3A_351 = arith.addi %mul3A_349, %add3A_350 : i32
        %broadcast_in_dim3A_352 = vector.broadcast %add3A_113 : i32 to vector<16xi32>
        %broadcast_in_dim3A_353 = vector.broadcast %add3A_351 : i32 to vector<16xi32>
        %gather3A_354 = tpu.vector_load_idx %arg12[%broadcast_in_dim3A_352, %broadcast_in_dim3A_353] : memref<80x128xf32, #tpu.memory_space<vmem>>[vector<16xi32>, vector<16xi32>], vector<16xf32>,
        %get3A_355 = arith.index_cast %add3A_351 : i32 to index
        %get3A_356 = arith.constant 0 : index
        %get3A_357 = tpu.vector_load %arg14[%get3A_355, %get3A_356] {strides = array<i32>} : memref<128x48xf32, #tpu.memory_space<vmem>>, vector<16xf32>,
        %mul3A_358 = arith.mulf %get3A_357, %gather3A_354 : vector<16xf32>
        %swap3A_359 = arith.index_cast %add3A_351 : i32 to index
        %swap3A_360 = arith.constant 0 : index
        %swap3A_361 = tpu.vector_load %arg14[%swap3A_359, %swap3A_360] {strides = array<i32>} : memref<128x48xf32, #tpu.memory_space<vmem>>, vector<16xf32>,
        tpu.vector_store %arg14[%swap3A_359, %swap3A_360], %mul3A_358 {strides = array<i32>} : memref<128x48xf32, #tpu.memory_space<vmem>>, vector<16xf32>,
        %get3A_362 = arith.index_cast %add3A_351 : i32 to index
        %get3A_363 = arith.constant 16 : index
        %get3A_364 = tpu.vector_load %arg14[%get3A_362, %get3A_363] {strides = array<i32>} : memref<128x48xf32, #tpu.memory_space<vmem>>, vector<16xf32>,
        %mul3A_365 = arith.mulf %get3A_364, %gather3A_354 : vector<16xf32>
        %swap3A_366 = arith.index_cast %add3A_351 : i32 to index
        %swap3A_367 = arith.constant 16 : index
        %swap3A_368 = tpu.vector_load %arg14[%swap3A_366, %swap3A_367] {strides = array<i32>} : memref<128x48xf32, #tpu.memory_space<vmem>>, vector<16xf32>,
        tpu.vector_store %arg14[%swap3A_366, %swap3A_367], %mul3A_365 {strides = array<i32>} : memref<128x48xf32, #tpu.memory_space<vmem>>, vector<16xf32>,
        %get3A_369 = arith.index_cast %add3A_351 : i32 to index
        %get3A_370 = arith.constant 32 : index
        %get3A_371 = tpu.vector_load %arg14[%get3A_369, %get3A_370] {strides = array<i32>} : memref<128x48xf32, #tpu.memory_space<vmem>>, vector<16xf32>,
        %mul3A_372 = arith.mulf %get3A_371, %gather3A_354 : vector<16xf32>
        %swap3A_373 = arith.index_cast %add3A_351 : i32 to index
        %swap3A_374 = arith.constant 32 : index
        %swap3A_375 = tpu.vector_load %arg14[%swap3A_373, %swap3A_374] {strides = array<i32>} : memref<128x48xf32, #tpu.memory_space<vmem>>, vector<16xf32>,
        tpu.vector_store %arg14[%swap3A_373, %swap3A_374], %mul3A_372 {strides = array<i32>} : memref<128x48xf32, #tpu.memory_space<vmem>>, vector<16xf32>,
      }
      %scan3A_141 = arith.constant 16 : i32
      %dma_start3A_142 = arith.constant 0 : i32
      %dma_start3A_143 = tpu.memref_slice %arg11[%add3A_113, %dma_start3A_142] : memref<80x128xi32, #tpu.memory_space<vmem>> -> memref<1x128xi32, #tpu.memory_space<vmem>>
      %dma_start3A_144 = tpu.memref_squeeze %dma_start3A_143 : memref<1x128xi32, #tpu.memory_space<vmem>> -> memref<128xi32, #tpu.memory_space<vmem>>
      %dma_start3A_145 = arith.constant 0 : i32
      %dma_start3A_146 = arith.constant 0 : i32
      %dma_start3A_147 = tpu.memref_slice %arg9[%dma_start3A_145, %dma_start3A_146] : memref<10240x48xf32, #tpu.memory_space<vmem_shared>> -> memref<10240x48xf32, #tpu.memory_space<vmem_shared>>
      tpu.enqueue_indirect_dma source(%arg14 : memref<128x48xf32, #tpu.memory_space<vmem>>) target(%dma_start3A_147 : memref<10240x48xf32, #tpu.memory_space<vmem_shared>>) offsets(%dma_start3A_144 : memref<128xi32, #tpu.memory_space<vmem>>) semaphore(%arg19 : memref<!tpu.dma_semaphore, #tpu.memory_space<semaphore_mem>>) {add = true}
      %add3A_148 = arith.constant 2 : i32
      %add3A_149 = arith.addi %mul3A_111, %add3A_148 : i32
      %lt3A_150 = arith.constant 80 : i32
      %lt3A_151 = arith.cmpi slt, %add3A_149, %lt3A_150 : i32
      %convert_element_type3A_152 = arith.extui %lt3A_151 : i1 to i32
      %cond3A_153 = arith.constant 0 : i32
      %cond3A_154 = arith.cmpi ne, %convert_element_type3A_152, %cond3A_153 : i32
      scf.if %cond3A_154 {
        %dma_wait3A_155 = arith.constant 0 : i32
        %dma_wait3A_156 = tpu.memref_slice %arg11[%mul3A_111, %dma_wait3A_155] : memref<80x128xi32, #tpu.memory_space<vmem>> -> memref<1x128xi32, #tpu.memory_space<vmem>>
        %dma_wait3A_157 = tpu.memref_squeeze %dma_wait3A_156 : memref<1x128xi32, #tpu.memory_space<vmem>> -> memref<128xi32, #tpu.memory_space<vmem>>
        %dma_wait3A_158 = arith.constant 0 : i32
        %dma_wait3A_159 = arith.constant 0 : i32
        %dma_wait3A_160 = tpu.memref_slice %arg9[%dma_wait3A_158, %dma_wait3A_159] : memref<10240x48xf32, #tpu.memory_space<vmem_shared>> -> memref<10240x48xf32, #tpu.memory_space<vmem_shared>>
        tpu.wait_indirect_dma semaphore(%arg18 : memref<!tpu.dma_semaphore, #tpu.memory_space<semaphore_mem>>) src(%arg13 : memref<128x48xf32, #tpu.memory_space<vmem>>) dst(%dma_wait3A_160 : memref<10240x48xf32, #tpu.memory_space<vmem_shared>>)
        %add3A_161 = arith.constant 2 : i32
        %add3A_162 = arith.addi %mul3A_111, %add3A_161 : i32
        %dma_start3A_163 = arith.constant 0 : i32
        %dma_start3A_164 = tpu.memref_slice %arg10[%add3A_162, %dma_start3A_163] : memref<80x128xi32, #tpu.memory_space<vmem>> -> memref<1x128xi32, #tpu.memory_space<vmem>>
        %dma_start3A_165 = tpu.memref_squeeze %dma_start3A_164 : memref<1x128xi32, #tpu.memory_space<vmem>> -> memref<128xi32, #tpu.memory_space<vmem>>
        %dma_start3A_166 = arith.constant 0 : i32
        %dma_start3A_167 = arith.constant 0 : i32
        %dma_start3A_168 = tpu.memref_slice %arg8[%dma_start3A_166, %dma_start3A_167] : memref<10240x48xf32, #tpu.memory_space<vmem_shared>> -> memref<10240x48xf32, #tpu.memory_space<vmem_shared>>
        tpu.enqueue_indirect_dma source(%dma_start3A_168 : memref<10240x48xf32, #tpu.memory_space<vmem_shared>>) target(%arg13 : memref<128x48xf32, #tpu.memory_space<vmem>>) offsets(%dma_start3A_165 : memref<128xi32, #tpu.memory_space<vmem>>) semaphore(%arg16 : memref<!tpu.dma_semaphore, #tpu.memory_space<semaphore_mem>>)
        %dma_wait3A_169 = arith.constant 0 : i32
        %dma_wait3A_170 = tpu.memref_slice %arg11[%add3A_113, %dma_wait3A_169] : memref<80x128xi32, #tpu.memory_space<vmem>> -> memref<1x128xi32, #tpu.memory_space<vmem>>
        %dma_wait3A_171 = tpu.memref_squeeze %dma_wait3A_170 : memref<1x128xi32, #tpu.memory_space<vmem>> -> memref<128xi32, #tpu.memory_space<vmem>>
        %dma_wait3A_172 = arith.constant 0 : i32
        %dma_wait3A_173 = arith.constant 0 : i32
        %dma_wait3A_174 = tpu.memref_slice %arg9[%dma_wait3A_172, %dma_wait3A_173] : memref<10240x48xf32, #tpu.memory_space<vmem_shared>> -> memref<10240x48xf32, #tpu.memory_space<vmem_shared>>
        tpu.wait_indirect_dma semaphore(%arg19 : memref<!tpu.dma_semaphore, #tpu.memory_space<semaphore_mem>>) src(%arg14 : memref<128x48xf32, #tpu.memory_space<vmem>>) dst(%dma_wait3A_174 : memref<10240x48xf32, #tpu.memory_space<vmem_shared>>)
        %add3A_175 = arith.constant 2 : i32
        %add3A_176 = arith.addi %add3A_113, %add3A_175 : i32
        %dma_start3A_177 = arith.constant 0 : i32
        %dma_start3A_178 = tpu.memref_slice %arg10[%add3A_176, %dma_start3A_177] : memref<80x128xi32, #tpu.memory_space<vmem>> -> memref<1x128xi32, #tpu.memory_space<vmem>>
        %dma_start3A_179 = tpu.memref_squeeze %dma_start3A_178 : memref<1x128xi32, #tpu.memory_space<vmem>> -> memref<128xi32, #tpu.memory_space<vmem>>
        %dma_start3A_180 = arith.constant 0 : i32
        %dma_start3A_181 = arith.constant 0 : i32
        %dma_start3A_182 = tpu.memref_slice %arg8[%dma_start3A_180, %dma_start3A_181] : memref<10240x48xf32, #tpu.memory_space<vmem_shared>> -> memref<10240x48xf32, #tpu.memory_space<vmem_shared>>
        tpu.enqueue_indirect_dma source(%dma_start3A_182 : memref<10240x48xf32, #tpu.memory_space<vmem_shared>>) target(%arg14 : memref<128x48xf32, #tpu.memory_space<vmem>>) offsets(%dma_start3A_179 : memref<128xi32, #tpu.memory_space<vmem>>) semaphore(%arg17 : memref<!tpu.dma_semaphore, #tpu.memory_space<semaphore_mem>>)
      } else {
      }
    }
    %scan3A_88 = arith.constant 40 : i32
    %dma_wait3A_89 = arith.constant 78 : i32
    %dma_wait3A_90 = arith.constant 0 : i32
    %dma_wait3A_91 = tpu.memref_slice %arg11[%dma_wait3A_89, %dma_wait3A_90] : memref<80x128xi32, #tpu.memory_space<vmem>> -> memref<1x128xi32, #tpu.memory_space<vmem>>
    %dma_wait3A_92 = tpu.memref_squeeze %dma_wait3A_91 : memref<1x128xi32, #tpu.memory_space<vmem>> -> memref<128xi32, #tpu.memory_space<vmem>>
    %dma_wait3A_93 = arith.constant 0 : i32
    %dma_wait3A_94 = arith.constant 0 : i32
    %dma_wait3A_95 = tpu.memref_slice %arg9[%dma_wait3A_93, %dma_wait3A_94] : memref<10240x48xf32, #tpu.memory_space<vmem_shared>> -> memref<10240x48xf32, #tpu.memory_space<vmem_shared>>
    tpu.wait_indirect_dma semaphore(%arg18 : memref<!tpu.dma_semaphore, #tpu.memory_space<semaphore_mem>>) src(%arg13 : memref<128x48xf32, #tpu.memory_space<vmem>>) dst(%dma_wait3A_95 : memref<10240x48xf32, #tpu.memory_space<vmem_shared>>)
    %dma_wait3A_96 = arith.constant 79 : i32
    %dma_wait3A_97 = arith.constant 0 : i32
    %dma_wait3A_98 = tpu.memref_slice %arg11[%dma_wait3A_96, %dma_wait3A_97] : memref<80x128xi32, #tpu.memory_space<vmem>> -> memref<1x128xi32, #tpu.memory_space<vmem>>
    %dma_wait3A_99 = tpu.memref_squeeze %dma_wait3A_98 : memref<1x128xi32, #tpu.memory_space<vmem>> -> memref<128xi32, #tpu.memory_space<vmem>>
    %dma_wait3A_100 = arith.constant 0 : i32
    %dma_wait3A_101 = arith.constant 0 : i32
    %dma_wait3A_102 = tpu.memref_slice %arg9[%dma_wait3A_100, %dma_wait3A_101] : memref<10240x48xf32, #tpu.memory_space<vmem_shared>> -> memref<10240x48xf32, #tpu.memory_space<vmem_shared>>
    tpu.wait_indirect_dma semaphore(%arg19 : memref<!tpu.dma_semaphore, #tpu.memory_space<semaphore_mem>>) src(%arg14 : memref<128x48xf32, #tpu.memory_space<vmem>>) dst(%dma_wait3A_102 : memref<10240x48xf32, #tpu.memory_space<vmem_shared>>)
    %barrier3A_103 = arith.constant 0 : index
    tpu.barrier barrier_id(%barrier3A_103)
    %mul3A_104 = arith.constant 640 : i32
    %mul3A_105 = arith.muli %arg1, %mul3A_104 : i32
    %mul3A_106 = arith.constant 640 : i32
    %mul3A_107 = arith.muli %arg1, %mul3A_106 : i32
    %run_scoped3A_108 = arith.constant 1 : i32
    "tpu.region"() ({
      %run_scoped3A_109 = tpu.sem_alloc : memref<!tpu.dma_semaphore, #tpu.memory_space<semaphore_mem>>
      %dma_start3A_110 = arith.constant 0 : i32
      %dma_start3A_111 = tpu.memref_slice %arg7[%arg0, %run_scoped3A_108, %mul3A_107, %dma_start3A_110] : memref<2x2x10240x48xf32, #tpu.memory_space<hbm>> -> memref<1x1x640x48xf32, #tpu.memory_space<hbm>>
      %dma_start3A_112 = tpu.memref_squeeze %dma_start3A_111 : memref<1x1x640x48xf32, #tpu.memory_space<hbm>> -> memref<640x48xf32, #tpu.memory_space<hbm>>
      %dma_start3A_113 = arith.constant 0 : i32
      %dma_start3A_114 = tpu.memref_slice %arg9[%mul3A_105, %dma_start3A_113] : memref<10240x48xf32, #tpu.memory_space<vmem_shared>> -> memref<640x48xf32, #tpu.memory_space<vmem_shared>>
      tpu.enqueue_dma source(%dma_start3A_114 : memref<640x48xf32, #tpu.memory_space<vmem_shared>>) target(%dma_start3A_112 : memref<640x48xf32, #tpu.memory_space<hbm>>) target_semaphore(%run_scoped3A_109 : memref<!tpu.dma_semaphore, #tpu.memory_space<semaphore_mem>>)
      %dma_wait3A_115 = arith.constant 0 : i32
      %dma_wait3A_116 = tpu.memref_slice %arg7[%arg0, %run_scoped3A_108, %mul3A_107, %dma_wait3A_115] : memref<2x2x10240x48xf32, #tpu.memory_space<hbm>> -> memref<1x1x640x48xf32, #tpu.memory_space<hbm>>
      %dma_wait3A_117 = tpu.memref_squeeze %dma_wait3A_116 : memref<1x1x640x48xf32, #tpu.memory_space<hbm>> -> memref<640x48xf32, #tpu.memory_space<hbm>>
      %dma_wait3A_118 = arith.constant 0 : i32
      %dma_wait3A_119 = tpu.memref_slice %arg9[%mul3A_105, %dma_wait3A_118] : memref<10240x48xf32, #tpu.memory_space<vmem_shared>> -> memref<640x48xf32, #tpu.memory_space<vmem_shared>>
      tpu.wait_dma2 semaphore(%run_scoped3A_109 : memref<!tpu.dma_semaphore, #tpu.memory_space<semaphore_mem>>) src(%dma_wait3A_119 : memref<640x48xf32, #tpu.memory_space<vmem_shared>>) dst(%dma_wait3A_117 : memref<640x48xf32, #tpu.memory_space<hbm>>)
      tpu.yield
    }) : () -> ()
    return
  }
}

module attributes {stable_mosaic.version = 14 : i64} {
  func.func @_a_body(%arg0: i32, %arg1: memref<1000x128xf32, #tpu.memory_space<vmem>>, %arg2: memref<1000x1xf32, #tpu.memory_space<vmem>>, %arg3: memref<1000x1xf32, #tpu.memory_space<vmem>>, %arg4: memref<32x128xf32, #tpu.memory_space<vmem>>, %arg5: memref<32x128xf32, #tpu.memory_space<vmem>>, %arg6: memref<32x128xf32, #tpu.memory_space<vmem>>, %arg7: memref<32x64xf32, #tpu.memory_space<vmem>>, %arg8: memref<32x64xf32, #tpu.memory_space<vmem>>, %arg9: memref<32x64xf32, #tpu.memory_space<vmem>>, %arg10: memref<1000x48xf32, #tpu.memory_space<vmem>>, %arg11: memref<1000x48xf32, #tpu.memory_space<vmem>>, %arg12: memref<1000x1xf32, #tpu.memory_space<vmem>>) attributes {dimension_semantics = [#tpu.dimension_semantics<arbitrary>], iteration_bounds = array<i64: 10>, scalar_prefetch = 0 : i64, scratch_operands = 0 : i64, tpu.core_type = #tpu.core_type<tc>, window_params = [{transform_indices = @transform_0, window_bounds = array<i64: 1000, 128>}, {transform_indices = @transform_1, window_bounds = array<i64: 1000, 1>}, {transform_indices = @transform_2, window_bounds = array<i64: 1000, 1>}, {pipeline_mode = #tpu.pipeline_mode<synchronous>, transform_indices = @transform_3, window_bounds = array<i64: 32, 128>}, {pipeline_mode = #tpu.pipeline_mode<synchronous>, transform_indices = @transform_4, window_bounds = array<i64: 32, 128>}, {pipeline_mode = #tpu.pipeline_mode<synchronous>, transform_indices = @transform_5, window_bounds = array<i64: 32, 128>}, {pipeline_mode = #tpu.pipeline_mode<synchronous>, transform_indices = @transform_6, window_bounds = array<i64: 32, 64>}, {pipeline_mode = #tpu.pipeline_mode<synchronous>, transform_indices = @transform_7, window_bounds = array<i64: 32, 64>}, {pipeline_mode = #tpu.pipeline_mode<synchronous>, transform_indices = @transform_8, window_bounds = array<i64: 32, 64>}, {transform_indices = @transform_9, window_bounds = array<i64: 1000, 48>}, {transform_indices = @transform_10, window_bounds = array<i64: 1000, 48>}, {transform_indices = @transform_11, window_bounds = array<i64: 1000, 1>}]} {
    %get3A = arith.constant 0 : index
    %get3A_0 = arith.constant 0 : index
    %get3A_1 = vector.load %arg7[%get3A, %get3A_0] : memref<32x64xf32, #tpu.memory_space<vmem>>, vector<32x32xf32>
    %get3A_2 = arith.constant 0 : index
    %get3A_3 = arith.constant 0 : index
    %get3A_4 = vector.load %arg8[%get3A_2, %get3A_3] : memref<32x64xf32, #tpu.memory_space<vmem>>, vector<32x32xf32>
    %get3A_5 = arith.constant 0 : index
    %get3A_6 = arith.constant 0 : index
    %get3A_7 = vector.load %arg9[%get3A_5, %get3A_6] : memref<32x64xf32, #tpu.memory_space<vmem>>, vector<32x32xf32>
    %get3A_8 = arith.constant 0 : index
    %get3A_9 = arith.constant 0 : index
    %get3A_10 = vector.load %arg4[%get3A_8, %get3A_9] : memref<32x128xf32, #tpu.memory_space<vmem>>, vector<32x128xf32>
    %dot_general3A = arith.constant dense<0.000000e+00> : vector<32x128xf32>
    %dot_general3A_11 = tpu.matmul %get3A_1, %get3A_10, %dot_general3A {dimension_numbers = #tpu.dot_dimension_numbers<[1], [0], [0], [1], [0, 0, 1, 1], [], []>, transpose_lhs_hint = false} : vector<32x32xf32>, vector<32x128xf32>, vector<32x128xf32> -> vector<32x128xf32>
    %get3A_12 = arith.constant 0 : index
    %get3A_13 = arith.constant 0 : index
    %get3A_14 = vector.load %arg5[%get3A_12, %get3A_13] : memref<32x128xf32, #tpu.memory_space<vmem>>, vector<32x128xf32>
    %dot_general3A_15 = arith.constant dense<0.000000e+00> : vector<32x128xf32>
    %dot_general3A_16 = tpu.matmul %get3A_4, %get3A_14, %dot_general3A_15 {dimension_numbers = #tpu.dot_dimension_numbers<[1], [0], [0], [1], [0, 0, 1, 1], [], []>, transpose_lhs_hint = false} : vector<32x32xf32>, vector<32x128xf32>, vector<32x128xf32> -> vector<32x128xf32>
    %get3A_17 = arith.constant 0 : index
    %get3A_18 = arith.constant 0 : index
    %get3A_19 = vector.load %arg6[%get3A_17, %get3A_18] : memref<32x128xf32, #tpu.memory_space<vmem>>, vector<32x128xf32>
    %dot_general3A_20 = arith.constant dense<0.000000e+00> : vector<32x128xf32>
    %dot_general3A_21 = tpu.matmul %get3A_7, %get3A_19, %dot_general3A_20 {dimension_numbers = #tpu.dot_dimension_numbers<[1], [0], [0], [1], [0, 0, 1, 1], [], []>, transpose_lhs_hint = false} : vector<32x32xf32>, vector<32x128xf32>, vector<32x128xf32> -> vector<32x128xf32>
    %concatenate3A = tpu.concatenate %dot_general3A_11, %dot_general3A_16, %dot_general3A_21 in 0 : vector<32x128xf32>, vector<32x128xf32>, vector<32x128xf32> -> vector<96x128xf32>
    %get3A_22 = arith.constant 0 : index
    %get3A_23 = arith.constant 0 : index
    %get3A_24 = vector.load %arg1[%get3A_22, %get3A_23] : memref<1000x128xf32, #tpu.memory_space<vmem>>, vector<1000x128xf32>
    %transpose3A = tpu.transpose %concatenate3A, [1, 0] : vector<96x128xf32> -> vector<128x96xf32>
    %dot_general3A_25 = arith.constant dense<0.000000e+00> : vector<1000x96xf32>
    %dot_general3A_26 = tpu.matmul %get3A_24, %transpose3A, %dot_general3A_25 {dimension_numbers = #tpu.dot_dimension_numbers<[1], [0], [0], [1], [0, 0, 1, 1], [], []>, transpose_lhs_hint = false} : vector<1000x128xf32>, vector<128x96xf32>, vector<1000x96xf32> -> vector<1000x96xf32>
    %get3A_27 = arith.constant 0 : index
    %get3A_28 = arith.constant 0 : index
    %get3A_29 = vector.load %arg2[%get3A_27, %get3A_28] : memref<1000x1xf32, #tpu.memory_space<vmem>>, vector<1000x1xf32>
    %get3A_30 = arith.constant 0 : index
    %get3A_31 = arith.constant 0 : index
    %get3A_32 = vector.load %arg3[%get3A_30, %get3A_31] : memref<1000x1xf32, #tpu.memory_space<vmem>>, vector<1000x1xf32>
    %add3A = arith.addf %get3A_29, %get3A_32 : vector<1000x1xf32>
    %add3A_33 = arith.constant 1.000000e+00 : f32
    %add3A_34 = vector.broadcast %add3A_33 : f32 to vector<1000x1xf32>
    %add3A_35 = arith.addf %add3A, %add3A_34 : vector<1000x1xf32>
    %rsqrt3A = math.rsqrt %add3A_35 : vector<1000x1xf32>
    %swap3A = arith.constant 0 : index
    %swap3A_36 = arith.constant 0 : index
    %swap3A_37 = vector.load %arg12[%swap3A, %swap3A_36] : memref<1000x1xf32, #tpu.memory_space<vmem>>, vector<1000x1xf32>
    tpu.vector_store %arg12[%swap3A, %swap3A_36], %rsqrt3A {strides = array<i32>} : memref<1000x1xf32, #tpu.memory_space<vmem>>, vector<1000x1xf32>,
    %mul3A = vector.broadcast %rsqrt3A : vector<1000x1xf32> to vector<1000x96xf32>
    %mul3A_38 = arith.mulf %dot_general3A_26, %mul3A : vector<1000x96xf32>
    %slice3A = vector.extract_strided_slice %mul3A_38 {offsets = [0, 0], sizes = [1000, 48], strides = [1, 1]} : vector<1000x96xf32> to vector<1000x48xf32>
    %swap3A_39 = arith.constant 0 : index
    %swap3A_40 = arith.constant 0 : index
    %swap3A_41 = vector.load %arg10[%swap3A_39, %swap3A_40] : memref<1000x48xf32, #tpu.memory_space<vmem>>, vector<1000x48xf32>
    tpu.vector_store %arg10[%swap3A_39, %swap3A_40], %slice3A {strides = array<i32>} : memref<1000x48xf32, #tpu.memory_space<vmem>>, vector<1000x48xf32>,
    %slice3A_42 = vector.extract_strided_slice %mul3A_38 {offsets = [0, 48], sizes = [1000, 48], strides = [1, 1]} : vector<1000x96xf32> to vector<1000x48xf32>
    %swap3A_43 = arith.constant 0 : index
    %swap3A_44 = arith.constant 0 : index
    %swap3A_45 = vector.load %arg11[%swap3A_43, %swap3A_44] : memref<1000x48xf32, #tpu.memory_space<vmem>>, vector<1000x48xf32>
    tpu.vector_store %arg11[%swap3A_43, %swap3A_44], %slice3A_42 {strides = array<i32>} : memref<1000x48xf32, #tpu.memory_space<vmem>>, vector<1000x48xf32>,
    return
  }
  func.func @transform_0(%arg0: i32) -> (i32, i32) {
    %c0_i32 = arith.constant 0 : i32
    %c0_i32_0 = arith.constant 0 : i32
    return %arg0, %c0_i32 : i32, i32
  }
  func.func @transform_1(%arg0: i32) -> (i32, i32) {
    %c0_i32 = arith.constant 0 : i32
    %c0_i32_0 = arith.constant 0 : i32
    return %arg0, %c0_i32 : i32, i32
  }
  func.func @transform_2(%arg0: i32) -> (i32, i32) {
    %c0_i32 = arith.constant 0 : i32
    %c0_i32_0 = arith.constant 0 : i32
    return %arg0, %c0_i32 : i32, i32
  }
  func.func @transform_3(%arg0: i32) -> (i32, i32) {
    %c0_i32 = arith.constant 0 : i32
    %c0_i32_0 = arith.constant 0 : i32
    %c0_i32_1 = arith.constant 0 : i32
    return %c0_i32, %c0_i32_0 : i32, i32
  }
  func.func @transform_4(%arg0: i32) -> (i32, i32) {
    %c0_i32 = arith.constant 0 : i32
    %c0_i32_0 = arith.constant 0 : i32
    %c0_i32_1 = arith.constant 0 : i32
    return %c0_i32, %c0_i32_0 : i32, i32
  }
  func.func @transform_5(%arg0: i32) -> (i32, i32) {
    %c0_i32 = arith.constant 0 : i32
    %c0_i32_0 = arith.constant 0 : i32
    %c0_i32_1 = arith.constant 0 : i32
    return %c0_i32, %c0_i32_0 : i32, i32
  }
  func.func @transform_6(%arg0: i32) -> (i32, i32) {
    %c0_i32 = arith.constant 0 : i32
    %c0_i32_0 = arith.constant 0 : i32
    %c0_i32_1 = arith.constant 0 : i32
    return %c0_i32, %c0_i32_0 : i32, i32
  }
  func.func @transform_7(%arg0: i32) -> (i32, i32) {
    %c0_i32 = arith.constant 0 : i32
    %c0_i32_0 = arith.constant 0 : i32
    %c0_i32_1 = arith.constant 0 : i32
    return %c0_i32, %c0_i32_0 : i32, i32
  }
  func.func @transform_8(%arg0: i32) -> (i32, i32) {
    %c0_i32 = arith.constant 0 : i32
    %c0_i32_0 = arith.constant 0 : i32
    %c0_i32_1 = arith.constant 0 : i32
    return %c0_i32, %c0_i32_0 : i32, i32
  }
  func.func @transform_9(%arg0: i32) -> (i32, i32) {
    %c0_i32 = arith.constant 0 : i32
    %c0_i32_0 = arith.constant 0 : i32
    return %arg0, %c0_i32 : i32, i32
  }
  func.func @transform_10(%arg0: i32) -> (i32, i32) {
    %c0_i32 = arith.constant 0 : i32
    %c0_i32_0 = arith.constant 0 : i32
    return %arg0, %c0_i32 : i32, i32
  }
  func.func @transform_11(%arg0: i32) -> (i32, i32) {
    %c0_i32 = arith.constant 0 : i32
    %c0_i32_0 = arith.constant 0 : i32
    return %arg0, %c0_i32 : i32, i32
  }
}

module attributes {stable_mosaic.version = 14 : i64} {
  func.func @_c_body(%arg0: i32, %arg1: memref<1000x48xf32, #tpu.memory_space<vmem>>, %arg2: memref<1000x48xf32, #tpu.memory_space<vmem>>, %arg3: memref<1000x48xf32, #tpu.memory_space<vmem>>, %arg4: memref<1000x48xf32, #tpu.memory_space<vmem>>, %arg5: memref<1000x48xf32, #tpu.memory_space<vmem>>, %arg6: memref<1000x48xf32, #tpu.memory_space<vmem>>, %arg7: memref<1000x1xf32, #tpu.memory_space<vmem>>, %arg8: memref<1000x32xf32, #tpu.memory_space<vmem>>, %arg9: memref<32x64xf32, #tpu.memory_space<vmem>>, %arg10: memref<32x64xf32, #tpu.memory_space<vmem>>, %arg11: memref<32x64xf32, #tpu.memory_space<vmem>>, %arg12: memref<1x32xf32, #tpu.memory_space<vmem>>, %arg13: memref<1x32xf32, #tpu.memory_space<vmem>>, %arg14: memref<1x32xf32, #tpu.memory_space<vmem>>, %arg15: memref<1x32xf32, #tpu.memory_space<vmem>>, %arg16: memref<1x32xf32, #tpu.memory_space<vmem>>, %arg17: memref<1x32xf32, #tpu.memory_space<vmem>>, %arg18: memref<45x32xf32, #tpu.memory_space<vmem>>, %arg19: memref<1x45xf32, #tpu.memory_space<vmem>>, %arg20: memref<1000x45xf32, #tpu.memory_space<vmem>>, %arg21: memref<1000x32xf32, #tpu.memory_space<vmem>>) attributes {dimension_semantics = [#tpu.dimension_semantics<arbitrary>], iteration_bounds = array<i64: 10>, scalar_prefetch = 0 : i64, scratch_operands = 0 : i64, tpu.core_type = #tpu.core_type<tc>, window_params = [{transform_indices = @transform_0, window_bounds = array<i64: 1000, 48>}, {transform_indices = @transform_1, window_bounds = array<i64: 1000, 48>}, {transform_indices = @transform_2, window_bounds = array<i64: 1000, 48>}, {transform_indices = @transform_3, window_bounds = array<i64: 1000, 48>}, {transform_indices = @transform_4, window_bounds = array<i64: 1000, 48>}, {transform_indices = @transform_5, window_bounds = array<i64: 1000, 48>}, {transform_indices = @transform_6, window_bounds = array<i64: 1000, 1>}, {transform_indices = @transform_7, window_bounds = array<i64: 1000, 32>}, {pipeline_mode = #tpu.pipeline_mode<synchronous>, transform_indices = @transform_8, window_bounds = array<i64: 32, 64>}, {pipeline_mode = #tpu.pipeline_mode<synchronous>, transform_indices = @transform_9, window_bounds = array<i64: 32, 64>}, {pipeline_mode = #tpu.pipeline_mode<synchronous>, transform_indices = @transform_10, window_bounds = array<i64: 32, 64>}, {pipeline_mode = #tpu.pipeline_mode<synchronous>, transform_indices = @transform_11, window_bounds = array<i64: 1, 32>}, {pipeline_mode = #tpu.pipeline_mode<synchronous>, transform_indices = @transform_12, window_bounds = array<i64: 1, 32>}, {pipeline_mode = #tpu.pipeline_mode<synchronous>, transform_indices = @transform_13, window_bounds = array<i64: 1, 32>}, {pipeline_mode = #tpu.pipeline_mode<synchronous>, transform_indices = @transform_14, window_bounds = array<i64: 1, 32>}, {pipeline_mode = #tpu.pipeline_mode<synchronous>, transform_indices = @transform_15, window_bounds = array<i64: 1, 32>}, {pipeline_mode = #tpu.pipeline_mode<synchronous>, transform_indices = @transform_16, window_bounds = array<i64: 1, 32>}, {pipeline_mode = #tpu.pipeline_mode<synchronous>, transform_indices = @transform_17, window_bounds = array<i64: 45, 32>}, {pipeline_mode = #tpu.pipeline_mode<synchronous>, transform_indices = @transform_18, window_bounds = array<i64: 1, 45>}, {transform_indices = @transform_19, window_bounds = array<i64: 1000, 45>}, {transform_indices = @transform_20, window_bounds = array<i64: 1000, 32>}]} {
    %get3A = arith.constant 0 : index
    %get3A_0 = arith.constant 0 : index
    %get3A_1 = vector.load %arg7[%get3A, %get3A_0] : memref<1000x1xf32, #tpu.memory_space<vmem>>, vector<1000x1xf32>
    %get3A_2 = arith.constant 0 : index
    %get3A_3 = arith.constant 0 : index
    %get3A_4 = vector.load %arg1[%get3A_2, %get3A_3] : memref<1000x48xf32, #tpu.memory_space<vmem>>, vector<1000x48xf32>
    %get3A_5 = arith.constant 0 : index
    %get3A_6 = arith.constant 0 : index
    %get3A_7 = vector.load %arg3[%get3A_5, %get3A_6] : memref<1000x48xf32, #tpu.memory_space<vmem>>, vector<1000x48xf32>
    %add3A = arith.addf %get3A_4, %get3A_7 : vector<1000x48xf32>
    %get3A_8 = arith.constant 0 : index
    %get3A_9 = arith.constant 0 : index
    %get3A_10 = vector.load %arg5[%get3A_8, %get3A_9] : memref<1000x48xf32, #tpu.memory_space<vmem>>, vector<1000x48xf32>
    %add3A_11 = arith.addf %add3A, %get3A_10 : vector<1000x48xf32>
    %get3A_12 = arith.constant 0 : index
    %get3A_13 = arith.constant 0 : index
    %get3A_14 = vector.load %arg2[%get3A_12, %get3A_13] : memref<1000x48xf32, #tpu.memory_space<vmem>>, vector<1000x48xf32>
    %get3A_15 = arith.constant 0 : index
    %get3A_16 = arith.constant 0 : index
    %get3A_17 = vector.load %arg4[%get3A_15, %get3A_16] : memref<1000x48xf32, #tpu.memory_space<vmem>>, vector<1000x48xf32>
    %add3A_18 = arith.addf %get3A_14, %get3A_17 : vector<1000x48xf32>
    %get3A_19 = arith.constant 0 : index
    %get3A_20 = arith.constant 0 : index
    %get3A_21 = vector.load %arg6[%get3A_19, %get3A_20] : memref<1000x48xf32, #tpu.memory_space<vmem>>, vector<1000x48xf32>
    %add3A_22 = arith.addf %add3A_18, %get3A_21 : vector<1000x48xf32>
    %concatenate3A = tpu.concatenate %add3A_11, %add3A_22 in 1 : vector<1000x48xf32>, vector<1000x48xf32> -> vector<1000x96xf32>
    %mul3A = vector.broadcast %get3A_1 : vector<1000x1xf32> to vector<1000x96xf32>
    %mul3A_23 = arith.mulf %mul3A, %concatenate3A : vector<1000x96xf32>
    %get3A_24 = arith.constant 0 : index
    %get3A_25 = arith.constant 0 : index
    %get3A_26 = vector.load %arg9[%get3A_24, %get3A_25] : memref<32x64xf32, #tpu.memory_space<vmem>>, vector<32x32xf32>
    %get3A_27 = arith.constant 0 : index
    %get3A_28 = arith.constant 32 : index
    %get3A_29 = vector.load %arg9[%get3A_27, %get3A_28] : memref<32x64xf32, #tpu.memory_space<vmem>>, vector<32x32xf32>
    %get3A_30 = arith.constant 0 : index
    %get3A_31 = arith.constant 0 : index
    %get3A_32 = vector.load %arg10[%get3A_30, %get3A_31] : memref<32x64xf32, #tpu.memory_space<vmem>>, vector<32x32xf32>
    %get3A_33 = arith.constant 0 : index
    %get3A_34 = arith.constant 32 : index
    %get3A_35 = vector.load %arg10[%get3A_33, %get3A_34] : memref<32x64xf32, #tpu.memory_space<vmem>>, vector<32x32xf32>
    %get3A_36 = arith.constant 0 : index
    %get3A_37 = arith.constant 0 : index
    %get3A_38 = vector.load %arg11[%get3A_36, %get3A_37] : memref<32x64xf32, #tpu.memory_space<vmem>>, vector<32x32xf32>
    %get3A_39 = arith.constant 0 : index
    %get3A_40 = arith.constant 32 : index
    %get3A_41 = vector.load %arg11[%get3A_39, %get3A_40] : memref<32x64xf32, #tpu.memory_space<vmem>>, vector<32x32xf32>
    %get3A_42 = arith.constant 0 : index
    %get3A_43 = arith.constant 0 : index
    %get3A_44 = vector.load %arg12[%get3A_42, %get3A_43] : memref<1x32xf32, #tpu.memory_space<vmem>>, vector<1x32xf32>
    %transpose3A = tpu.transpose %get3A_26, [1, 0] : vector<32x32xf32> -> vector<32x32xf32>
    %dot_general3A = arith.constant dense<0.000000e+00> : vector<1x32xf32>
    %dot_general3A_45 = tpu.matmul %get3A_44, %transpose3A, %dot_general3A {dimension_numbers = #tpu.dot_dimension_numbers<[1], [0], [0], [1], [0, 0, 1, 1], [], []>, transpose_lhs_hint = false} : vector<1x32xf32>, vector<32x32xf32>, vector<1x32xf32> -> vector<1x32xf32>
    %get3A_46 = arith.constant 0 : index
    %get3A_47 = arith.constant 0 : index
    %get3A_48 = vector.load %arg15[%get3A_46, %get3A_47] : memref<1x32xf32, #tpu.memory_space<vmem>>, vector<1x32xf32>
    %add3A_49 = arith.addf %dot_general3A_45, %get3A_48 : vector<1x32xf32>
    %get3A_50 = arith.constant 0 : index
    %get3A_51 = arith.constant 0 : index
    %get3A_52 = vector.load %arg13[%get3A_50, %get3A_51] : memref<1x32xf32, #tpu.memory_space<vmem>>, vector<1x32xf32>
    %transpose3A_53 = tpu.transpose %get3A_32, [1, 0] : vector<32x32xf32> -> vector<32x32xf32>
    %dot_general3A_54 = arith.constant dense<0.000000e+00> : vector<1x32xf32>
    %dot_general3A_55 = tpu.matmul %get3A_52, %transpose3A_53, %dot_general3A_54 {dimension_numbers = #tpu.dot_dimension_numbers<[1], [0], [0], [1], [0, 0, 1, 1], [], []>, transpose_lhs_hint = false} : vector<1x32xf32>, vector<32x32xf32>, vector<1x32xf32> -> vector<1x32xf32>
    %get3A_56 = arith.constant 0 : index
    %get3A_57 = arith.constant 0 : index
    %get3A_58 = vector.load %arg16[%get3A_56, %get3A_57] : memref<1x32xf32, #tpu.memory_space<vmem>>, vector<1x32xf32>
    %add3A_59 = arith.addf %dot_general3A_55, %get3A_58 : vector<1x32xf32>
    %get3A_60 = arith.constant 0 : index
    %get3A_61 = arith.constant 0 : index
    %get3A_62 = vector.load %arg14[%get3A_60, %get3A_61] : memref<1x32xf32, #tpu.memory_space<vmem>>, vector<1x32xf32>
    %transpose3A_63 = tpu.transpose %get3A_38, [1, 0] : vector<32x32xf32> -> vector<32x32xf32>
    %dot_general3A_64 = arith.constant dense<0.000000e+00> : vector<1x32xf32>
    %dot_general3A_65 = tpu.matmul %get3A_62, %transpose3A_63, %dot_general3A_64 {dimension_numbers = #tpu.dot_dimension_numbers<[1], [0], [0], [1], [0, 0, 1, 1], [], []>, transpose_lhs_hint = false} : vector<1x32xf32>, vector<32x32xf32>, vector<1x32xf32> -> vector<1x32xf32>
    %get3A_66 = arith.constant 0 : index
    %get3A_67 = arith.constant 0 : index
    %get3A_68 = vector.load %arg17[%get3A_66, %get3A_67] : memref<1x32xf32, #tpu.memory_space<vmem>>, vector<1x32xf32>
    %add3A_69 = arith.addf %dot_general3A_65, %get3A_68 : vector<1x32xf32>
    %get3A_70 = arith.constant 0 : index
    %get3A_71 = arith.constant 0 : index
    %get3A_72 = vector.load %arg8[%get3A_70, %get3A_71] : memref<1000x32xf32, #tpu.memory_space<vmem>>, vector<1000x32xf32>
    %transpose3A_73 = tpu.transpose %get3A_29, [1, 0] : vector<32x32xf32> -> vector<32x32xf32>
    %dot_general3A_74 = arith.constant dense<0.000000e+00> : vector<1000x32xf32>
    %dot_general3A_75 = tpu.matmul %get3A_72, %transpose3A_73, %dot_general3A_74 {dimension_numbers = #tpu.dot_dimension_numbers<[1], [0], [0], [1], [0, 0, 1, 1], [], []>, transpose_lhs_hint = false} : vector<1000x32xf32>, vector<32x32xf32>, vector<1000x32xf32> -> vector<1000x32xf32>
    %transpose3A_76 = tpu.transpose %get3A_35, [1, 0] : vector<32x32xf32> -> vector<32x32xf32>
    %dot_general3A_77 = arith.constant dense<0.000000e+00> : vector<1000x32xf32>
    %dot_general3A_78 = tpu.matmul %get3A_72, %transpose3A_76, %dot_general3A_77 {dimension_numbers = #tpu.dot_dimension_numbers<[1], [0], [0], [1], [0, 0, 1, 1], [], []>, transpose_lhs_hint = false} : vector<1000x32xf32>, vector<32x32xf32>, vector<1000x32xf32> -> vector<1000x32xf32>
    %slice3A = vector.extract_strided_slice %mul3A_23 {offsets = [0, 0], sizes = [1000, 32], strides = [1, 1]} : vector<1000x96xf32> to vector<1000x32xf32>
    %add3A_79 = arith.addf %slice3A, %dot_general3A_75 : vector<1000x32xf32>
    %add3A_80 = vector.broadcast %add3A_49 : vector<1x32xf32> to vector<1000x32xf32>
    %add3A_81 = arith.addf %add3A_79, %add3A_80 : vector<1000x32xf32>
    %logistic3A = arith.negf %add3A_81 : vector<1000x32xf32>
    %logistic3A_82 = math.exp %logistic3A : vector<1000x32xf32>
    %logistic3A_83 = arith.constant 1.000000e+00 : f32
    %logistic3A_84 = vector.broadcast %logistic3A_83 : f32 to vector<1000x32xf32>
    %logistic3A_85 = arith.addf %logistic3A_84, %logistic3A_82 : vector<1000x32xf32>
    %logistic3A_86 = arith.divf %logistic3A_84, %logistic3A_85 : vector<1000x32xf32>
    %slice3A_87 = vector.extract_strided_slice %mul3A_23 {offsets = [0, 32], sizes = [1000, 32], strides = [1, 1]} : vector<1000x96xf32> to vector<1000x32xf32>
    %add3A_88 = arith.addf %slice3A_87, %dot_general3A_78 : vector<1000x32xf32>
    %add3A_89 = vector.broadcast %add3A_59 : vector<1x32xf32> to vector<1000x32xf32>
    %add3A_90 = arith.addf %add3A_88, %add3A_89 : vector<1000x32xf32>
    %logistic3A_91 = arith.negf %add3A_90 : vector<1000x32xf32>
    %logistic3A_92 = math.exp %logistic3A_91 : vector<1000x32xf32>
    %logistic3A_93 = arith.constant 1.000000e+00 : f32
    %logistic3A_94 = vector.broadcast %logistic3A_93 : f32 to vector<1000x32xf32>
    %logistic3A_95 = arith.addf %logistic3A_94, %logistic3A_92 : vector<1000x32xf32>
    %logistic3A_96 = arith.divf %logistic3A_94, %logistic3A_95 : vector<1000x32xf32>
    %slice3A_97 = vector.extract_strided_slice %mul3A_23 {offsets = [0, 64], sizes = [1000, 32], strides = [1, 1]} : vector<1000x96xf32> to vector<1000x32xf32>
    %mul3A_98 = arith.mulf %get3A_72, %logistic3A_96 : vector<1000x32xf32>
    %transpose3A_99 = tpu.transpose %get3A_41, [1, 0] : vector<32x32xf32> -> vector<32x32xf32>
    %dot_general3A_100 = arith.constant dense<0.000000e+00> : vector<1000x32xf32>
    %dot_general3A_101 = tpu.matmul %mul3A_98, %transpose3A_99, %dot_general3A_100 {dimension_numbers = #tpu.dot_dimension_numbers<[1], [0], [0], [1], [0, 0, 1, 1], [], []>, transpose_lhs_hint = false} : vector<1000x32xf32>, vector<32x32xf32>, vector<1000x32xf32> -> vector<1000x32xf32>
    %add3A_102 = arith.addf %slice3A_97, %dot_general3A_101 : vector<1000x32xf32>
    %add3A_103 = vector.broadcast %add3A_69 : vector<1x32xf32> to vector<1000x32xf32>
    %add3A_104 = arith.addf %add3A_102, %add3A_103 : vector<1000x32xf32>
    %tanh3A = math.tanh %add3A_104 : vector<1000x32xf32>
    %mul3A_105 = arith.mulf %logistic3A_86, %get3A_72 : vector<1000x32xf32>
    %sub3A = arith.constant 1.000000e+00 : f32
    %sub3A_106 = vector.broadcast %sub3A : f32 to vector<1000x32xf32>
    %sub3A_107 = arith.subf %sub3A_106, %logistic3A_86 : vector<1000x32xf32>
    %mul3A_108 = arith.mulf %sub3A_107, %tanh3A : vector<1000x32xf32>
    %add3A_109 = arith.addf %mul3A_105, %mul3A_108 : vector<1000x32xf32>
    %swap3A = arith.constant 0 : index
    %swap3A_110 = arith.constant 0 : index
    %swap3A_111 = vector.load %arg21[%swap3A, %swap3A_110] : memref<1000x32xf32, #tpu.memory_space<vmem>>, vector<1000x32xf32>
    tpu.vector_store %arg21[%swap3A, %swap3A_110], %add3A_109 {strides = array<i32>} : memref<1000x32xf32, #tpu.memory_space<vmem>>, vector<1000x32xf32>,
    %max3A = arith.constant 0.000000e+00 : f32
    %max3A_112 = vector.broadcast %max3A : f32 to vector<1000x32xf32>
    %max3A_113 = arith.maximumf %add3A_109, %max3A_112 : vector<1000x32xf32>
    %get3A_114 = arith.constant 0 : index
    %get3A_115 = arith.constant 0 : index
    %get3A_116 = vector.load %arg18[%get3A_114, %get3A_115] : memref<45x32xf32, #tpu.memory_space<vmem>>, vector<45x32xf32>
    %transpose3A_117 = tpu.transpose %get3A_116, [1, 0] : vector<45x32xf32> -> vector<32x45xf32>
    %dot_general3A_118 = arith.constant dense<0.000000e+00> : vector<1000x45xf32>
    %dot_general3A_119 = tpu.matmul %max3A_113, %transpose3A_117, %dot_general3A_118 {dimension_numbers = #tpu.dot_dimension_numbers<[1], [0], [0], [1], [0, 0, 1, 1], [], []>, transpose_lhs_hint = false} : vector<1000x32xf32>, vector<32x45xf32>, vector<1000x45xf32> -> vector<1000x45xf32>
    %get3A_120 = arith.constant 0 : index
    %get3A_121 = arith.constant 0 : index
    %get3A_122 = vector.load %arg19[%get3A_120, %get3A_121] : memref<1x45xf32, #tpu.memory_space<vmem>>, vector<1x45xf32>
    %add3A_123 = vector.broadcast %get3A_122 : vector<1x45xf32> to vector<1000x45xf32>
    %add3A_124 = arith.addf %dot_general3A_119, %add3A_123 : vector<1000x45xf32>
    %swap3A_125 = arith.constant 0 : index
    %swap3A_126 = arith.constant 0 : index
    %swap3A_127 = vector.load %arg20[%swap3A_125, %swap3A_126] : memref<1000x45xf32, #tpu.memory_space<vmem>>, vector<1000x45xf32>
    tpu.vector_store %arg20[%swap3A_125, %swap3A_126], %add3A_124 {strides = array<i32>} : memref<1000x45xf32, #tpu.memory_space<vmem>>, vector<1000x45xf32>,
    return
  }
  func.func @transform_0(%arg0: i32) -> (i32, i32) {
    %c0_i32 = arith.constant 0 : i32
    %c0_i32_0 = arith.constant 0 : i32
    return %arg0, %c0_i32 : i32, i32
  }
  func.func @transform_1(%arg0: i32) -> (i32, i32) {
    %c0_i32 = arith.constant 0 : i32
    %c0_i32_0 = arith.constant 0 : i32
    return %arg0, %c0_i32 : i32, i32
  }
  func.func @transform_2(%arg0: i32) -> (i32, i32) {
    %c0_i32 = arith.constant 0 : i32
    %c0_i32_0 = arith.constant 0 : i32
    return %arg0, %c0_i32 : i32, i32
  }
  func.func @transform_3(%arg0: i32) -> (i32, i32) {
    %c0_i32 = arith.constant 0 : i32
    %c0_i32_0 = arith.constant 0 : i32
    return %arg0, %c0_i32 : i32, i32
  }
  func.func @transform_4(%arg0: i32) -> (i32, i32) {
    %c0_i32 = arith.constant 0 : i32
    %c0_i32_0 = arith.constant 0 : i32
    return %arg0, %c0_i32 : i32, i32
  }
  func.func @transform_5(%arg0: i32) -> (i32, i32) {
    %c0_i32 = arith.constant 0 : i32
    %c0_i32_0 = arith.constant 0 : i32
    return %arg0, %c0_i32 : i32, i32
  }
  func.func @transform_6(%arg0: i32) -> (i32, i32) {
    %c0_i32 = arith.constant 0 : i32
    %c0_i32_0 = arith.constant 0 : i32
    return %arg0, %c0_i32 : i32, i32
  }
  func.func @transform_7(%arg0: i32) -> (i32, i32) {
    %c0_i32 = arith.constant 0 : i32
    %c0_i32_0 = arith.constant 0 : i32
    return %arg0, %c0_i32 : i32, i32
  }
  func.func @transform_8(%arg0: i32) -> (i32, i32) {
    %c0_i32 = arith.constant 0 : i32
    %c0_i32_0 = arith.constant 0 : i32
    %c0_i32_1 = arith.constant 0 : i32
    return %c0_i32, %c0_i32_0 : i32, i32
  }
  func.func @transform_9(%arg0: i32) -> (i32, i32) {
    %c0_i32 = arith.constant 0 : i32
    %c0_i32_0 = arith.constant 0 : i32
    %c0_i32_1 = arith.constant 0 : i32
    return %c0_i32, %c0_i32_0 : i32, i32
  }
  func.func @transform_10(%arg0: i32) -> (i32, i32) {
    %c0_i32 = arith.constant 0 : i32
    %c0_i32_0 = arith.constant 0 : i32
    %c0_i32_1 = arith.constant 0 : i32
    return %c0_i32, %c0_i32_0 : i32, i32
  }
  func.func @transform_11(%arg0: i32) -> (i32, i32) {
    %c0_i32 = arith.constant 0 : i32
    %c0_i32_0 = arith.constant 0 : i32
    %c0_i32_1 = arith.constant 0 : i32
    return %c0_i32, %c0_i32_0 : i32, i32
  }
  func.func @transform_12(%arg0: i32) -> (i32, i32) {
    %c0_i32 = arith.constant 0 : i32
    %c0_i32_0 = arith.constant 0 : i32
    %c0_i32_1 = arith.constant 0 : i32
    return %c0_i32, %c0_i32_0 : i32, i32
  }
  func.func @transform_13(%arg0: i32) -> (i32, i32) {
    %c0_i32 = arith.constant 0 : i32
    %c0_i32_0 = arith.constant 0 : i32
    %c0_i32_1 = arith.constant 0 : i32
    return %c0_i32, %c0_i32_0 : i32, i32
  }
  func.func @transform_14(%arg0: i32) -> (i32, i32) {
    %c0_i32 = arith.constant 0 : i32
    %c0_i32_0 = arith.constant 0 : i32
    %c0_i32_1 = arith.constant 0 : i32
    return %c0_i32, %c0_i32_0 : i32, i32
  }
  func.func @transform_15(%arg0: i32) -> (i32, i32) {
    %c0_i32 = arith.constant 0 : i32
    %c0_i32_0 = arith.constant 0 : i32
    %c0_i32_1 = arith.constant 0 : i32
    return %c0_i32, %c0_i32_0 : i32, i32
  }
  func.func @transform_16(%arg0: i32) -> (i32, i32) {
    %c0_i32 = arith.constant 0 : i32
    %c0_i32_0 = arith.constant 0 : i32
    %c0_i32_1 = arith.constant 0 : i32
    return %c0_i32, %c0_i32_0 : i32, i32
  }
  func.func @transform_17(%arg0: i32) -> (i32, i32) {
    %c0_i32 = arith.constant 0 : i32
    %c0_i32_0 = arith.constant 0 : i32
    %c0_i32_1 = arith.constant 0 : i32
    return %c0_i32, %c0_i32_0 : i32, i32
  }
  func.func @transform_18(%arg0: i32) -> (i32, i32) {
    %c0_i32 = arith.constant 0 : i32
    %c0_i32_0 = arith.constant 0 : i32
    %c0_i32_1 = arith.constant 0 : i32
    return %c0_i32, %c0_i32_0 : i32, i32
  }
  func.func @transform_19(%arg0: i32) -> (i32, i32) {
    %c0_i32 = arith.constant 0 : i32
    %c0_i32_0 = arith.constant 0 : i32
    return %arg0, %c0_i32 : i32, i32
  }
  func.func @transform_20(%arg0: i32) -> (i32, i32) {
    %c0_i32 = arith.constant 0 : i32
    %c0_i32_0 = arith.constant 0 : i32
    return %arg0, %c0_i32 : i32, i32
  }
}

</mosaic_0001>

<sc_bundles>
// kernel: kernel.6.cloned.1.call-start
scs
__scs_entry_jumppad:
0x0: {  	(pc) =	sbr.rel $0x88, $3  }
0x1: {  	(tag) =	ssettag $0x0;
	lr =	simm.s32 $0x1  }
0x2: {  	[smem:$0x3F8F] =	sst lr;
	_ =	strace $0xD0000000  }
0x3: {  	_ = 	snop  }
0x4: {  	_ = 	snop  }
0x5: {  	_ = 	snop  }
0x6: {  	_ = 	snop  }
0x7: {  	_ = 	snop  }
__scs_overlays_trampoline_lowered:
0x8: {  	[smem:$0x3F9E] =	sst s0  }
0x9: {  	[smem:$0x3F9F] =	sst s1  }
0xa: {  	[smem:$0x3FA0] =	sst s2  }
0xb: {  	[smem:$0x3FA1] =	sst s3  }
0xc: {  	[smem:$0x3FA2] =	sst s4  }
0xd: {  	[smem:$0x3FA3] =	sst s5  }
0xe: {  	[smem:$0x3FA4] =	sst s6  }
0xf: {  	[smem:$0x3FA5] =	sst s7  }
0x10: {  	[smem:$0x3FA6] =	sst s8  }
0x11: {  	[smem:$0x3FA7] =	sst s9;
	s0 =	simm.s32 @!p0 $0x0  }
0x12: {  	s1 =	sld [smem:$0x3F8D];
	s0 =	simm.s32 @p0 $0x1  }
0x13: {  	[smem:$0x3FA8] =	sst s0;
	s0 =	simm.s32 @!p1 $0x0  }
0x14: {  	s2 =	sld [smem:$0x3F8C];
	s0 =	simm.s32 @p1 $0x1  }
0x15: {  	[smem:$0x3FA9] =	sst s0;
	s0 =	simm.s32 @!p2 $0x0  }
0x16: {  	s3 =	sld [smem:$0x3FDB];
	s0 =	simm.s32 @p2 $0x1  }
0x17: {  	s4 =	simm.s32 $0x1BF5;
	[smem:$0x3FAB] =	sst s0  }
0x18: {  	s0 =	sld [smem:$0x3F8E];
	_ =	swait.ge [sflag:s4], $0x0  }
0x19: {  	s7 =	sld [smem:$0x3F8F]  }
0x1a: {  	s8 =	sadd.s32 $0xFFFFE003, lr  }
0x1b: {  	s9 =	sadd.s32 $0xFFFFFEF7, lr;
	s5 =	simm.s32 $0xFFFFFFFF;
	p2 =	slt.u32 s8, $0xFFFFF086  }
0x1c: {  	p1 =	slt.u32 s9, $0xF7A;
	s5 =	simm.s32 @!p2 $0x0  }
0x1d: {  	s5 =	simm.s32 @p1 $0x1;
	p0 =	seq.s32 s7, s2  }
0x1e: {  	s7 =	smul.u32 @!p0 $0xF7A, s2;
	p2 =	seq.s32 @!p0 s5, $0x0  }
0x1f: {  	s9 =	smul.u32 $0xF7A, s1;
	s8 =	simm.s32 @!p0 $0x1BF5;
	p2 =	por !p2, p0  }
0x20: {  	[sflag:s8] =	ssyncset.s32 @!p0 $0xFFFFF086;
	s6 =	sadd.s32 @!p0 s3, s7;
	s7 =	simm.s32 @!p0 $0x108  }
0x21: {  	s3 =	sadd.s32 s3, s9;
	s6 =	sadd.s32 @!p0 $0x88, s6;
	s7 =	simm.s32 @p2 $0x1082  }
0x22: {  	[simem:s7], [sflag:s8] =	dma.local @!p0 [hbm:s6], $0xF7A  }
0x23: {  	s9 =	sor.u32 $0xD0000000, s2;
	s6 =	simm.s32 $0x108;
	_ =	swait.ge @!p0 [sflag:s8], $0x0  }
0x24: {  	s3 =	sadd.s32 $0x88, s3;
	s6 =	simm.s32 @!p1 $0x1082;
	[sflag:s4] =	ssyncset.s32 $0xFFFFF086  }
0x25: {  	[simem:s6], [sflag:s4] =	dma.local [hbm:s3], $0xF7A  }
0x26: {  	[smem:$0x3F8F] =	sst s1;
	(tag) =	ssettag s2;
	_ =	strace s9  }
0x27: {  	s1 =	sld [smem:$0x3F9F]  }
0x28: {  	s2 =	sld [smem:$0x3FA0]  }
0x29: {  	s4 =	sld [smem:$0x3FA2]  }
0x2a: {  	p0 =	seq.s32 s5, $0x0;
	s5 =	sld [smem:$0x3FA3]  }
0x2b: {  	s6 =	sld [smem:$0x3FA4]  }
0x2c: {  	s7 =	sld [smem:$0x3FA5]  }
0x2d: {  	s3 =	simm.s32 $0x108;
	s8 =	sld [smem:$0x3FA6]  }
0x2e: {  	s3 =	simm.s32 @!p0 $0x1082;
	s9 =	sld [smem:$0x3FA7]  }
0x2f: {  	lr =	sadd.s32 s0, s3;
	s0 =	sld [smem:$0x3F9E]  }
0x30: {  	s3 =	sld [smem:$0x3FA1]  }
0x31: {  	[smem:$0x3FAA] =	sst s10  }
0x32: {  	s10 =	sld [smem:$0x3FA8];
	_ =	sdelay $0x3  }
0x33: {  	p0 =	seq.s32 s10, $0x1;
	s10 =	sld [smem:$0x3FAA];
	_ =	sdelay $0x3  }
0x34: {  	[smem:$0x3FAA] =	sst s10  }
0x35: {  	s10 =	sld [smem:$0x3FA9];
	_ =	sdelay $0x3  }
0x36: {  	p1 =	seq.s32 s10, $0x1;
	s10 =	sld [smem:$0x3FAA];
	_ =	sdelay $0x3  }
0x37: {  	[smem:$0x3FAA] =	sst s10  }
0x38: {  	s10 =	sld [smem:$0x3FAB]  }
0x39: {  	_ = 	snop;
	(pc) =	sbr.ind lr, $3  }
0x3a: {  	_ = 	snop  }
0x3b: {  	_ = 	snop  }
0x3c: {  	p2 =	seq.s32 s10, $0x1;
	s10 =	sld [smem:$0x3FAA]  }
0x3d: {  	_ =	shalt  }
0x3e: {  	_ =	shalt  }
0x3f: {  	_ =	shalt  }
0x40: {  	_ =	shalt  }
0x41: {  	_ =	shalt  }
0x42: {  	_ =	shalt  }
0x43: {  	_ =	shalt  }
0x44: {  	_ =	shalt  }
0x45: {  	_ =	shalt  }
0x46: {  	_ =	shalt  }
0x47: {  	_ =	shalt  }
0x48: {  	_ =	shalt  }
0x49: {  	_ =	shalt  }
0x4a: {  	_ =	shalt  }
0x4b: {  	_ =	shalt  }
0x4c: {  	_ =	shalt  }
0x4d: {  	_ =	shalt  }
0x4e: {  	_ =	shalt  }
0x4f: {  	_ =	shalt  }
0x50: {  	_ =	shalt  }
0x51: {  	_ =	shalt  }
0x52: {  	_ =	shalt  }
0x53: {  	_ =	shalt  }
0x54: {  	_ =	shalt  }
0x55: {  	_ =	shalt  }
0x56: {  	_ =	shalt  }
0x57: {  	_ =	shalt  }
0x58: {  	_ =	shalt  }
0x59: {  	_ =	shalt  }
0x5a: {  	_ =	shalt  }
0x5b: {  	_ =	shalt  }
0x5c: {  	_ =	shalt  }
0x5d: {  	_ =	shalt  }
0x5e: {  	_ =	shalt  }
0x5f: {  	_ =	shalt  }
0x60: {  	_ =	shalt  }
0x61: {  	_ =	shalt  }
0x62: {  	_ =	shalt  }
0x63: {  	_ =	shalt  }
0x64: {  	_ =	shalt  }
0x65: {  	_ =	shalt  }
0x66: {  	_ =	shalt  }
0x67: {  	_ =	shalt  }
0x68: {  	_ =	shalt  }
0x69: {  	_ =	shalt  }
0x6a: {  	_ =	shalt  }
0x6b: {  	_ =	shalt  }
0x6c: {  	_ =	shalt  }
0x6d: {  	_ =	shalt  }
0x6e: {  	_ =	shalt  }
0x6f: {  	_ =	shalt  }
0x70: {  	_ =	shalt  }
0x71: {  	_ =	shalt  }
0x72: {  	_ =	shalt  }
0x73: {  	_ =	shalt  }
0x74: {  	_ =	shalt  }
0x75: {  	_ =	shalt  }
0x76: {  	_ =	shalt  }
0x77: {  	_ =	shalt  }
0x78: {  	_ =	shalt  }
0x79: {  	_ =	shalt  }
0x7a: {  	_ =	shalt  }
0x7b: {  	_ =	shalt  }
0x7c: {  	_ =	shalt  }
0x7d: {  	_ =	shalt  }
0x7e: {  	_ =	shalt  }
0x7f: {  	_ =	shalt  }
0x80: {  	_ =	shalt  }
0x81: {  	_ =	shalt  }
0x82: {  	_ =	shalt  }
0x83: {  	_ =	shalt  }
0x84: {  	_ =	shalt  }
0x85: {  	_ =	shalt  }
0x86: {  	_ =	shalt  }
0x87: {  	_ =	shalt  }
.Lfunc_end0:
.L_simem_size_0:
called_computation_lowered:
.L_overlay_start_0:
0x88: {  	s2 =	sld [smem:$0x3FD9]  }
0x89: {  	s3 =	sld [smem:$0x3FFE];
	_ =	sdelay $0x1  }
0x8a: {  	s1 =	srdreg.scid  }
0x8b: {  	s0 =	sand.u32 $0x1, s1  }
0x8c: {  	s14 =	sshll.u32 s0, $0xA;
	s2 =	sadd.s32 s3, s2  }
0x8d: {  	s2 =	sadd.s32 s2, s14  }
0x8e: {  	[smem:$0x3FB6] =	sst s2  }
0x8f: {  	_ = 	snop  }
0x90: {  	s2 =	sld [smem:$0x3FD0];
	_ =	sdelay $0x2  }
0x91: {  	s15 =	simm.s32 $0xA;
	s4 =	simm.s32 $0x10  }
0x92: {  	[smem:s4], [sflag:s15] =	dma.local [hbm:s2], $0x1  }
0x93: {  	_ =	swait.eq [sflag:s15], $0x1  }
0x94: {  	[sflag:s15] =	ssyncset.done $0x0  }
0x95: {  	[sflag:s15] =	ssyncadd.s32 $0xFFFFFFFF  }
0x96: {  	s16 =	sld [smem:$0x11];
	(tm) =	ssettm $0x1  }
0x97: {  	s17 =	sld [smem:$0x3FFB];
	_ =	sdelay $0x3  }
0x98: {  	_ =	strace s17  }
0x99: {  	s3 =	sld [smem:$0x3FFC];
	_ =	sdelay $0x3  }
0x9a: {  	_ =	strace s3  }
0x9b: {  	s3 =	sld [smem:$0x3FFD];
	_ =	sdelay $0x3  }
0x9c: {  	_ =	strace s3  }
0x9d: {  	_ =	strace $0x8FFFFFFF  }
0x9e: {  	s18 =	sld [smem:$0x3FDB];
	_ =	sdelay $0x1  }
0x9f: {  	s19 =	simm.s32 $_scs_section_size  }
0xa0: {  	s5 =	simm.s32 $_size__tile_overlayer_lowered;
	s6 =	simm.s32 $_tile_overlayer_lowered  }
0xa1: {  	s22 =	simm.s32 $0x1BFF;
	s21 =	sshll.u32 s6, $0x1;
	s3 =	sadd.s32 s19, s18  }
0xa2: {  	s7 =	simm.s32 $0x0;
	s20 =	sshll.u32 s5, $0x1;
	s5 =	sadd.s32 s21, s3  }
0xa3: {  	[timem:s7], [sflag:s22] =	dma.local [hbm:s5], s20  }
0xa4: {  	_ =	swait.ge [sflag:s22], s20  }
0xa5: {  	s4 =	ssub.s32 $0x0, s20;
	[sflag:s22] =	ssyncset.done $0x0  }
0xa6: {  	[sflag:s22] =	ssyncadd.s32 s4;
	_ =	sdelay $0x1  }
0xa7: {  	s23 =	simm.s32 $0x1B8B  }
0xa8: {  	_ =	swait.ge [sflag:s23], $0x1  }
0xa9: {  	[sflag:s23] =	ssyncset.done $0x0  }
0xaa: {  	s25 =	simm.s32 $0x1B8E;
	s24 =	sld [smem:$0x3FFE];
	[sflag:s23] =	ssyncadd.s32 $0xFFFFFFFF  }
0xab: {  	s26 =	simm.s32 $execute0_lowered;
	[smem:$0x3FD2] =	sst s25  }
0xac: {  	s5 =	sshll.u32 s26, $0x1;
	_ =	strace $0x80000046;
	[dreg:$0x1] =	wrdreg $0xFFFFFFFF  }
0xad: {  	s28 =	simm.s32 $_size_execute0_lowered;
	s3 =	sadd.s32 s3, s5;
	[dreg:$0x0] =	wrdreg $0x0  }
0xae: {  	s5 =	sshll.u32 s28, $0x1;
	[dreg:$0x2] =	wrdreg s3  }
0xaf: {  	[dreg:$0x3] =	wrdreg s5  }
0xb0: {  	[dreg:$0x4] =	wrdreg $0xC0  }
0xb1: {  	_ =	task [dreg:s7], $0x5FFFF  }
0xb2: {  	[dreg:$0x1] =	wrdreg $0xFFFFFFFF  }
0xb3: {  	[dreg:$0x0] =	wrdreg $0x60  }
0xb4: {  	[dreg:$0x2] =	wrdreg s24  }
0xb5: {  	[dreg:$0x3] =	wrdreg s16  }
0xb6: {  	[dreg:$0x4] =	wrdreg $0x0  }
0xb7: {  	[dreg:$0x5] =	wrdreg $0x9  }
0xb8: {  	_ =	task.clear_ibuf [dreg:s7], $0x6FFFF;
	_ =	strace $0x90000046  }
0xb9: {  	s29 =	simm.s32 $0x9;
	_ =	strace $0x80000048  }
0xba: {  	_ =	swait.ge [sflag:s29], $0x1  }
0xbb: {  	[sflag:s29] =	ssyncadd.s32 $0xFFFFFFFF  }
0xbc: {  	_ =	strace $0x90000048  }
0xbd: {  	_ =	sfence  }
0xbe: {  	s30 =	sld [smem:$0x0];
	_ =	sdelay $0x2  }
0xbf: {  	s31 =	sshll.u32 s1, $0xD;
	s1 =	sshrl.u32 s1, $0x2  }
0xc0: {  	s3 =	sand.u32 $0x4000, s31;
	s1 =	sadd.s32 s1, s30  }
0xc1: {  	s0 =	sor.u32 s3, s0;
	s1 =	sshll.u32 s1, $0x11  }
0xc2: {  	s0 =	sor.u32 s1, s0  }
0xc3: {  	s0 =	sadd.s32 $0x8F2B, s0  }
0xc4: {  	[sflag:s0] =	ssyncadd.remote.s32 $0x1  }
0xc5: {  	_ =	sfence.sel $0xFFFF  }
0xc6: {  	[dreg:$0x0] =	wrdreg $0xFFFFFFFF;
	(pc) =	sbr.abs _section_cstart, $3  }
0xc7: {  	[dreg:$0x1] =	wrdreg $0xFFFFFFFF  }
0xc8: {  	_ =	task.clear_ibuf [dreg:s7], $0x2FFFF;
	_ =	strace $0x9FFFFFFF  }
0xc9: {  	(tm) =	ssettm $0x7FFFFFFF  }
tec
execute0_lowered:
.L_overlay_start_1:
0x0: {  	(tag) =	ssettag $0x1  }
0x1: {  	s4 =	rddreg [dreg:$0x0]  }
0x2: {  	s1 =	srdreg.scid;
	s7 =	rddreg [dreg:$0x1]  }
0x3: {  	s0 =	stileid.u32;
	s2 =	rddreg [dreg:$0x2]  }
0x4: {  	s3 =	simm.s32 $0x0;
	s11 =	simm.s32 $0x280;
	s12 =	simm.s32 $0x2A80  }
0x5: {  	s13 =	simm.s32 $0x80;
	s16 =	simm.s32 $0x0;
	s5 =	sand.u32 $0x1, s1  }
0x6: {  	s29 =	sshll.u32 s0, $0x1;
	s8 =	smul.u32 $0x280, s0;
	s14 =	sshll.u32 s0, $0x6  }
0x7: {  	s1 =	sor.u32 s5, s29;
	s9 =	ssub.s32 $0x2, s5;
	s5 =	smul.u32 $0x2800, s5  }
0x8: {  	[smem:$0x7FF] =	sst s3;
	s14 =	sor.u32 $0x1C01, s14;
	s6 =	smul.u32 $0x500, s1  }
0x9: {  	s1 =	rddreg [dreg:$0x3];
	_ =	strace $0x80000047;
	s10 =	sshrl.u32 s9, $0x1  }
0xa: {  	s9 =	ssub.s32 s9, s10;
	s30 =	sadd.s32 s8, s5;
	s10 =	simm.s32 $0x1  }
0xb: {  	s6 =	sadd.s32 s6, s4;
	s4 =	sadd.s32 s8, s2;
	s31 =	sshrl.u32 s30, $0x3  }
0xc: {  	s8 =	smax.u32 s9, $0x1;
	s9 =	simm.s32 $0x5280;
	s5 =	sadd.s32 $0x3200, s6  }
0xd: {  	v0 =	vimm.f32 $0.0e+00;
	s6 =	sadd.s32 $0xD200, s6;
	s7 =	sadd.s32 s7, s31;
	s15 =	sshrl.u32 s4, $0x3  }
.LBB2_1:
0xe: {  	[tilespmem:$0x5280] =	vst v0  }
0xf: {  	[tilespmem:$0x5290] =	vst v0  }
0x10: {  	[tilespmem:$0x52A0] =	vst v0  }
0x11: {  	[tilespmem:$0x52B0] =	vst v0  }
0x12: {  	[tilespmem:$0x52C0] =	vst v0  }
0x13: {  	[tilespmem:$0x52D0] =	vst v0  }
0x14: {  	[tilespmem:$0x52E0] =	vst v0  }
0x15: {  	[tilespmem:$0x52F0] =	vst v0  }
0x16: {  	[tilespmem:$0x5300] =	vst v0  }
0x17: {  	[tilespmem:$0x5310] =	vst v0  }
0x18: {  	[tilespmem:$0x5320] =	vst v0  }
0x19: {  	[tilespmem:$0x5330] =	vst v0  }
0x1a: {  	[tilespmem:$0x5340] =	vst v0  }
0x1b: {  	[tilespmem:$0x5350] =	vst v0  }
0x1c: {  	[tilespmem:$0x5360] =	vst v0  }
0x1d: {  	[tilespmem:$0x5370] =	vst v0  }
0x1e: {  	[tilespmem:$0x5380] =	vst v0  }
0x1f: {  	[tilespmem:$0x5390] =	vst v0  }
0x20: {  	[tilespmem:$0x53A0] =	vst v0  }
0x21: {  	[tilespmem:$0x53B0] =	vst v0  }
0x22: {  	[tilespmem:$0x53C0] =	vst v0  }
0x23: {  	[tilespmem:$0x53D0] =	vst v0  }
0x24: {  	[tilespmem:$0x53E0] =	vst v0  }
0x25: {  	[tilespmem:$0x53F0] =	vst v0  }
0x26: {  	[tilespmem:$0x5400] =	vst v0  }
0x27: {  	[tilespmem:$0x5410] =	vst v0  }
0x28: {  	[tilespmem:$0x5420] =	vst v0  }
0x29: {  	[tilespmem:$0x5430] =	vst v0  }
0x2a: {  	[tilespmem:$0x5440] =	vst v0  }
0x2b: {  	[tilespmem:$0x5450] =	vst v0  }
0x2c: {  	[tilespmem:$0x5460] =	vst v0  }
0x2d: {  	[tilespmem:$0x5470] =	vst v0  }
0x2e: {  	[tilespmem:$0x5480] =	vst v0  }
0x2f: {  	[tilespmem:$0x5490] =	vst v0  }
0x30: {  	[tilespmem:$0x54A0] =	vst v0  }
0x31: {  	[tilespmem:$0x54B0] =	vst v0  }
0x32: {  	[tilespmem:$0x54C0] =	vst v0  }
0x33: {  	[tilespmem:$0x54D0] =	vst v0  }
0x34: {  	[tilespmem:$0x54E0] =	vst v0  }
0x35: {  	[tilespmem:$0x54F0] =	vst v0  }
0x36: {  	[spmem:s4] =	stream.linear.scatter [tilespmem:s9], [sflag:$0x1], $0x280, $0x38;
	[tilespmem:$0x5500] =	vst v63  }
0x37: {  	_ =	swait.ge [sflag:s10], $0x280  }
0x38: {  	[sflag:s10] =	ssyncset.done $0x0  }
0x39: {  	[sflag:s10] =	ssyncadd.s32 $0xFFFFFD80  }
0x3a: {  	[tilespmem:s11], [sflag:$0x1] =	stream.linear.gather [hbm4b:s5+s3], $0x2800, $0x38;
	[tilespmem:$0x5500] =	vst v63  }
0x3b: {  	_ =	swait.ge [sflag:s10], $0x2800  }
0x3c: {  	[sflag:s10] =	ssyncset.done $0x0  }
0x3d: {  	[sflag:s10] =	ssyncadd.s32 $0xFFFFD800  }
0x3e: {  	[tilespmem:s12], [sflag:$0x1] =	stream.linear.gather [hbm4b:s6+s3], $0x2800, $0x38;
	[tilespmem:$0x5500] =	vst v63  }
0x3f: {  	_ =	swait.ge [sflag:s10], $0x2800  }
0x40: {  	[sflag:s10] =	ssyncset.done $0x0  }
0x41: {  	[sflag:s10] =	ssyncadd.s32 $0xFFFFD800  }
0x42: {  	s17 =	simm.s32 $0x2A80;
	s18 =	simm.s32 $0x280;
	[bflag:$0x0] =	sbarrier.arrive $0xFFFF  }
0x43: {  	[spmem:s2] =	stream.indirect.scatter.add.f32 [tilespmem:s17], [sflag:$0x1], $0x1, s18, s13, $0xb8;
	[tilespmem:$0x5500] =	vst v63  }
0x44: {  	s17 =	simm.s32 $0x200;
	_ =	swait.ge [sflag:s10], $0x80  }
.LBB2_2:
0x45: {  	s18 =	sshra.s32 s17, $0x2  }
0x46: {  	[sflag:s10] =	ssyncset.done $0x0;
	p0 =	sne.s32 s17, $0x9E00;
	s19 =	sadd.s32 $0x2A80, s18  }
.Ltmp0:
0x47: {  	s18 =	sadd.s32 $0x280, s18;
	[sflag:s10] =	ssyncadd.s32 $0xFFFFFF80;
	(pc) =	sbr.rel @p0 .LBB2_2-.Ltmp0, $3  }
0x48: {  	[spmem:s2] =	stream.indirect.scatter.add.f32 [tilespmem:s19], [sflag:$0x1], $0x1, s18, s13, $0xb8;
	[tilespmem:$0x5500] =	vst v63  }
0x49: {  	s17 =	sadd.s32 $0x200, s17;
	_ =	sdelay $0x1  }
0x4a: {  	_ =	swait.ge [sflag:s10], $0x80  }
0x4b: {  	[sflag:s10] =	ssyncset.done $0x0;
	s16 =	sadd.s32 $0x1, s16  }
0x4c: {  	[sflag:s10] =	ssyncadd.s32 $0xFFFFFF80;
	p0 =	sne.s32 s16, s8  }
.Ltmp1:
0x4d: {  	[bflag:$0x0] =	sbarrier.arrive $0xFFFF;
	(pc) =	sbr.rel @p0 .LBB2_1-.Ltmp1, $4  }
0x4e: {  	[hbm:s7], [sflag:s14] =	dma.local [spmem:s15], $0x50  }
0x4f: {  	_ =	swait.ge [sflag:s10], $0x50  }
0x50: {  	[sflag:s10] =	ssyncset.done $0x0  }
0x51: {  	[sflag:s10] =	ssyncadd.s32 $0xFFFFFFB0  }
0x52: {  	_ =	sfence.sel $0x180000  }
0x53: {  	[bflag:$0x0] =	sbarrier.arrive $0xFFFF  }
0x54: {  	p0 =	sne.s32 s0, $0x0;
	_ =	strace $0x90000047  }
0x55: {  	s0 =	sadd.s32 @!p0 $0x100000, s1;
	[bflag:$0x2] =	sbarrier.arrive $0xFFFF  }
0x56: {  	[sflag:s0] =	ssyncadd.tile.s32 @!p0 $0x1;
	_ =	shalt  }
.Lfunc_end2:
_tile_overlayer_lowered:
.L_overlay_start_2:
0x57: {  	(tag) =	ssettag $0x2  }
0x58: {  	s0 =	rddreg [dreg:$0x0];
	s2 =	stileid.u32  }
0x59: {  	s1 =	rddreg [dreg:$0x1];
	p0 =	sne.s32 s2, $0x0  }
0x5a: {  	s3 =	rddreg [dreg:$0x2];
	[bflag:$0x3] =	sbarrier.arrive $0xFFFF;
	s2 =	simm.s32 @!p0 $0x1C01  }
0x5b: {  	[timem:s3], [sflag:s2] =	dma.local @!p0 [hbm:s0], s1  }
0x5c: {  	s0 =	simm.s32 @!p0 $0x1  }
0x5d: {  	_ =	swait.ge @!p0 [sflag:s0], s1  }
0x5e: {  	s1 =	ssub.s32 @!p0 $0x0, s1;
	[sflag:s0] =	ssyncset.done @!p0 $0x0  }
0x5f: {  	[sflag:s0] =	ssyncadd.s32 @!p0 s1  }
0x60: {  	[bflag:$0x3] =	sbarrier.arrive $0xFFFF  }
0x61: {  	_ =	shalt  }

// kernel: kernel.9.cloned.1.call-start
scs
__scs_entry_jumppad:
0x0: {  	(pc) =	sbr.rel $0x88, $3  }
0x1: {  	(tag) =	ssettag $0x0;
	lr =	simm.s32 $0x1  }
0x2: {  	[smem:$0x3F8F] =	sst lr;
	_ =	strace $0xD0000000  }
0x3: {  	_ = 	snop  }
0x4: {  	_ = 	snop  }
0x5: {  	_ = 	snop  }
0x6: {  	_ = 	snop  }
0x7: {  	_ = 	snop  }
__scs_overlays_trampoline_lowered:
0x8: {  	[smem:$0x3F9E] =	sst s0  }
0x9: {  	[smem:$0x3F9F] =	sst s1  }
0xa: {  	[smem:$0x3FA0] =	sst s2  }
0xb: {  	[smem:$0x3FA1] =	sst s3  }
0xc: {  	[smem:$0x3FA2] =	sst s4  }
0xd: {  	[smem:$0x3FA3] =	sst s5  }
0xe: {  	[smem:$0x3FA4] =	sst s6  }
0xf: {  	[smem:$0x3FA5] =	sst s7  }
0x10: {  	[smem:$0x3FA6] =	sst s8  }
0x11: {  	[smem:$0x3FA7] =	sst s9;
	s0 =	simm.s32 @!p0 $0x0  }
0x12: {  	s1 =	sld [smem:$0x3F8D];
	s0 =	simm.s32 @p0 $0x1  }
0x13: {  	[smem:$0x3FA8] =	sst s0;
	s0 =	simm.s32 @!p1 $0x0  }
0x14: {  	s2 =	sld [smem:$0x3F8C];
	s0 =	simm.s32 @p1 $0x1  }
0x15: {  	[smem:$0x3FA9] =	sst s0;
	s0 =	simm.s32 @!p2 $0x0  }
0x16: {  	s3 =	sld [smem:$0x3FDB];
	s0 =	simm.s32 @p2 $0x1  }
0x17: {  	s4 =	simm.s32 $0x1BF5;
	[smem:$0x3FAB] =	sst s0  }
0x18: {  	s0 =	sld [smem:$0x3F8E];
	_ =	swait.ge [sflag:s4], $0x0  }
0x19: {  	s7 =	sld [smem:$0x3F8F]  }
0x1a: {  	s8 =	sadd.s32 $0xFFFFE003, lr  }
0x1b: {  	s9 =	sadd.s32 $0xFFFFFEF7, lr;
	s5 =	simm.s32 $0xFFFFFFFF;
	p2 =	slt.u32 s8, $0xFFFFF086  }
0x1c: {  	p1 =	slt.u32 s9, $0xF7A;
	s5 =	simm.s32 @!p2 $0x0  }
0x1d: {  	s5 =	simm.s32 @p1 $0x1;
	p0 =	seq.s32 s7, s2  }
0x1e: {  	s7 =	smul.u32 @!p0 $0xF7A, s2;
	p2 =	seq.s32 @!p0 s5, $0x0  }
0x1f: {  	s9 =	smul.u32 $0xF7A, s1;
	s8 =	simm.s32 @!p0 $0x1BF5;
	p2 =	por !p2, p0  }
0x20: {  	[sflag:s8] =	ssyncset.s32 @!p0 $0xFFFFF086;
	s6 =	sadd.s32 @!p0 s3, s7;
	s7 =	simm.s32 @!p0 $0x108  }
0x21: {  	s3 =	sadd.s32 s3, s9;
	s6 =	sadd.s32 @!p0 $0x88, s6;
	s7 =	simm.s32 @p2 $0x1082  }
0x22: {  	[simem:s7], [sflag:s8] =	dma.local @!p0 [hbm:s6], $0xF7A  }
0x23: {  	s9 =	sor.u32 $0xD0000000, s2;
	s6 =	simm.s32 $0x108;
	_ =	swait.ge @!p0 [sflag:s8], $0x0  }
0x24: {  	s3 =	sadd.s32 $0x88, s3;
	s6 =	simm.s32 @!p1 $0x1082;
	[sflag:s4] =	ssyncset.s32 $0xFFFFF086  }
0x25: {  	[simem:s6], [sflag:s4] =	dma.local [hbm:s3], $0xF7A  }
0x26: {  	[smem:$0x3F8F] =	sst s1;
	(tag) =	ssettag s2;
	_ =	strace s9  }
0x27: {  	s1 =	sld [smem:$0x3F9F]  }
0x28: {  	s2 =	sld [smem:$0x3FA0]  }
0x29: {  	s4 =	sld [smem:$0x3FA2]  }
0x2a: {  	p0 =	seq.s32 s5, $0x0;
	s5 =	sld [smem:$0x3FA3]  }
0x2b: {  	s6 =	sld [smem:$0x3FA4]  }
0x2c: {  	s7 =	sld [smem:$0x3FA5]  }
0x2d: {  	s3 =	simm.s32 $0x108;
	s8 =	sld [smem:$0x3FA6]  }
0x2e: {  	s3 =	simm.s32 @!p0 $0x1082;
	s9 =	sld [smem:$0x3FA7]  }
0x2f: {  	lr =	sadd.s32 s0, s3;
	s0 =	sld [smem:$0x3F9E]  }
0x30: {  	s3 =	sld [smem:$0x3FA1]  }
0x31: {  	[smem:$0x3FAA] =	sst s10  }
0x32: {  	s10 =	sld [smem:$0x3FA8];
	_ =	sdelay $0x3  }
0x33: {  	p0 =	seq.s32 s10, $0x1;
	s10 =	sld [smem:$0x3FAA];
	_ =	sdelay $0x3  }
0x34: {  	[smem:$0x3FAA] =	sst s10  }
0x35: {  	s10 =	sld [smem:$0x3FA9];
	_ =	sdelay $0x3  }
0x36: {  	p1 =	seq.s32 s10, $0x1;
	s10 =	sld [smem:$0x3FAA];
	_ =	sdelay $0x3  }
0x37: {  	[smem:$0x3FAA] =	sst s10  }
0x38: {  	s10 =	sld [smem:$0x3FAB]  }
0x39: {  	_ = 	snop;
	(pc) =	sbr.ind lr, $3  }
0x3a: {  	_ = 	snop  }
0x3b: {  	_ = 	snop  }
0x3c: {  	p2 =	seq.s32 s10, $0x1;
	s10 =	sld [smem:$0x3FAA]  }
0x3d: {  	_ =	shalt  }
0x3e: {  	_ =	shalt  }
0x3f: {  	_ =	shalt  }
0x40: {  	_ =	shalt  }
0x41: {  	_ =	shalt  }
0x42: {  	_ =	shalt  }
0x43: {  	_ =	shalt  }
0x44: {  	_ =	shalt  }
0x45: {  	_ =	shalt  }
0x46: {  	_ =	shalt  }
0x47: {  	_ =	shalt  }
0x48: {  	_ =	shalt  }
0x49: {  	_ =	shalt  }
0x4a: {  	_ =	shalt  }
0x4b: {  	_ =	shalt  }
0x4c: {  	_ =	shalt  }
0x4d: {  	_ =	shalt  }
0x4e: {  	_ =	shalt  }
0x4f: {  	_ =	shalt  }
0x50: {  	_ =	shalt  }
0x51: {  	_ =	shalt  }
0x52: {  	_ =	shalt  }
0x53: {  	_ =	shalt  }
0x54: {  	_ =	shalt  }
0x55: {  	_ =	shalt  }
0x56: {  	_ =	shalt  }
0x57: {  	_ =	shalt  }
0x58: {  	_ =	shalt  }
0x59: {  	_ =	shalt  }
0x5a: {  	_ =	shalt  }
0x5b: {  	_ =	shalt  }
0x5c: {  	_ =	shalt  }
0x5d: {  	_ =	shalt  }
0x5e: {  	_ =	shalt  }
0x5f: {  	_ =	shalt  }
0x60: {  	_ =	shalt  }
0x61: {  	_ =	shalt  }
0x62: {  	_ =	shalt  }
0x63: {  	_ =	shalt  }
0x64: {  	_ =	shalt  }
0x65: {  	_ =	shalt  }
0x66: {  	_ =	shalt  }
0x67: {  	_ =	shalt  }
0x68: {  	_ =	shalt  }
0x69: {  	_ =	shalt  }
0x6a: {  	_ =	shalt  }
0x6b: {  	_ =	shalt  }
0x6c: {  	_ =	shalt  }
0x6d: {  	_ =	shalt  }
0x6e: {  	_ =	shalt  }
0x6f: {  	_ =	shalt  }
0x70: {  	_ =	shalt  }
0x71: {  	_ =	shalt  }
0x72: {  	_ =	shalt  }
0x73: {  	_ =	shalt  }
0x74: {  	_ =	shalt  }
0x75: {  	_ =	shalt  }
0x76: {  	_ =	shalt  }
0x77: {  	_ =	shalt  }
0x78: {  	_ =	shalt  }
0x79: {  	_ =	shalt  }
0x7a: {  	_ =	shalt  }
0x7b: {  	_ =	shalt  }
0x7c: {  	_ =	shalt  }
0x7d: {  	_ =	shalt  }
0x7e: {  	_ =	shalt  }
0x7f: {  	_ =	shalt  }
0x80: {  	_ =	shalt  }
0x81: {  	_ =	shalt  }
0x82: {  	_ =	shalt  }
0x83: {  	_ =	shalt  }
0x84: {  	_ =	shalt  }
0x85: {  	_ =	shalt  }
0x86: {  	_ =	shalt  }
0x87: {  	_ =	shalt  }
.Lfunc_end0:
.L_simem_size_0:
called_computation.1_lowered:
.L_overlay_start_0:
0x88: {  	s2 =	sld [smem:$0x3FD9]  }
0x89: {  	s3 =	sld [smem:$0x3FFE];
	_ =	sdelay $0x1  }
0x8a: {  	s1 =	srdreg.scid  }
0x8b: {  	s0 =	sand.u32 $0x1, s1  }
0x8c: {  	s14 =	sshll.u32 s0, $0xA;
	s2 =	sadd.s32 s3, s2  }
0x8d: {  	s2 =	sadd.s32 s2, s14  }
0x8e: {  	[smem:$0x3FB6] =	sst s2  }
0x8f: {  	_ = 	snop  }
0x90: {  	s2 =	sld [smem:$0x3FD0];
	_ =	sdelay $0x2  }
0x91: {  	s15 =	simm.s32 $0xA;
	s4 =	simm.s32 $0x10  }
0x92: {  	[smem:s4], [sflag:s15] =	dma.local [hbm:s2], $0x1  }
0x93: {  	_ =	swait.eq [sflag:s15], $0x1  }
0x94: {  	[sflag:s15] =	ssyncset.done $0x0  }
0x95: {  	[sflag:s15] =	ssyncadd.s32 $0xFFFFFFFF  }
0x96: {  	s16 =	sld [smem:$0x10];
	(tm) =	ssettm $0x1  }
0x97: {  	s17 =	sld [smem:$0x3FFB];
	_ =	sdelay $0x3  }
0x98: {  	_ =	strace s17  }
0x99: {  	s3 =	sld [smem:$0x3FFC];
	_ =	sdelay $0x3  }
0x9a: {  	_ =	strace s3  }
0x9b: {  	s3 =	sld [smem:$0x3FFD];
	_ =	sdelay $0x3  }
0x9c: {  	_ =	strace s3  }
0x9d: {  	_ =	strace $0x8FFFFFFF  }
0x9e: {  	s18 =	sld [smem:$0x3FDB];
	_ =	sdelay $0x1  }
0x9f: {  	s19 =	simm.s32 $_scs_section_size  }
0xa0: {  	s5 =	simm.s32 $_size__tile_overlayer_lowered;
	s6 =	simm.s32 $_tile_overlayer_lowered  }
0xa1: {  	s22 =	simm.s32 $0x1BFF;
	s21 =	sshll.u32 s6, $0x1;
	s3 =	sadd.s32 s19, s18  }
0xa2: {  	s7 =	simm.s32 $0x0;
	s20 =	sshll.u32 s5, $0x1;
	s5 =	sadd.s32 s21, s3  }
0xa3: {  	[timem:s7], [sflag:s22] =	dma.local [hbm:s5], s20  }
0xa4: {  	_ =	swait.ge [sflag:s22], s20  }
0xa5: {  	s4 =	ssub.s32 $0x0, s20;
	[sflag:s22] =	ssyncset.done $0x0  }
0xa6: {  	[sflag:s22] =	ssyncadd.s32 s4;
	_ =	sdelay $0x1  }
0xa7: {  	s23 =	simm.s32 $0x1B8B  }
0xa8: {  	_ =	swait.ge [sflag:s23], $0x1  }
0xa9: {  	[sflag:s23] =	ssyncset.done $0x0  }
0xaa: {  	s25 =	simm.s32 $0x1B8E;
	s24 =	sld [smem:$0x3FFE];
	[sflag:s23] =	ssyncadd.s32 $0xFFFFFFFF  }
0xab: {  	s26 =	simm.s32 $execute0_lowered;
	[smem:$0x3FD2] =	sst s25  }
0xac: {  	s5 =	sshll.u32 s26, $0x1;
	_ =	strace $0x80000049;
	[dreg:$0x1] =	wrdreg $0xFFFFFFFF  }
0xad: {  	s28 =	simm.s32 $_size_execute0_lowered;
	s3 =	sadd.s32 s3, s5;
	[dreg:$0x0] =	wrdreg $0x0  }
0xae: {  	s5 =	sshll.u32 s28, $0x1;
	[dreg:$0x2] =	wrdreg s3  }
0xaf: {  	[dreg:$0x3] =	wrdreg s5  }
0xb0: {  	[dreg:$0x4] =	wrdreg $0xC0  }
0xb1: {  	_ =	task [dreg:s7], $0x5FFFF  }
0xb2: {  	[dreg:$0x1] =	wrdreg $0xFFFFFFFF  }
0xb3: {  	[dreg:$0x0] =	wrdreg $0x60  }
0xb4: {  	[dreg:$0x2] =	wrdreg s24  }
0xb5: {  	[dreg:$0x3] =	wrdreg s16  }
0xb6: {  	[dreg:$0x4] =	wrdreg $0x78000  }
0xb7: {  	[dreg:$0x5] =	wrdreg $0x0  }
0xb8: {  	[dreg:$0x6] =	wrdreg $0x9  }
0xb9: {  	_ =	task.clear_ibuf [dreg:s7], $0x7FFFF;
	_ =	strace $0x90000049  }
0xba: {  	s29 =	simm.s32 $0x9;
	_ =	strace $0x8000004B  }
0xbb: {  	_ =	swait.ge [sflag:s29], $0x1  }
0xbc: {  	[sflag:s29] =	ssyncadd.s32 $0xFFFFFFFF  }
0xbd: {  	_ =	strace $0x9000004B  }
0xbe: {  	_ =	sfence  }
0xbf: {  	s30 =	sld [smem:$0x0];
	_ =	sdelay $0x2  }
0xc0: {  	s31 =	sshll.u32 s1, $0xD;
	s1 =	sshrl.u32 s1, $0x2  }
0xc1: {  	s3 =	sand.u32 $0x4000, s31;
	s1 =	sadd.s32 s1, s30  }
0xc2: {  	s0 =	sor.u32 s3, s0;
	s1 =	sshll.u32 s1, $0x11  }
0xc3: {  	s0 =	sor.u32 s1, s0  }
0xc4: {  	s0 =	sadd.s32 $0x8F2B, s0  }
0xc5: {  	[sflag:s0] =	ssyncadd.remote.s32 $0x1  }
0xc6: {  	_ =	sfence.sel $0xFFFF  }
0xc7: {  	[dreg:$0x0] =	wrdreg $0xFFFFFFFF;
	(pc) =	sbr.abs _section_cstart, $3  }
0xc8: {  	[dreg:$0x1] =	wrdreg $0xFFFFFFFF  }
0xc9: {  	_ =	task.clear_ibuf [dreg:s7], $0x2FFFF;
	_ =	strace $0x9FFFFFFF  }
0xca: {  	(tm) =	ssettm $0x7FFFFFFF  }
0xcb: {  	_ =	shalt  }
tec
execute0_lowered:
.L_overlay_start_1:
0x0: {  	(tag) =	ssettag $0x1  }
0x1: {  	s0 =	rddreg [dreg:$0x0]  }
0x2: {  	s1 =	srdreg.scid;
	s4 =	rddreg [dreg:$0x1]  }
0x3: {  	s11 =	stileid.u32;
	s2 =	rddreg [dreg:$0x2]  }
0x4: {  	s7 =	simm.s32 $0x0;
	s30 =	simm.s32 $0x5;
	s31 =	simm.s32 $0x19800  }
0x5: {  	s12 =	simm.s32 $0x0;
	s1 =	sand.u32 $0x1, s1;
	s6 =	smul.u32 $0x7800, s11  }
0x6: {  	s3 =	sshll.u32 s11, $0x1;
	[smem:$0x7FF] =	sst s7;
	s21 =	smul.u32 $0x1E000, s11  }
0x7: {  	p0 =	seq.s32 s11, $0xF;
	s11 =	simm.s32 $0x4;
	s5 =	sor.u32 s1, s3  }
0x8: {  	s3 =	rddreg [dreg:$0x3];
	s15 =	smul.u32 $0xF0000, s1;
	_ =	strace $0x8000004A  }
0x9: {  	s1 =	ssub.s32 $0x2, s1;
	s5 =	smul.u32 $0x500, s5;
	s8 =	sshrl.u32 s6, $0x3  }
0xa: {  	s10 =	sshrl.u32 s1, $0x1;
	s18 =	sadd.s32 s6, s3;
	s20 =	sadd.s32 $0x70800, s3  }
0xb: {  	s23 =	sadd.s32 s6, s2;
	s25 =	sshrl.u32 s21, $0x2;
	s7 =	sadd.s32 s6, s15  }
0xc: {  	s9 =	sadd.s32 s8, s0;
	s1 =	ssub.s32 s1, s10;
	[dreg:$0x8] =	wrdreg s18  }
0xd: {  	s19 =	sadd.s32 s4, s8;
	[dreg:$0xa] =	wrdreg s20;
	s4 =	sadd.s32 $0xE100, s4  }
0xe: {  	[dreg:$0xd] =	wrdreg s23;
	s18 =	sadd.s32 s25, s2;
	s6 =	simm.s32 $0x16800  }
0xf: {  	s8 =	simm.s32 $0x18000;
	s10 =	simm.s32 $0x2;
	[dreg:$0x9] =	wrdreg s19  }
0x10: {  	s5 =	sadd.s32 s5, s0;
	s7 =	sshrl.u32 s7, $0x3;
	[dreg:$0xb] =	wrdreg s4  }
0x11: {  	s24 =	sadd.s32 $0x48400, s9;
	s1 =	smax.u32 s1, $0x1;
	s29 =	sadd.s32 $0x1800, s18  }
0x12: {  	s21 =	sadd.s32 $0x2400, s18;
	s23 =	sadd.s32 $0x3C00, s18;
	[dreg:$0xe] =	wrdreg s24  }
0x13: {  	s25 =	sadd.s32 $0x5400, s18;
	s28 =	sadd.s32 $0x6C00, s18;
	[dreg:$0x11] =	wrdreg s1  }
0x14: {  	s9 =	simm.s32 $0x1;
	s16 =	sadd.s32 $0x17200, s5;
	[dreg:$0x13] =	wrdreg s29  }
0x15: {  	s7 =	sadd.s32 s7, s0;
	s17 =	sadd.s32 $0x3200, s5;
	[dreg:$0x5] =	wrdreg s16  }
0x16: {  	s5 =	sadd.s32 $0xD200, s5;
	s0 =	sadd.s32 $0x56500, s0;
	[dreg:$0x6] =	wrdreg s17  }
.Ltmp0:
0x17: {  	s24 =	sadd.s32 $0x4800, s18;
	[dreg:$0x7] =	wrdreg s5;
	(pc) =	sbr.rel .LBB2_1-.Ltmp0, $4  }
0x18: {  	s1 =	simm.s32 $0x14000;
	s22 =	sadd.s32 $0x57000, s7;
	[dreg:$0xf] =	wrdreg s0  }
0x19: {  	s26 =	sadd.s32 $0x66000, s7;
	s0 =	sadd.s32 $0xC00, s18;
	[dreg:$0xc] =	wrdreg s22  }
0x1a: {  	v1 =	vimm.s32 $0x0;
	vm0 =	vcmask $0x300;
	s5 =	simm.s32 $0x80;
	s7 =	simm.s32 $0x3;
	[dreg:$0x10] =	wrdreg s26  }
0x1b: {  	v0 =	vimm.f32 $0.0e+00;
	v1 =	vsel vm0, $0x3, v1;
	[dreg:$0x12] =	wrdreg s0;
	s22 =	sadd.s32 $0x3000, s18;
	s26 =	sadd.s32 $0x6000, s18  }
.LBB2_17:
0x1c: {  	_ =	swait.ge [sflag:s11], $0x1800  }
0x1d: {  	[sflag:s11] =	ssyncset.done $0x0  }
0x1e: {  	[sflag:s11] =	ssyncadd.s32 $0xFFFFE800  }
0x1f: {  	[bflag:$0x0] =	sbarrier.arrive $0xFFFF  }
0x20: {  	s0 =	rddreg [dreg:$0x10]  }
0x21: {  	[hbm:s0], [sflag:s15] =	dma.local [spmem:s16], $0xF00  }
0x22: {  	_ =	swait.ge [sflag:s30], $0xF00  }
0x23: {  	s12 =	sadd.s32 $0x1, s12;
	s29 =	rddreg [dreg:$0x11]  }
0x24: {  	p1 =	sne.s32 s12, s29  }
.Ltmp1:
0x25: {  	_ = 	snop;
	(pc) =	sbr.rel @!p1 .LBB2_18-.Ltmp1, $3  }
0x26: {  	_ =	sdelay $0x1  }
0x27: {  	[sflag:s30] =	ssyncset.done $0x0  }
0x28: {  	[sflag:s30] =	ssyncadd.s32 $0xFFFFF100  }
.LBB2_1:
0x29: {  	s0 =	simm.s32 $0x0;
	s4 =	rddreg [dreg:$0x5];
	s13 =	simm.s32 $0xF000  }
0x2a: {  	[tilespmem:s13], [sflag:$0x5] =	stream.linear.gather [hbm4b:s4+s0], $0x2800, $0x38;
	[tilespmem:$0x1A400] =	vst v63  }
0x2b: {  	_ =	swait.ge [sflag:s30], $0x2800  }
0x2c: {  	[sflag:s30] =	ssyncset.done $0x0  }
0x2d: {  	s20 =	simm.s32 $0x11800;
	s19 =	rddreg [dreg:$0x6];
	[sflag:s30] =	ssyncadd.s32 $0xFFFFD800  }
0x2e: {  	[tilespmem:s20], [sflag:$0x5] =	stream.linear.gather [hbm4b:s19+s0], $0x2800, $0x38;
	[tilespmem:$0x1A400] =	vst v63  }
0x2f: {  	_ =	swait.ge [sflag:s30], $0x2800  }
0x30: {  	[sflag:s30] =	ssyncset.done $0x0  }
0x31: {  	s29 =	rddreg [dreg:$0x7];
	[sflag:s30] =	ssyncadd.s32 $0xFFFFD800  }
0x32: {  	[tilespmem:s1], [sflag:$0x5] =	stream.linear.gather [hbm4b:s29+s0], $0x2800, $0x38;
	[tilespmem:$0x1A400] =	vst v63  }
0x33: {  	_ =	swait.ge [sflag:s30], $0x2800  }
0x34: {  	[sflag:s30] =	ssyncset.done $0x0  }
0x35: {  	s4 =	simm.s32 $0x0;
	s0 =	simm.s32 $0xC0;
	[sflag:s30] =	ssyncadd.s32 $0xFFFFD800  }
.LBB2_2:
0x36: {  	p1 =	sne.s32 s0, $0x2F40;
	[tilespmem:s4+$0x19820] =	vst v0;
	s13 =	smov.u32 s0;
	s0 =	sadd.s32 $0xC0, s0  }
.Ltmp2:
0x37: {  	[tilespmem:s4+$0x19800] =	vst v0;
	(pc) =	sbr.rel @p1 .LBB2_2-.Ltmp2, $2  }
0x38: {  	[tilespmem:s4+$0x19810] =	vst v0;
	_ =	sdelay $0x2  }
0x39: {  	s4 =	sshra.s32 s13, $0x2  }
0x3a: {  	[tilespmem:s4+$0x19820] =	vst v0  }
0x3b: {  	[tilespmem:s4+$0x19800] =	vst v0  }
0x3c: {  	[tilespmem:s4+$0x19810] =	vst v0  }
0x3d: {  	[spmem:s18] =	stream.linear.scatter [tilespmem:s31], [sflag:$0x5], $0xC00, $0x38;
	[tilespmem:$0x1A400] =	vst v63  }
0x3e: {  	_ =	swait.ge [sflag:s30], $0xC00  }
0x3f: {  	[sflag:s30] =	ssyncset.done $0x0  }
0x40: {  	s0 =	rddreg [dreg:$0x12];
	[sflag:s30] =	ssyncadd.s32 $0xFFFFF400  }
0x41: {  	[spmem:s0] =	stream.linear.scatter [tilespmem:s31], [sflag:$0x5], $0xC00, $0x38;
	[tilespmem:$0x1A400] =	vst v63  }
0x42: {  	_ =	swait.ge [sflag:s30], $0xC00  }
0x43: {  	[sflag:s30] =	ssyncset.done $0x0  }
0x44: {  	s19 =	rddreg [dreg:$0x13];
	[sflag:s30] =	ssyncadd.s32 $0xFFFFF400  }
0x45: {  	[spmem:s19] =	stream.linear.scatter [tilespmem:s31], [sflag:$0x5], $0xC00, $0x38;
	[tilespmem:$0x1A400] =	vst v63  }
0x46: {  	_ =	swait.ge [sflag:s30], $0xC00  }
0x47: {  	[sflag:s30] =	ssyncset.done $0x0  }
0x48: {  	[sflag:s30] =	ssyncadd.s32 $0xFFFFF400  }
0x49: {  	[spmem:s21] =	stream.linear.scatter [tilespmem:s31], [sflag:$0x5], $0xC00, $0x38;
	[tilespmem:$0x1A400] =	vst v63  }
0x4a: {  	_ =	swait.ge [sflag:s30], $0xC00  }
0x4b: {  	[sflag:s30] =	ssyncset.done $0x0  }
0x4c: {  	[sflag:s30] =	ssyncadd.s32 $0xFFFFF400  }
0x4d: {  	[spmem:s22] =	stream.linear.scatter [tilespmem:s31], [sflag:$0x5], $0xC00, $0x38;
	[tilespmem:$0x1A400] =	vst v63  }
0x4e: {  	_ =	swait.ge [sflag:s30], $0xC00  }
0x4f: {  	[sflag:s30] =	ssyncset.done $0x0  }
0x50: {  	[sflag:s30] =	ssyncadd.s32 $0xFFFFF400  }
0x51: {  	[spmem:s23] =	stream.linear.scatter [tilespmem:s31], [sflag:$0x5], $0xC00, $0x38;
	[tilespmem:$0x1A400] =	vst v63  }
0x52: {  	_ =	swait.ge [sflag:s30], $0xC00  }
0x53: {  	[sflag:s30] =	ssyncset.done $0x0  }
0x54: {  	[sflag:s30] =	ssyncadd.s32 $0xFFFFF400  }
0x55: {  	[spmem:s24] =	stream.linear.scatter [tilespmem:s31], [sflag:$0x5], $0xC00, $0x38;
	[tilespmem:$0x1A400] =	vst v63  }
0x56: {  	_ =	swait.ge [sflag:s30], $0xC00  }
0x57: {  	[sflag:s30] =	ssyncset.done $0x0  }
0x58: {  	[sflag:s30] =	ssyncadd.s32 $0xFFFFF400  }
0x59: {  	[spmem:s25] =	stream.linear.scatter [tilespmem:s31], [sflag:$0x5], $0xC00, $0x38;
	[tilespmem:$0x1A400] =	vst v63  }
0x5a: {  	_ =	swait.ge [sflag:s30], $0xC00  }
0x5b: {  	[sflag:s30] =	ssyncset.done $0x0  }
0x5c: {  	[sflag:s30] =	ssyncadd.s32 $0xFFFFF400  }
0x5d: {  	[spmem:s26] =	stream.linear.scatter [tilespmem:s31], [sflag:$0x5], $0xC00, $0x38;
	[tilespmem:$0x1A400] =	vst v63  }
0x5e: {  	_ =	swait.ge [sflag:s30], $0xC00  }
0x5f: {  	[sflag:s30] =	ssyncset.done $0x0  }
0x60: {  	[sflag:s30] =	ssyncadd.s32 $0xFFFFF400  }
0x61: {  	[spmem:s28] =	stream.linear.scatter [tilespmem:s31], [sflag:$0x5], $0xC00, $0x38;
	[tilespmem:$0x1A400] =	vst v63  }
0x62: {  	_ =	swait.ge [sflag:s30], $0xC00  }
0x63: {  	s0 =	rddreg [dreg:$0xa]  }
0x64: {  	[sflag:s30] =	ssyncset.done $0x0;
	s4 =	rddreg [dreg:$0xb]  }
0x65: {  	[sflag:s30] =	ssyncadd.s32 $0xFFFFF400;
	s13 =	sshrl.u32 @p0 s0, $0x3;
	s0 =	simm.s32 @p0 $0x1FC5  }
0x66: {  	[spmem:s13], [sflag:s0] =	dma.local @p0 [hbm:s4], $0x960  }
0x67: {  	s0 =	simm.s32 @p0 $0x5  }
0x68: {  	s4 =	stileid.u32;
	_ =	swait.ge @p0 [sflag:s0], $0x960  }
0x69: {  	s4 =	sshll.u32 @!p0 s4, $0x6;
	[sflag:s0] =	ssyncset.done @p0 $0x0  }
0x6a: {  	[sflag:s0] =	ssyncadd.s32 @p0 $0xFFFFF6A0;
	s0 =	sor.u32 @!p0 $0x1C05, s4;
	s4 =	rddreg [dreg:$0x8]  }
0x6b: {  	s14 =	sshrl.u32 @!p0 s4, $0x3;
	s4 =	rddreg [dreg:$0x9]  }
0x6c: {  	[spmem:s14], [sflag:s0] =	dma.local @!p0 [hbm:s4], $0xF00  }
0x6d: {  	s0 =	simm.s32 @!p0 $0x5  }
0x6e: {  	_ =	swait.ge @!p0 [sflag:s0], $0xF00  }
0x6f: {  	[sflag:s0] =	ssyncset.done @!p0 $0x0  }
0x70: {  	[sflag:s0] =	ssyncadd.s32 @!p0 $0xFFFFF100  }
0x71: {  	s20 =	simm.s32 $0xF000;
	[bflag:$0x0] =	sbarrier.arrive $0xFFFF  }
0x72: {  	[tilespmem:s6], [sflag:$0x1] =	stream.indirect.gather [spmem:s3], $0x30, s20, s5, $0xb8;
	[tilespmem:$0x1A400] =	vst v63  }
0x73: {  	s29 =	simm.s32 $0xF080;
	s15 =	simm.s32 $0x0  }
0x74: {  	[tilespmem:s8], [sflag:$0x2] =	stream.indirect.gather [spmem:s3], $0x30, s29, s5, $0xb8;
	[tilespmem:$0x1A400] =	vst v63  }
.LBB2_4:
0x75: {  	s0 =	simm.s32 $0x0  }
0x76: {  	v2 =	vmov s0  }
0x77: {  	s19 =	sshll.u32 s15, $0x8;
	v3 =	vshrl.u32 v2, $0x3  }
0x78: {  	v2 =	vmov s19;
	v3 =	vshll.u32 v3, v1  }
0x79: {  	v3 =	vadd.s32 v2, v3  }
0x7a: {  	v3 =	vbroadcast v3, $0x0;
	_ =	sdelay $0x1  }
0x7b: {  	_ =	swait.ge [sflag:s9], $0x1800  }
0x7c: {  	[sflag:s9] =	ssyncset.done $0x0  }
0x7d: {  	s16 =	simm.s32 $0x168C0;
	[sflag:s9] =	ssyncadd.s32 $0xFFFFE800  }
0x7e: {  	s20 =	simm.s32 $0x1;
	v5 =	vld [tilespmem:s16+$0xFFFFFF40]  }
0x7f: {  	v4 =	vld.idx.msk [tilespmem:v3+s1+$0x0], $0xffff;
	v3 =	vmov s20  }
0x80: {  	v6 =	vld [tilespmem:s16+$0xFFFFFF60];
	v7 =	vshrl.u32 v3, $0x3  }
0x81: {  	v8 =	vld [tilespmem:s16+$0xFFFFFF50];
	v3 =	vor.u32 $0x1, v2;
	v7 =	vshll.u32 v7, v1  }
0x82: {  	v7 =	vadd.s32 v7, v3  }
0x83: {  	v7 =	vbroadcast v7, $0x0  }
0x84: {  	v5 =	vmul.f32 v5, v4  }
0x85: {  	v6 =	vmul.f32 v6, v4  }
0x86: {  	v4 =	vmul.f32 v8, v4;
	[tilespmem:s16+$0xFFFFFF40] =	vst v5  }
0x87: {  	[tilespmem:s16+$0xFFFFFF60] =	vst v6  }
0x88: {  	s29 =	simm.s32 $0x2;
	[tilespmem:s16+$0xFFFFFF50] =	vst v4;
	v6 =	vld [tilespmem:s16+$0xFFFFFF70]  }
0x89: {  	v4 =	vmov s29;
	v5 =	vld.idx.msk [tilespmem:v7+s1+$0x0], $0xffff  }
0x8a: {  	v8 =	vshrl.u32 v4, $0x3;
	v7 =	vld [tilespmem:s16+$0xFFFFFF80]  }
0x8b: {  	v9 =	vld [tilespmem:s16+$0xFFFFFF90];
	v4 =	vor.u32 $0x2, v2;
	v8 =	vshll.u32 v8, v1  }
0x8c: {  	v8 =	vadd.s32 v8, v4  }
0x8d: {  	v8 =	vbroadcast v8, $0x0  }
0x8e: {  	v6 =	vmul.f32 v6, v5  }
0x8f: {  	v7 =	vmul.f32 v7, v5  }
0x90: {  	v5 =	vmul.f32 v9, v5;
	[tilespmem:s16+$0xFFFFFF70] =	vst v6  }
0x91: {  	[tilespmem:s16+$0xFFFFFF80] =	vst v7  }
0x92: {  	s4 =	simm.s32 $0x3;
	[tilespmem:s16+$0xFFFFFF90] =	vst v5;
	v7 =	vld [tilespmem:s16+$0xFFFFFFA0]  }
0x93: {  	v5 =	vmov s4;
	v6 =	vld.idx.msk [tilespmem:v8+s1+$0x0], $0xffff  }
0x94: {  	v8 =	vld [tilespmem:s16+$0xFFFFFFB0];
	v9 =	vshrl.u32 v5, $0x3  }
0x95: {  	v10 =	vld [tilespmem:s16+$0xFFFFFFC0];
	v5 =	vor.u32 $0x3, v2;
	v9 =	vshll.u32 v9, v1  }
0x96: {  	v9 =	vadd.s32 v9, v5  }
0x97: {  	v9 =	vbroadcast v9, $0x0  }
0x98: {  	v7 =	vmul.f32 v7, v6  }
0x99: {  	v8 =	vmul.f32 v8, v6  }
0x9a: {  	v6 =	vmul.f32 v10, v6;
	[tilespmem:s16+$0xFFFFFFA0] =	vst v7  }
0x9b: {  	[tilespmem:s16+$0xFFFFFFB0] =	vst v8  }
0x9c: {  	s17 =	simm.s32 $0x4;
	[tilespmem:s16+$0xFFFFFFC0] =	vst v6;
	v8 =	vld [tilespmem:s16+$0xFFFFFFD0]  }
0x9d: {  	v6 =	vmov s17;
	v7 =	vld.idx.msk [tilespmem:v9+s1+$0x0], $0xffff  }
0x9e: {  	v10 =	vshrl.u32 v6, $0x3;
	v9 =	vld [tilespmem:s16+$0xFFFFFFE0]  }
0x9f: {  	v11 =	vld [tilespmem:s16+$0xFFFFFFF0];
	v6 =	vor.u32 $0x4, v2;
	v10 =	vshll.u32 v10, v1  }
0xa0: {  	v10 =	vadd.s32 v10, v6  }
0xa1: {  	v10 =	vbroadcast v10, $0x0  }
0xa2: {  	v8 =	vmul.f32 v8, v7  }
0xa3: {  	v9 =	vmul.f32 v9, v7  }
0xa4: {  	v7 =	vmul.f32 v11, v7;
	[tilespmem:s16+$0xFFFFFFD0] =	vst v8  }
0xa5: {  	[tilespmem:s16+$0xFFFFFFE0] =	vst v9  }
0xa6: {  	s19 =	simm.s32 $0x5;
	[tilespmem:s16+$0xFFFFFFF0] =	vst v7;
	v9 =	vld [tilespmem:s16+$0x0]  }
0xa7: {  	v7 =	vmov s19;
	v8 =	vld.idx.msk [tilespmem:v10+s1+$0x0], $0xffff  }
0xa8: {  	v10 =	vld [tilespmem:s16+$0x20];
	v12 =	vshrl.u32 v7, $0x3  }
0xa9: {  	v11 =	vld [tilespmem:s16+$0x10];
	v7 =	vor.u32 $0x5, v2;
	v12 =	vshll.u32 v12, v1  }
0xaa: {  	v12 =	vadd.s32 v12, v7  }
0xab: {  	v12 =	vbroadcast v12, $0x0  }
0xac: {  	v9 =	vmul.f32 v9, v8  }
0xad: {  	v10 =	vmul.f32 v10, v8  }
0xae: {  	v8 =	vmul.f32 v11, v8;
	[tilespmem:s16+$0x0] =	vst v9  }
0xaf: {  	[tilespmem:s16+$0x20] =	vst v10  }
0xb0: {  	s20 =	simm.s32 $0x6;
	[tilespmem:s16+$0x10] =	vst v8;
	v9 =	vld [tilespmem:s16+$0x40]  }
0xb1: {  	v8 =	vmov s20;
	v10 =	vld.idx.msk [tilespmem:v12+s1+$0x0], $0xffff  }
0xb2: {  	v11 =	vld [tilespmem:s16+$0x50];
	v13 =	vshrl.u32 v8, $0x3  }
0xb3: {  	v8 =	vor.u32 $0x6, v2;
	v12 =	vld [tilespmem:s16+$0x30];
	v13 =	vshll.u32 v13, v1  }
0xb4: {  	v13 =	vadd.s32 v13, v8  }
0xb5: {  	v13 =	vbroadcast v13, $0x0  }
0xb6: {  	v9 =	vmul.f32 v9, v10  }
0xb7: {  	v11 =	vmul.f32 v11, v10  }
0xb8: {  	v10 =	vmul.f32 v12, v10;
	[tilespmem:s16+$0x40] =	vst v9  }
0xb9: {  	s29 =	simm.s32 $0x7;
	v12 =	vld [tilespmem:s16+$0x70];
	[tilespmem:s16+$0x50] =	vst v11  }
0xba: {  	[tilespmem:s16+$0x30] =	vst v10;
	v11 =	vld [tilespmem:s16+$0x60];
	v9 =	vmov s29  }
0xbb: {  	v10 =	vld.idx.msk [tilespmem:v13+s1+$0x0], $0xffff;
	v13 =	vshrl.u32 v9, $0x3  }
0xbc: {  	v9 =	vor.u32 $0x7, v2;
	v14 =	vshll.u32 v13, v1;
	v13 =	vld [tilespmem:s16+$0x80]  }
0xbd: {  	s0 =	simm.s32 $0x168C0;
	s4 =	sshll.u32 s15, $0x1;
	s17 =	simm.s32 $0xF;
	v14 =	vadd.s32 v14, v9  }
.LBB2_5:
0xbe: {  	p1 =	sne.s32 s17, $0x7F  }
0xbf: {  	v14 =	vbroadcast v14, $0x0;
	s16 =	sadd.s32 $0x180, s16;
	s29 =	smov.u32 s17;
	s17 =	sadd.s32 $0x8, s17  }
0xc0: {  	v11 =	vmul.f32 v11, v10;
	v12 =	vmul.f32 v12, v10  }
0xc1: {  	v10 =	vmul.f32 v13, v10  }
0xc2: {  	[tilespmem:s0+$0x60] =	vst v11  }
0xc3: {  	[tilespmem:s0+$0x80] =	vst v10  }
0xc4: {  	[tilespmem:s0+$0x70] =	vst v12;
	v10 =	vld [tilespmem:s0+$0x90]  }
0xc5: {  	s19 =	sadd.s32 $0xFFFFFFF9, s29;
	v11 =	vld.idx.msk [tilespmem:v14+s1+$0x0], $0xffff  }
0xc6: {  	v12 =	vmov s19;
	v13 =	vld [tilespmem:s0+$0xB0]  }
0xc7: {  	v12 =	vshrl.u32 v12, $0x3;
	v14 =	vld [tilespmem:s0+$0xA0]  }
0xc8: {  	v12 =	vshll.u32 v12, v1  }
0xc9: {  	v12 =	vadd.s32 v2, v12  }
0xca: {  	v12 =	vbroadcast v12, $0x0  }
0xcb: {  	v10 =	vmul.f32 v10, v11;
	v13 =	vmul.f32 v13, v11  }
0xcc: {  	v11 =	vmul.f32 v14, v11  }
0xcd: {  	[tilespmem:s0+$0x90] =	vst v10  }
0xce: {  	[tilespmem:s0+$0xA0] =	vst v11  }
0xcf: {  	v10 =	vld [tilespmem:s16+$0xFFFFFF50];
	[tilespmem:s0+$0xB0] =	vst v13;
	s0 =	smov.u32 s16  }
0xd0: {  	s19 =	sadd.s32 $0xFFFFFFFA, s29;
	v11 =	vld.idx.msk [tilespmem:v12+s1+$0x0], $0xffff  }
0xd1: {  	v13 =	vmov s19;
	v12 =	vld [tilespmem:s16+$0xFFFFFF40]  }
0xd2: {  	v13 =	vshrl.u32 v13, $0x3;
	v14 =	vld [tilespmem:s16+$0xFFFFFF60]  }
0xd3: {  	v13 =	vshll.u32 v13, v1  }
0xd4: {  	v13 =	vadd.s32 v13, v3  }
0xd5: {  	v13 =	vbroadcast v13, $0x0  }
0xd6: {  	v10 =	vmul.f32 v10, v11;
	v12 =	vmul.f32 v12, v11  }
0xd7: {  	v11 =	vmul.f32 v14, v11  }
0xd8: {  	[tilespmem:s16+$0xFFFFFF40] =	vst v12  }
0xd9: {  	[tilespmem:s16+$0xFFFFFF60] =	vst v11  }
0xda: {  	[tilespmem:s16+$0xFFFFFF50] =	vst v10;
	v10 =	vld [tilespmem:s16+$0xFFFFFF80]  }
0xdb: {  	s19 =	sadd.s32 $0xFFFFFFFB, s29;
	v11 =	vld.idx.msk [tilespmem:v13+s1+$0x0], $0xffff  }
0xdc: {  	v13 =	vmov s19;
	v12 =	vld [tilespmem:s16+$0xFFFFFF70]  }
0xdd: {  	v13 =	vshrl.u32 v13, $0x3;
	v14 =	vld [tilespmem:s16+$0xFFFFFF90]  }
0xde: {  	v13 =	vshll.u32 v13, v1  }
0xdf: {  	v13 =	vadd.s32 v13, v4  }
0xe0: {  	v13 =	vbroadcast v13, $0x0  }
0xe1: {  	v10 =	vmul.f32 v10, v11;
	v12 =	vmul.f32 v12, v11  }
0xe2: {  	v11 =	vmul.f32 v14, v11  }
0xe3: {  	[tilespmem:s16+$0xFFFFFF70] =	vst v12  }
0xe4: {  	[tilespmem:s16+$0xFFFFFF80] =	vst v10  }
0xe5: {  	[tilespmem:s16+$0xFFFFFF90] =	vst v11;
	v10 =	vld [tilespmem:s16+$0xFFFFFFB0]  }
0xe6: {  	s19 =	sadd.s32 $0xFFFFFFFC, s29;
	v11 =	vld.idx.msk [tilespmem:v13+s1+$0x0], $0xffff  }
0xe7: {  	v13 =	vmov s19;
	v12 =	vld [tilespmem:s16+$0xFFFFFFA0]  }
0xe8: {  	v13 =	vshrl.u32 v13, $0x3;
	v14 =	vld [tilespmem:s16+$0xFFFFFFC0]  }
0xe9: {  	v13 =	vshll.u32 v13, v1  }
0xea: {  	v13 =	vadd.s32 v13, v5  }
0xeb: {  	v13 =	vbroadcast v13, $0x0  }
0xec: {  	v10 =	vmul.f32 v10, v11;
	v12 =	vmul.f32 v12, v11  }
0xed: {  	v11 =	vmul.f32 v14, v11  }
0xee: {  	[tilespmem:s16+$0xFFFFFFA0] =	vst v12  }
0xef: {  	[tilespmem:s16+$0xFFFFFFB0] =	vst v10  }
0xf0: {  	[tilespmem:s16+$0xFFFFFFC0] =	vst v11;
	v10 =	vld [tilespmem:s16+$0xFFFFFFE0]  }
0xf1: {  	s19 =	sadd.s32 $0xFFFFFFFD, s29;
	v11 =	vld.idx.msk [tilespmem:v13+s1+$0x0], $0xffff  }
0xf2: {  	v13 =	vmov s19;
	v12 =	vld [tilespmem:s16+$0xFFFFFFD0]  }
0xf3: {  	v13 =	vshrl.u32 v13, $0x3;
	v14 =	vld [tilespmem:s16+$0xFFFFFFF0]  }
0xf4: {  	v13 =	vshll.u32 v13, v1  }
0xf5: {  	v13 =	vadd.s32 v13, v6  }
0xf6: {  	v13 =	vbroadcast v13, $0x0  }
0xf7: {  	v10 =	vmul.f32 v10, v11;
	v12 =	vmul.f32 v12, v11  }
0xf8: {  	v11 =	vmul.f32 v14, v11  }
0xf9: {  	[tilespmem:s16+$0xFFFFFFD0] =	vst v12  }
0xfa: {  	[tilespmem:s16+$0xFFFFFFE0] =	vst v10  }
0xfb: {  	[tilespmem:s16+$0xFFFFFFF0] =	vst v11;
	v10 =	vld [tilespmem:s16+$0x10]  }
0xfc: {  	s19 =	sadd.s32 $0xFFFFFFFE, s29;
	v11 =	vld.idx.msk [tilespmem:v13+s1+$0x0], $0xffff  }
0xfd: {  	v13 =	vmov s19;
	v12 =	vld [tilespmem:s16+$0x0]  }
0xfe: {  	v13 =	vshrl.u32 v13, $0x3;
	v14 =	vld [tilespmem:s16+$0x20]  }
0xff: {  	v13 =	vshll.u32 v13, v1  }
0x100: {  	v13 =	vadd.s32 v13, v7  }
0x101: {  	v13 =	vbroadcast v13, $0x0  }
0x102: {  	v10 =	vmul.f32 v10, v11;
	v12 =	vmul.f32 v12, v11  }
0x103: {  	v11 =	vmul.f32 v14, v11  }
0x104: {  	[tilespmem:s16+$0x0] =	vst v12  }
0x105: {  	[tilespmem:s16+$0x20] =	vst v11  }
0x106: {  	[tilespmem:s16+$0x10] =	vst v10;
	v10 =	vld [tilespmem:s16+$0x40]  }
0x107: {  	s19 =	sadd.s32 $0xFFFFFFFF, s29;
	v11 =	vld.idx.msk [tilespmem:v13+s1+$0x0], $0xffff  }
0x108: {  	v13 =	vmov s19;
	v12 =	vld [tilespmem:s16+$0x30]  }
0x109: {  	v13 =	vshrl.u32 v13, $0x3;
	v14 =	vld [tilespmem:s16+$0x50]  }
0x10a: {  	v13 =	vshll.u32 v13, v1  }
0x10b: {  	v13 =	vadd.s32 v13, v8  }
0x10c: {  	v13 =	vbroadcast v13, $0x0  }
0x10d: {  	v10 =	vmul.f32 v10, v11;
	v12 =	vmul.f32 v12, v11  }
0x10e: {  	v11 =	vmul.f32 v14, v11  }
0x10f: {  	[tilespmem:s16+$0x40] =	vst v10  }
0x110: {  	[tilespmem:s16+$0x50] =	vst v11  }
0x111: {  	[tilespmem:s16+$0x30] =	vst v12;
	v11 =	vld [tilespmem:s16+$0x60]  }
.Ltmp3:
0x112: {  	v10 =	vld.idx.msk [tilespmem:v13+s1+$0x0], $0xffff;
	(pc) =	sbr.rel @p1 .LBB2_5-.Ltmp3, $4  }
0x113: {  	v14 =	vmov s29;
	v12 =	vld [tilespmem:s16+$0x70]  }
0x114: {  	v14 =	vshrl.u32 v14, $0x3;
	v13 =	vld [tilespmem:s16+$0x80]  }
0x115: {  	v14 =	vshll.u32 v14, v1  }
0x116: {  	v14 =	vadd.s32 v14, v9  }
0x117: {  	v2 =	vbroadcast v14, $0x0  }
0x118: {  	v3 =	vmul.f32 v11, v10  }
0x119: {  	v5 =	vmul.f32 v12, v10  }
0x11a: {  	v4 =	vmul.f32 v13, v10;
	[tilespmem:s0+$0x60] =	vst v3  }
0x11b: {  	[tilespmem:s0+$0x70] =	vst v5  }
0x11c: {  	v3 =	vld [tilespmem:s0+$0x90];
	[tilespmem:s0+$0x80] =	vst v4  }
0x11d: {  	v4 =	vld.idx.msk [tilespmem:v2+s1+$0x0], $0xffff  }
0x11e: {  	v2 =	vld [tilespmem:s0+$0xA0]  }
0x11f: {  	v5 =	vld [tilespmem:s0+$0xB0];
	_ =	sdelay $0x2  }
0x120: {  	s16 =	simm.s32 $0x0;
	v3 =	vmul.f32 v3, v4  }
0x121: {  	s4 =	sor.u32 $0x1, s4;
	v6 =	vmov s16;
	v7 =	vmul.f32 v2, v4  }
0x122: {  	s17 =	sshll.u32 s4, $0x7;
	v6 =	vshrl.u32 v6, $0x3;
	v4 =	vmul.f32 v5, v4;
	[tilespmem:s0+$0x90] =	vst v3  }
0x123: {  	v6 =	vshll.u32 v6, v1;
	v2 =	vmov s17;
	[tilespmem:s0+$0xA0] =	vst v7  }
0x124: {  	v3 =	vadd.s32 v2, v6;
	[tilespmem:s0+$0xB0] =	vst v4  }
0x125: {  	s19 =	sshll.u32 s15, $0xA;
	v3 =	vbroadcast v3, $0x0;
	_ =	swait.ge [sflag:s10], $0x1800  }
0x126: {  	s16 =	sshrl.u32 s19, $0x2;
	[sflag:s10] =	ssyncset.done $0x0  }
0x127: {  	s0 =	sadd.s32 $0x11800, s16;
	[sflag:s10] =	ssyncadd.s32 $0xFFFFE800  }
0x128: {  	[spmem:s2] =	stream.indirect.scatter.add.f32 [tilespmem:s6], [sflag:$0x3], $0x30, s0, s5, $0xb8;
	[tilespmem:$0x1A400] =	vst v63  }
0x129: {  	s0 =	simm.s32 $0x180C0  }
0x12a: {  	s20 =	simm.s32 $0x1;
	v5 =	vld [tilespmem:s0+$0xFFFFFF40]  }
0x12b: {  	v4 =	vld.idx.msk [tilespmem:v3+s1+$0x0], $0xffff;
	v3 =	vmov s20  }
0x12c: {  	v6 =	vld [tilespmem:s0+$0xFFFFFF60];
	v7 =	vshrl.u32 v3, $0x3  }
0x12d: {  	v8 =	vld [tilespmem:s0+$0xFFFFFF50];
	v3 =	vor.u32 $0x1, v2;
	v7 =	vshll.u32 v7, v1  }
0x12e: {  	v7 =	vadd.s32 v7, v3  }
0x12f: {  	v7 =	vbroadcast v7, $0x0  }
0x130: {  	v5 =	vmul.f32 v5, v4  }
0x131: {  	v6 =	vmul.f32 v6, v4  }
0x132: {  	v4 =	vmul.f32 v8, v4;
	[tilespmem:s0+$0xFFFFFF40] =	vst v5  }
0x133: {  	[tilespmem:s0+$0xFFFFFF60] =	vst v6  }
0x134: {  	s19 =	simm.s32 $0x2;
	[tilespmem:s0+$0xFFFFFF50] =	vst v4;
	v6 =	vld [tilespmem:s0+$0xFFFFFF70]  }
0x135: {  	v4 =	vmov s19;
	v5 =	vld.idx.msk [tilespmem:v7+s1+$0x0], $0xffff  }
0x136: {  	v8 =	vshrl.u32 v4, $0x3;
	v7 =	vld [tilespmem:s0+$0xFFFFFF80]  }
0x137: {  	v9 =	vld [tilespmem:s0+$0xFFFFFF90];
	v4 =	vor.u32 $0x2, v2;
	v8 =	vshll.u32 v8, v1  }
0x138: {  	v8 =	vadd.s32 v8, v4  }
0x139: {  	v8 =	vbroadcast v8, $0x0  }
0x13a: {  	v6 =	vmul.f32 v6, v5  }
0x13b: {  	v7 =	vmul.f32 v7, v5  }
0x13c: {  	v5 =	vmul.f32 v9, v5;
	[tilespmem:s0+$0xFFFFFF70] =	vst v6  }
0x13d: {  	[tilespmem:s0+$0xFFFFFF80] =	vst v7  }
0x13e: {  	s20 =	simm.s32 $0x3;
	[tilespmem:s0+$0xFFFFFF90] =	vst v5;
	v7 =	vld [tilespmem:s0+$0xFFFFFFA0]  }
0x13f: {  	v5 =	vmov s20;
	v6 =	vld.idx.msk [tilespmem:v8+s1+$0x0], $0xffff  }
0x140: {  	v8 =	vld [tilespmem:s0+$0xFFFFFFB0];
	v9 =	vshrl.u32 v5, $0x3  }
0x141: {  	v10 =	vld [tilespmem:s0+$0xFFFFFFC0];
	v5 =	vor.u32 $0x3, v2;
	v9 =	vshll.u32 v9, v1  }
0x142: {  	v9 =	vadd.s32 v9, v5  }
0x143: {  	v9 =	vbroadcast v9, $0x0  }
0x144: {  	v7 =	vmul.f32 v7, v6  }
0x145: {  	v8 =	vmul.f32 v8, v6  }
0x146: {  	v6 =	vmul.f32 v10, v6;
	[tilespmem:s0+$0xFFFFFFA0] =	vst v7  }
0x147: {  	[tilespmem:s0+$0xFFFFFFB0] =	vst v8  }
0x148: {  	s19 =	simm.s32 $0x4;
	[tilespmem:s0+$0xFFFFFFC0] =	vst v6;
	v8 =	vld [tilespmem:s0+$0xFFFFFFD0]  }
0x149: {  	v6 =	vmov s19;
	v7 =	vld.idx.msk [tilespmem:v9+s1+$0x0], $0xffff  }
0x14a: {  	v10 =	vshrl.u32 v6, $0x3;
	v9 =	vld [tilespmem:s0+$0xFFFFFFE0]  }
0x14b: {  	v11 =	vld [tilespmem:s0+$0xFFFFFFF0];
	v6 =	vor.u32 $0x4, v2;
	v10 =	vshll.u32 v10, v1  }
0x14c: {  	v10 =	vadd.s32 v10, v6  }
0x14d: {  	v10 =	vbroadcast v10, $0x0  }
0x14e: {  	v8 =	vmul.f32 v8, v7  }
0x14f: {  	v9 =	vmul.f32 v9, v7  }
0x150: {  	v7 =	vmul.f32 v11, v7;
	[tilespmem:s0+$0xFFFFFFD0] =	vst v8  }
0x151: {  	[tilespmem:s0+$0xFFFFFFE0] =	vst v9  }
0x152: {  	s20 =	simm.s32 $0x5;
	[tilespmem:s0+$0xFFFFFFF0] =	vst v7;
	v9 =	vld [tilespmem:s0+$0x0]  }
0x153: {  	v7 =	vmov s20;
	v8 =	vld.idx.msk [tilespmem:v10+s1+$0x0], $0xffff  }
0x154: {  	v10 =	vld [tilespmem:s0+$0x20];
	v12 =	vshrl.u32 v7, $0x3  }
0x155: {  	v11 =	vld [tilespmem:s0+$0x10];
	v7 =	vor.u32 $0x5, v2;
	v12 =	vshll.u32 v12, v1  }
0x156: {  	v12 =	vadd.s32 v12, v7  }
0x157: {  	v12 =	vbroadcast v12, $0x0  }
0x158: {  	v9 =	vmul.f32 v9, v8  }
0x159: {  	v10 =	vmul.f32 v10, v8  }
0x15a: {  	v8 =	vmul.f32 v11, v8;
	[tilespmem:s0+$0x0] =	vst v9  }
0x15b: {  	[tilespmem:s0+$0x20] =	vst v10  }
0x15c: {  	s19 =	simm.s32 $0x6;
	[tilespmem:s0+$0x10] =	vst v8;
	v9 =	vld [tilespmem:s0+$0x40]  }
0x15d: {  	v8 =	vmov s19;
	v10 =	vld.idx.msk [tilespmem:v12+s1+$0x0], $0xffff  }
0x15e: {  	v11 =	vld [tilespmem:s0+$0x50];
	v13 =	vshrl.u32 v8, $0x3  }
0x15f: {  	v8 =	vor.u32 $0x6, v2;
	v12 =	vld [tilespmem:s0+$0x30];
	v13 =	vshll.u32 v13, v1  }
0x160: {  	v13 =	vadd.s32 v13, v8  }
0x161: {  	v13 =	vbroadcast v13, $0x0  }
0x162: {  	v9 =	vmul.f32 v9, v10  }
0x163: {  	v11 =	vmul.f32 v11, v10  }
0x164: {  	v10 =	vmul.f32 v12, v10;
	[tilespmem:s0+$0x40] =	vst v9  }
0x165: {  	s20 =	simm.s32 $0x7;
	v12 =	vld [tilespmem:s0+$0x70];
	[tilespmem:s0+$0x50] =	vst v11  }
0x166: {  	[tilespmem:s0+$0x30] =	vst v10;
	v11 =	vld [tilespmem:s0+$0x60];
	v9 =	vmov s20  }
0x167: {  	v10 =	vld.idx.msk [tilespmem:v13+s1+$0x0], $0xffff;
	v13 =	vshrl.u32 v9, $0x3  }
0x168: {  	v9 =	vor.u32 $0x7, v2;
	v14 =	vshll.u32 v13, v1;
	v13 =	vld [tilespmem:s0+$0x80]  }
0x169: {  	s29 =	simm.s32 $0xF;
	s4 =	simm.s32 $0x180C0;
	v14 =	vadd.s32 v14, v9  }
.LBB2_7:
0x16a: {  	p1 =	sne.s32 s29, $0x7F  }
0x16b: {  	v14 =	vbroadcast v14, $0x0;
	s0 =	sadd.s32 $0x180, s0;
	s19 =	smov.u32 s29;
	s29 =	sadd.s32 $0x8, s29  }
0x16c: {  	v11 =	vmul.f32 v11, v10;
	v12 =	vmul.f32 v12, v10  }
0x16d: {  	v10 =	vmul.f32 v13, v10  }
0x16e: {  	[tilespmem:s4+$0x60] =	vst v11  }
0x16f: {  	[tilespmem:s4+$0x80] =	vst v10  }
0x170: {  	[tilespmem:s4+$0x70] =	vst v12;
	v10 =	vld [tilespmem:s4+$0x90]  }
0x171: {  	s20 =	sadd.s32 $0xFFFFFFF9, s19;
	v11 =	vld.idx.msk [tilespmem:v14+s1+$0x0], $0xffff  }
0x172: {  	v12 =	vmov s20;
	v13 =	vld [tilespmem:s4+$0xB0]  }
0x173: {  	v12 =	vshrl.u32 v12, $0x3;
	v14 =	vld [tilespmem:s4+$0xA0]  }
0x174: {  	v12 =	vshll.u32 v12, v1  }
0x175: {  	v12 =	vadd.s32 v2, v12  }
0x176: {  	v12 =	vbroadcast v12, $0x0  }
0x177: {  	v10 =	vmul.f32 v10, v11;
	v13 =	vmul.f32 v13, v11  }
0x178: {  	v11 =	vmul.f32 v14, v11  }
0x179: {  	[tilespmem:s4+$0x90] =	vst v10  }
0x17a: {  	[tilespmem:s4+$0xA0] =	vst v11  }
0x17b: {  	v10 =	vld [tilespmem:s0+$0xFFFFFF50];
	[tilespmem:s4+$0xB0] =	vst v13;
	s4 =	smov.u32 s0  }
0x17c: {  	s20 =	sadd.s32 $0xFFFFFFFA, s19;
	v11 =	vld.idx.msk [tilespmem:v12+s1+$0x0], $0xffff  }
0x17d: {  	v13 =	vmov s20;
	v12 =	vld [tilespmem:s0+$0xFFFFFF40]  }
0x17e: {  	v13 =	vshrl.u32 v13, $0x3;
	v14 =	vld [tilespmem:s0+$0xFFFFFF60]  }
0x17f: {  	v13 =	vshll.u32 v13, v1  }
0x180: {  	v13 =	vadd.s32 v13, v3  }
0x181: {  	v13 =	vbroadcast v13, $0x0  }
0x182: {  	v10 =	vmul.f32 v10, v11;
	v12 =	vmul.f32 v12, v11  }
0x183: {  	v11 =	vmul.f32 v14, v11  }
0x184: {  	[tilespmem:s0+$0xFFFFFF40] =	vst v12  }
0x185: {  	[tilespmem:s0+$0xFFFFFF60] =	vst v11  }
0x186: {  	[tilespmem:s0+$0xFFFFFF50] =	vst v10;
	v10 =	vld [tilespmem:s0+$0xFFFFFF80]  }
0x187: {  	s20 =	sadd.s32 $0xFFFFFFFB, s19;
	v11 =	vld.idx.msk [tilespmem:v13+s1+$0x0], $0xffff  }
0x188: {  	v13 =	vmov s20;
	v12 =	vld [tilespmem:s0+$0xFFFFFF70]  }
0x189: {  	v13 =	vshrl.u32 v13, $0x3;
	v14 =	vld [tilespmem:s0+$0xFFFFFF90]  }
0x18a: {  	v13 =	vshll.u32 v13, v1  }
0x18b: {  	v13 =	vadd.s32 v13, v4  }
0x18c: {  	v13 =	vbroadcast v13, $0x0  }
0x18d: {  	v10 =	vmul.f32 v10, v11;
	v12 =	vmul.f32 v12, v11  }
0x18e: {  	v11 =	vmul.f32 v14, v11  }
0x18f: {  	[tilespmem:s0+$0xFFFFFF70] =	vst v12  }
0x190: {  	[tilespmem:s0+$0xFFFFFF80] =	vst v10  }
0x191: {  	[tilespmem:s0+$0xFFFFFF90] =	vst v11;
	v10 =	vld [tilespmem:s0+$0xFFFFFFB0]  }
0x192: {  	s20 =	sadd.s32 $0xFFFFFFFC, s19;
	v11 =	vld.idx.msk [tilespmem:v13+s1+$0x0], $0xffff  }
0x193: {  	v13 =	vmov s20;
	v12 =	vld [tilespmem:s0+$0xFFFFFFA0]  }
0x194: {  	v13 =	vshrl.u32 v13, $0x3;
	v14 =	vld [tilespmem:s0+$0xFFFFFFC0]  }
0x195: {  	v13 =	vshll.u32 v13, v1  }
0x196: {  	v13 =	vadd.s32 v13, v5  }
0x197: {  	v13 =	vbroadcast v13, $0x0  }
0x198: {  	v10 =	vmul.f32 v10, v11;
	v12 =	vmul.f32 v12, v11  }
0x199: {  	v11 =	vmul.f32 v14, v11  }
0x19a: {  	[tilespmem:s0+$0xFFFFFFA0] =	vst v12  }
0x19b: {  	[tilespmem:s0+$0xFFFFFFB0] =	vst v10  }
0x19c: {  	[tilespmem:s0+$0xFFFFFFC0] =	vst v11;
	v10 =	vld [tilespmem:s0+$0xFFFFFFE0]  }
0x19d: {  	s20 =	sadd.s32 $0xFFFFFFFD, s19;
	v11 =	vld.idx.msk [tilespmem:v13+s1+$0x0], $0xffff  }
0x19e: {  	v13 =	vmov s20;
	v12 =	vld [tilespmem:s0+$0xFFFFFFD0]  }
0x19f: {  	v13 =	vshrl.u32 v13, $0x3;
	v14 =	vld [tilespmem:s0+$0xFFFFFFF0]  }
0x1a0: {  	v13 =	vshll.u32 v13, v1  }
0x1a1: {  	v13 =	vadd.s32 v13, v6  }
0x1a2: {  	v13 =	vbroadcast v13, $0x0  }
0x1a3: {  	v10 =	vmul.f32 v10, v11;
	v12 =	vmul.f32 v12, v11  }
0x1a4: {  	v11 =	vmul.f32 v14, v11  }
0x1a5: {  	[tilespmem:s0+$0xFFFFFFD0] =	vst v12  }
0x1a6: {  	[tilespmem:s0+$0xFFFFFFE0] =	vst v10  }
0x1a7: {  	[tilespmem:s0+$0xFFFFFFF0] =	vst v11;
	v10 =	vld [tilespmem:s0+$0x10]  }
0x1a8: {  	s20 =	sadd.s32 $0xFFFFFFFE, s19;
	v11 =	vld.idx.msk [tilespmem:v13+s1+$0x0], $0xffff  }
0x1a9: {  	v13 =	vmov s20;
	v12 =	vld [tilespmem:s0+$0x0]  }
0x1aa: {  	v13 =	vshrl.u32 v13, $0x3;
	v14 =	vld [tilespmem:s0+$0x20]  }
0x1ab: {  	v13 =	vshll.u32 v13, v1  }
0x1ac: {  	v13 =	vadd.s32 v13, v7  }
0x1ad: {  	v13 =	vbroadcast v13, $0x0  }
0x1ae: {  	v10 =	vmul.f32 v10, v11;
	v12 =	vmul.f32 v12, v11  }
0x1af: {  	v11 =	vmul.f32 v14, v11  }
0x1b0: {  	[tilespmem:s0+$0x0] =	vst v12  }
0x1b1: {  	[tilespmem:s0+$0x20] =	vst v11  }
0x1b2: {  	[tilespmem:s0+$0x10] =	vst v10;
	v10 =	vld [tilespmem:s0+$0x40]  }
0x1b3: {  	s20 =	sadd.s32 $0xFFFFFFFF, s19;
	v11 =	vld.idx.msk [tilespmem:v13+s1+$0x0], $0xffff  }
0x1b4: {  	v13 =	vmov s20;
	v12 =	vld [tilespmem:s0+$0x30]  }
0x1b5: {  	v13 =	vshrl.u32 v13, $0x3;
	v14 =	vld [tilespmem:s0+$0x50]  }
0x1b6: {  	v13 =	vshll.u32 v13, v1  }
0x1b7: {  	v13 =	vadd.s32 v13, v8  }
0x1b8: {  	v13 =	vbroadcast v13, $0x0  }
0x1b9: {  	v10 =	vmul.f32 v10, v11;
	v12 =	vmul.f32 v12, v11  }
0x1ba: {  	v11 =	vmul.f32 v14, v11  }
0x1bb: {  	[tilespmem:s0+$0x40] =	vst v10  }
0x1bc: {  	[tilespmem:s0+$0x50] =	vst v11  }
0x1bd: {  	[tilespmem:s0+$0x30] =	vst v12;
	v11 =	vld [tilespmem:s0+$0x60]  }
.Ltmp4:
0x1be: {  	v10 =	vld.idx.msk [tilespmem:v13+s1+$0x0], $0xffff;
	(pc) =	sbr.rel @p1 .LBB2_7-.Ltmp4, $4  }
0x1bf: {  	v14 =	vmov s19;
	v12 =	vld [tilespmem:s0+$0x70]  }
0x1c0: {  	v14 =	vshrl.u32 v14, $0x3;
	v13 =	vld [tilespmem:s0+$0x80]  }
0x1c1: {  	v14 =	vshll.u32 v14, v1  }
0x1c2: {  	v14 =	vadd.s32 v14, v9  }
0x1c3: {  	v2 =	vbroadcast v14, $0x0  }
0x1c4: {  	v3 =	vmul.f32 v11, v10  }
0x1c5: {  	v5 =	vmul.f32 v12, v10  }
0x1c6: {  	v4 =	vmul.f32 v13, v10;
	[tilespmem:s4+$0x60] =	vst v3  }
0x1c7: {  	[tilespmem:s4+$0x70] =	vst v5  }
0x1c8: {  	v3 =	vld [tilespmem:s4+$0x90];
	[tilespmem:s4+$0x80] =	vst v4  }
0x1c9: {  	v2 =	vld.idx.msk [tilespmem:v2+s1+$0x0], $0xffff  }
0x1ca: {  	v62 =	vld [tilespmem:s4+$0xA0]  }
0x1cb: {  	v63 =	vld [tilespmem:s4+$0xB0];
	_ =	sdelay $0x2  }
0x1cc: {  	v3 =	vmul.f32 v3, v2  }
0x1cd: {  	v4 =	vmul.f32 v62, v2  }
0x1ce: {  	v2 =	vmul.f32 v63, v2;
	[tilespmem:s4+$0x90] =	vst v3  }
0x1cf: {  	s0 =	sand.u32 $0x3FFFFF80, s17;
	p1 =	seq.s32 s15, $0x27;
	[tilespmem:s4+$0xA0] =	vst v4  }
.Ltmp5:
0x1d0: {  	s0 =	sadd.s32 $0x11800, s0;
	[tilespmem:s4+$0xB0] =	vst v2;
	(pc) =	sbr.rel @p1 .LBB2_10-.Ltmp5, $4  }
0x1d1: {  	[spmem:s2] =	stream.indirect.scatter.add.f32 [tilespmem:s8], [sflag:$0x4], $0x30, s0, s5, $0xb8;
	[tilespmem:$0x1A400] =	vst v63  }
0x1d2: {  	_ =	swait.ge [sflag:s7], $0x1800  }
0x1d3: {  	[sflag:s7] =	ssyncset.done $0x0  }
0x1d4: {  	[sflag:s7] =	ssyncadd.s32 $0xFFFFE800  }
0x1d5: {  	s0 =	sadd.s32 $0xF100, s16  }
0x1d6: {  	[tilespmem:s6], [sflag:$0x1] =	stream.indirect.gather [spmem:s3], $0x30, s0, s5, $0xb8;
	[tilespmem:$0x1A400] =	vst v63  }
.Ltmp6:
0x1d7: {  	_ = 	snop;
	(pc) =	sbr.rel .LBB2_4-.Ltmp6, $4  }
0x1d8: {  	_ =	swait.ge [sflag:s11], $0x1800  }
0x1d9: {  	[sflag:s11] =	ssyncset.done $0x0  }
0x1da: {  	s29 =	sadd.s32 $0xF180, s16;
	s15 =	sadd.s32 $0x1, s15;
	[sflag:s11] =	ssyncadd.s32 $0xFFFFE800  }
0x1db: {  	[tilespmem:s8], [sflag:$0x2] =	stream.indirect.gather [spmem:s3], $0x30, s29, s5, $0xb8;
	[tilespmem:$0x1A400] =	vst v63  }
.LBB2_10:
0x1dc: {  	_ =	swait.ge [sflag:s11], $0x1800  }
0x1dd: {  	[sflag:s11] =	ssyncset.done $0x0  }
0x1de: {  	[sflag:s11] =	ssyncadd.s32 $0xFFFFE800  }
0x1df: {  	s0 =	stileid.u32;
	[bflag:$0x0] =	sbarrier.arrive $0xFFFF  }
0x1e0: {  	s0 =	sshll.u32 s0, $0x6;
	s29 =	rddreg [dreg:$0xd]  }
0x1e1: {  	s15 =	sor.u32 $0x1C05, s0;
	s4 =	rddreg [dreg:$0xc];
	s16 =	sshrl.u32 s29, $0x3  }
0x1e2: {  	[hbm:s4], [sflag:s15] =	dma.local [spmem:s16], $0xF00  }
0x1e3: {  	_ =	swait.ge [sflag:s30], $0xF00  }
0x1e4: {  	[sflag:s30] =	ssyncset.done $0x0  }
0x1e5: {  	[sflag:s30] =	ssyncadd.s32 $0xFFFFF100  }
0x1e6: {  	[spmem:s18] =	stream.linear.scatter [tilespmem:s31], [sflag:$0x5], $0xC00, $0x38;
	[tilespmem:$0x1A400] =	vst v63  }
0x1e7: {  	_ =	swait.ge [sflag:s30], $0xC00  }
0x1e8: {  	[sflag:s30] =	ssyncset.done $0x0  }
0x1e9: {  	s17 =	rddreg [dreg:$0x12];
	[sflag:s30] =	ssyncadd.s32 $0xFFFFF400  }
0x1ea: {  	[spmem:s17] =	stream.linear.scatter [tilespmem:s31], [sflag:$0x5], $0xC00, $0x38;
	[tilespmem:$0x1A400] =	vst v63  }
0x1eb: {  	_ =	swait.ge [sflag:s30], $0xC00  }
0x1ec: {  	[sflag:s30] =	ssyncset.done $0x0  }
0x1ed: {  	s19 =	rddreg [dreg:$0x13];
	[sflag:s30] =	ssyncadd.s32 $0xFFFFF400  }
0x1ee: {  	[spmem:s19] =	stream.linear.scatter [tilespmem:s31], [sflag:$0x5], $0xC00, $0x38;
	[tilespmem:$0x1A400] =	vst v63  }
0x1ef: {  	_ =	swait.ge [sflag:s30], $0xC00  }
0x1f0: {  	[sflag:s30] =	ssyncset.done $0x0  }
0x1f1: {  	[sflag:s30] =	ssyncadd.s32 $0xFFFFF400  }
0x1f2: {  	[spmem:s21] =	stream.linear.scatter [tilespmem:s31], [sflag:$0x5], $0xC00, $0x38;
	[tilespmem:$0x1A400] =	vst v63  }
0x1f3: {  	_ =	swait.ge [sflag:s30], $0xC00  }
0x1f4: {  	[sflag:s30] =	ssyncset.done $0x0  }
0x1f5: {  	[sflag:s30] =	ssyncadd.s32 $0xFFFFF400  }
0x1f6: {  	[spmem:s22] =	stream.linear.scatter [tilespmem:s31], [sflag:$0x5], $0xC00, $0x38;
	[tilespmem:$0x1A400] =	vst v63  }
0x1f7: {  	_ =	swait.ge [sflag:s30], $0xC00  }
0x1f8: {  	[sflag:s30] =	ssyncset.done $0x0  }
0x1f9: {  	[sflag:s30] =	ssyncadd.s32 $0xFFFFF400  }
0x1fa: {  	[spmem:s23] =	stream.linear.scatter [tilespmem:s31], [sflag:$0x5], $0xC00, $0x38;
	[tilespmem:$0x1A400] =	vst v63  }
0x1fb: {  	_ =	swait.ge [sflag:s30], $0xC00  }
0x1fc: {  	[sflag:s30] =	ssyncset.done $0x0  }
0x1fd: {  	[sflag:s30] =	ssyncadd.s32 $0xFFFFF400  }
0x1fe: {  	[spmem:s24] =	stream.linear.scatter [tilespmem:s31], [sflag:$0x5], $0xC00, $0x38;
	[tilespmem:$0x1A400] =	vst v63  }
0x1ff: {  	_ =	swait.ge [sflag:s30], $0xC00  }
0x200: {  	[sflag:s30] =	ssyncset.done $0x0  }
0x201: {  	[sflag:s30] =	ssyncadd.s32 $0xFFFFF400  }
0x202: {  	[spmem:s25] =	stream.linear.scatter [tilespmem:s31], [sflag:$0x5], $0xC00, $0x38;
	[tilespmem:$0x1A400] =	vst v63  }
0x203: {  	_ =	swait.ge [sflag:s30], $0xC00  }
0x204: {  	[sflag:s30] =	ssyncset.done $0x0  }
0x205: {  	[sflag:s30] =	ssyncadd.s32 $0xFFFFF400  }
0x206: {  	[spmem:s26] =	stream.linear.scatter [tilespmem:s31], [sflag:$0x5], $0xC00, $0x38;
	[tilespmem:$0x1A400] =	vst v63  }
0x207: {  	_ =	swait.ge [sflag:s30], $0xC00  }
0x208: {  	[sflag:s30] =	ssyncset.done $0x0  }
0x209: {  	[sflag:s30] =	ssyncadd.s32 $0xFFFFF400  }
0x20a: {  	[spmem:s28] =	stream.linear.scatter [tilespmem:s31], [sflag:$0x5], $0xC00, $0x38;
	[tilespmem:$0x1A400] =	vst v63  }
0x20b: {  	_ =	swait.ge [sflag:s30], $0xC00  }
0x20c: {  	[sflag:s30] =	ssyncset.done $0x0  }
0x20d: {  	s0 =	rddreg [dreg:$0xf];
	[sflag:s30] =	ssyncadd.s32 $0xFFFFF400  }
0x20e: {  	[spmem:s13], [sflag:s15] =	dma.local @p0 [hbm:s0], $0x960  }
0x20f: {  	s0 =	simm.s32 @p0 $0x5  }
0x210: {  	_ =	swait.ge @p0 [sflag:s0], $0x960  }
0x211: {  	[sflag:s0] =	ssyncset.done @p0 $0x0  }
0x212: {  	[sflag:s0] =	ssyncadd.s32 @p0 $0xFFFFF6A0;
	s0 =	rddreg [dreg:$0xe]  }
0x213: {  	[spmem:s14], [sflag:s15] =	dma.local @!p0 [hbm:s0], $0xF00  }
0x214: {  	s0 =	simm.s32 @!p0 $0x5  }
0x215: {  	_ =	swait.ge @!p0 [sflag:s0], $0xF00  }
0x216: {  	[sflag:s0] =	ssyncset.done @!p0 $0x0  }
0x217: {  	[sflag:s0] =	ssyncadd.s32 @!p0 $0xFFFFF100  }
0x218: {  	s20 =	simm.s32 $0xF000;
	[bflag:$0x0] =	sbarrier.arrive $0xFFFF  }
0x219: {  	[tilespmem:s6], [sflag:$0x1] =	stream.indirect.gather [spmem:s3], $0x30, s20, s5, $0xb8;
	[tilespmem:$0x1A400] =	vst v63  }
0x21a: {  	s29 =	simm.s32 $0xF080;
	s13 =	simm.s32 $0x0  }
0x21b: {  	[tilespmem:s8], [sflag:$0x2] =	stream.indirect.gather [spmem:s3], $0x30, s29, s5, $0xb8;
	[tilespmem:$0x1A400] =	vst v63  }
.LBB2_11:
0x21c: {  	s0 =	simm.s32 $0x0  }
0x21d: {  	v2 =	vmov s0  }
0x21e: {  	s19 =	sshll.u32 s13, $0x8;
	v3 =	vshrl.u32 v2, $0x3  }
0x21f: {  	v2 =	vmov s19;
	v3 =	vshll.u32 v3, v1  }
0x220: {  	v3 =	vadd.s32 v2, v3  }
0x221: {  	v3 =	vbroadcast v3, $0x0;
	_ =	sdelay $0x1  }
0x222: {  	_ =	swait.ge [sflag:s9], $0x1800  }
0x223: {  	[sflag:s9] =	ssyncset.done $0x0  }
0x224: {  	s14 =	simm.s32 $0x168C0;
	[sflag:s9] =	ssyncadd.s32 $0xFFFFE800  }
0x225: {  	s20 =	simm.s32 $0x1;
	v5 =	vld [tilespmem:s14+$0xFFFFFF40]  }
0x226: {  	v4 =	vld.idx.msk [tilespmem:v3+s1+$0x0], $0xffff;
	v3 =	vmov s20  }
0x227: {  	v6 =	vld [tilespmem:s14+$0xFFFFFF60];
	v7 =	vshrl.u32 v3, $0x3  }
0x228: {  	v8 =	vld [tilespmem:s14+$0xFFFFFF50];
	v3 =	vor.u32 $0x1, v2;
	v7 =	vshll.u32 v7, v1  }
0x229: {  	v7 =	vadd.s32 v7, v3  }
0x22a: {  	v7 =	vbroadcast v7, $0x0  }
0x22b: {  	v5 =	vmul.f32 v5, v4  }
0x22c: {  	v6 =	vmul.f32 v6, v4  }
0x22d: {  	v4 =	vmul.f32 v8, v4;
	[tilespmem:s14+$0xFFFFFF40] =	vst v5  }
0x22e: {  	[tilespmem:s14+$0xFFFFFF60] =	vst v6  }
0x22f: {  	s29 =	simm.s32 $0x2;
	[tilespmem:s14+$0xFFFFFF50] =	vst v4;
	v6 =	vld [tilespmem:s14+$0xFFFFFF70]  }
0x230: {  	v4 =	vmov s29;
	v5 =	vld.idx.msk [tilespmem:v7+s1+$0x0], $0xffff  }
0x231: {  	v8 =	vshrl.u32 v4, $0x3;
	v7 =	vld [tilespmem:s14+$0xFFFFFF80]  }
0x232: {  	v9 =	vld [tilespmem:s14+$0xFFFFFF90];
	v4 =	vor.u32 $0x2, v2;
	v8 =	vshll.u32 v8, v1  }
0x233: {  	v8 =	vadd.s32 v8, v4  }
0x234: {  	v8 =	vbroadcast v8, $0x0  }
0x235: {  	v6 =	vmul.f32 v6, v5  }
0x236: {  	v7 =	vmul.f32 v7, v5  }
0x237: {  	v5 =	vmul.f32 v9, v5;
	[tilespmem:s14+$0xFFFFFF70] =	vst v6  }
0x238: {  	[tilespmem:s14+$0xFFFFFF80] =	vst v7  }
0x239: {  	s4 =	simm.s32 $0x3;
	[tilespmem:s14+$0xFFFFFF90] =	vst v5;
	v7 =	vld [tilespmem:s14+$0xFFFFFFA0]  }
0x23a: {  	v5 =	vmov s4;
	v6 =	vld.idx.msk [tilespmem:v8+s1+$0x0], $0xffff  }
0x23b: {  	v8 =	vld [tilespmem:s14+$0xFFFFFFB0];
	v9 =	vshrl.u32 v5, $0x3  }
0x23c: {  	v10 =	vld [tilespmem:s14+$0xFFFFFFC0];
	v5 =	vor.u32 $0x3, v2;
	v9 =	vshll.u32 v9, v1  }
0x23d: {  	v9 =	vadd.s32 v9, v5  }
0x23e: {  	v9 =	vbroadcast v9, $0x0  }
0x23f: {  	v7 =	vmul.f32 v7, v6  }
0x240: {  	v8 =	vmul.f32 v8, v6  }
0x241: {  	v6 =	vmul.f32 v10, v6;
	[tilespmem:s14+$0xFFFFFFA0] =	vst v7  }
0x242: {  	[tilespmem:s14+$0xFFFFFFB0] =	vst v8  }
0x243: {  	s17 =	simm.s32 $0x4;
	[tilespmem:s14+$0xFFFFFFC0] =	vst v6;
	v8 =	vld [tilespmem:s14+$0xFFFFFFD0]  }
0x244: {  	v6 =	vmov s17;
	v7 =	vld.idx.msk [tilespmem:v9+s1+$0x0], $0xffff  }
0x245: {  	v10 =	vshrl.u32 v6, $0x3;
	v9 =	vld [tilespmem:s14+$0xFFFFFFE0]  }
0x246: {  	v11 =	vld [tilespmem:s14+$0xFFFFFFF0];
	v6 =	vor.u32 $0x4, v2;
	v10 =	vshll.u32 v10, v1  }
0x247: {  	v10 =	vadd.s32 v10, v6  }
0x248: {  	v10 =	vbroadcast v10, $0x0  }
0x249: {  	v8 =	vmul.f32 v8, v7  }
0x24a: {  	v9 =	vmul.f32 v9, v7  }
0x24b: {  	v7 =	vmul.f32 v11, v7;
	[tilespmem:s14+$0xFFFFFFD0] =	vst v8  }
0x24c: {  	[tilespmem:s14+$0xFFFFFFE0] =	vst v9  }
0x24d: {  	s19 =	simm.s32 $0x5;
	[tilespmem:s14+$0xFFFFFFF0] =	vst v7;
	v9 =	vld [tilespmem:s14+$0x0]  }
0x24e: {  	v7 =	vmov s19;
	v8 =	vld.idx.msk [tilespmem:v10+s1+$0x0], $0xffff  }
0x24f: {  	v10 =	vld [tilespmem:s14+$0x20];
	v12 =	vshrl.u32 v7, $0x3  }
0x250: {  	v11 =	vld [tilespmem:s14+$0x10];
	v7 =	vor.u32 $0x5, v2;
	v12 =	vshll.u32 v12, v1  }
0x251: {  	v12 =	vadd.s32 v12, v7  }
0x252: {  	v12 =	vbroadcast v12, $0x0  }
0x253: {  	v9 =	vmul.f32 v9, v8  }
0x254: {  	v10 =	vmul.f32 v10, v8  }
0x255: {  	v8 =	vmul.f32 v11, v8;
	[tilespmem:s14+$0x0] =	vst v9  }
0x256: {  	[tilespmem:s14+$0x20] =	vst v10  }
0x257: {  	s20 =	simm.s32 $0x6;
	[tilespmem:s14+$0x10] =	vst v8;
	v9 =	vld [tilespmem:s14+$0x40]  }
0x258: {  	v8 =	vmov s20;
	v10 =	vld.idx.msk [tilespmem:v12+s1+$0x0], $0xffff  }
0x259: {  	v11 =	vld [tilespmem:s14+$0x50];
	v13 =	vshrl.u32 v8, $0x3  }
0x25a: {  	v8 =	vor.u32 $0x6, v2;
	v12 =	vld [tilespmem:s14+$0x30];
	v13 =	vshll.u32 v13, v1  }
0x25b: {  	v13 =	vadd.s32 v13, v8  }
0x25c: {  	v13 =	vbroadcast v13, $0x0  }
0x25d: {  	v9 =	vmul.f32 v9, v10  }
0x25e: {  	v11 =	vmul.f32 v11, v10  }
0x25f: {  	v10 =	vmul.f32 v12, v10;
	[tilespmem:s14+$0x40] =	vst v9  }
0x260: {  	s29 =	simm.s32 $0x7;
	v12 =	vld [tilespmem:s14+$0x70];
	[tilespmem:s14+$0x50] =	vst v11  }
0x261: {  	[tilespmem:s14+$0x30] =	vst v10;
	v11 =	vld [tilespmem:s14+$0x60];
	v9 =	vmov s29  }
0x262: {  	v10 =	vld.idx.msk [tilespmem:v13+s1+$0x0], $0xffff;
	v13 =	vshrl.u32 v9, $0x3  }
0x263: {  	v9 =	vor.u32 $0x7, v2;
	v14 =	vshll.u32 v13, v1;
	v13 =	vld [tilespmem:s14+$0x80]  }
0x264: {  	s0 =	simm.s32 $0x168C0;
	s4 =	sshll.u32 s13, $0x1;
	s17 =	simm.s32 $0xF;
	v14 =	vadd.s32 v14, v9  }
.LBB2_12:
0x265: {  	p1 =	sne.s32 s17, $0x7F  }
0x266: {  	v14 =	vbroadcast v14, $0x0;
	s14 =	sadd.s32 $0x180, s14;
	s19 =	smov.u32 s17;
	s17 =	sadd.s32 $0x8, s17  }
0x267: {  	v11 =	vmul.f32 v11, v10;
	v12 =	vmul.f32 v12, v10  }
0x268: {  	v10 =	vmul.f32 v13, v10  }
0x269: {  	[tilespmem:s0+$0x60] =	vst v11  }
0x26a: {  	[tilespmem:s0+$0x80] =	vst v10  }
0x26b: {  	[tilespmem:s0+$0x70] =	vst v12;
	v10 =	vld [tilespmem:s0+$0x90]  }
0x26c: {  	s20 =	sadd.s32 $0xFFFFFFF9, s19;
	v11 =	vld.idx.msk [tilespmem:v14+s1+$0x0], $0xffff  }
0x26d: {  	v12 =	vmov s20;
	v13 =	vld [tilespmem:s0+$0xB0]  }
0x26e: {  	v12 =	vshrl.u32 v12, $0x3;
	v14 =	vld [tilespmem:s0+$0xA0]  }
0x26f: {  	v12 =	vshll.u32 v12, v1  }
0x270: {  	v12 =	vadd.s32 v2, v12  }
0x271: {  	v12 =	vbroadcast v12, $0x0  }
0x272: {  	v10 =	vmul.f32 v10, v11;
	v13 =	vmul.f32 v13, v11  }
0x273: {  	v11 =	vmul.f32 v14, v11  }
0x274: {  	[tilespmem:s0+$0x90] =	vst v10  }
0x275: {  	[tilespmem:s0+$0xA0] =	vst v11  }
0x276: {  	v10 =	vld [tilespmem:s14+$0xFFFFFF50];
	[tilespmem:s0+$0xB0] =	vst v13;
	s0 =	smov.u32 s14  }
0x277: {  	s20 =	sadd.s32 $0xFFFFFFFA, s19;
	v11 =	vld.idx.msk [tilespmem:v12+s1+$0x0], $0xffff  }
0x278: {  	v13 =	vmov s20;
	v12 =	vld [tilespmem:s14+$0xFFFFFF40]  }
0x279: {  	v13 =	vshrl.u32 v13, $0x3;
	v14 =	vld [tilespmem:s14+$0xFFFFFF60]  }
0x27a: {  	v13 =	vshll.u32 v13, v1  }
0x27b: {  	v13 =	vadd.s32 v13, v3  }
0x27c: {  	v13 =	vbroadcast v13, $0x0  }
0x27d: {  	v10 =	vmul.f32 v10, v11;
	v12 =	vmul.f32 v12, v11  }
0x27e: {  	v11 =	vmul.f32 v14, v11  }
0x27f: {  	[tilespmem:s14+$0xFFFFFF40] =	vst v12  }
0x280: {  	[tilespmem:s14+$0xFFFFFF60] =	vst v11  }
0x281: {  	[tilespmem:s14+$0xFFFFFF50] =	vst v10;
	v10 =	vld [tilespmem:s14+$0xFFFFFF80]  }
0x282: {  	s20 =	sadd.s32 $0xFFFFFFFB, s19;
	v11 =	vld.idx.msk [tilespmem:v13+s1+$0x0], $0xffff  }
0x283: {  	v13 =	vmov s20;
	v12 =	vld [tilespmem:s14+$0xFFFFFF70]  }
0x284: {  	v13 =	vshrl.u32 v13, $0x3;
	v14 =	vld [tilespmem:s14+$0xFFFFFF90]  }
0x285: {  	v13 =	vshll.u32 v13, v1  }
0x286: {  	v13 =	vadd.s32 v13, v4  }
0x287: {  	v13 =	vbroadcast v13, $0x0  }
0x288: {  	v10 =	vmul.f32 v10, v11;
	v12 =	vmul.f32 v12, v11  }
0x289: {  	v11 =	vmul.f32 v14, v11  }
0x28a: {  	[tilespmem:s14+$0xFFFFFF70] =	vst v12  }
0x28b: {  	[tilespmem:s14+$0xFFFFFF80] =	vst v10  }
0x28c: {  	[tilespmem:s14+$0xFFFFFF90] =	vst v11;
	v10 =	vld [tilespmem:s14+$0xFFFFFFB0]  }
0x28d: {  	s20 =	sadd.s32 $0xFFFFFFFC, s19;
	v11 =	vld.idx.msk [tilespmem:v13+s1+$0x0], $0xffff  }
0x28e: {  	v13 =	vmov s20;
	v12 =	vld [tilespmem:s14+$0xFFFFFFA0]  }
0x28f: {  	v13 =	vshrl.u32 v13, $0x3;
	v14 =	vld [tilespmem:s14+$0xFFFFFFC0]  }
0x290: {  	v13 =	vshll.u32 v13, v1  }
0x291: {  	v13 =	vadd.s32 v13, v5  }
0x292: {  	v13 =	vbroadcast v13, $0x0  }
0x293: {  	v10 =	vmul.f32 v10, v11;
	v12 =	vmul.f32 v12, v11  }
0x294: {  	v11 =	vmul.f32 v14, v11  }
0x295: {  	[tilespmem:s14+$0xFFFFFFA0] =	vst v12  }
0x296: {  	[tilespmem:s14+$0xFFFFFFB0] =	vst v10  }
0x297: {  	[tilespmem:s14+$0xFFFFFFC0] =	vst v11;
	v10 =	vld [tilespmem:s14+$0xFFFFFFE0]  }
0x298: {  	s20 =	sadd.s32 $0xFFFFFFFD, s19;
	v11 =	vld.idx.msk [tilespmem:v13+s1+$0x0], $0xffff  }
0x299: {  	v13 =	vmov s20;
	v12 =	vld [tilespmem:s14+$0xFFFFFFD0]  }
0x29a: {  	v13 =	vshrl.u32 v13, $0x3;
	v14 =	vld [tilespmem:s14+$0xFFFFFFF0]  }
0x29b: {  	v13 =	vshll.u32 v13, v1  }
0x29c: {  	v13 =	vadd.s32 v13, v6  }
0x29d: {  	v13 =	vbroadcast v13, $0x0  }
0x29e: {  	v10 =	vmul.f32 v10, v11;
	v12 =	vmul.f32 v12, v11  }
0x29f: {  	v11 =	vmul.f32 v14, v11  }
0x2a0: {  	[tilespmem:s14+$0xFFFFFFD0] =	vst v12  }
0x2a1: {  	[tilespmem:s14+$0xFFFFFFE0] =	vst v10  }
0x2a2: {  	[tilespmem:s14+$0xFFFFFFF0] =	vst v11;
	v10 =	vld [tilespmem:s14+$0x10]  }
0x2a3: {  	s20 =	sadd.s32 $0xFFFFFFFE, s19;
	v11 =	vld.idx.msk [tilespmem:v13+s1+$0x0], $0xffff  }
0x2a4: {  	v13 =	vmov s20;
	v12 =	vld [tilespmem:s14+$0x0]  }
0x2a5: {  	v13 =	vshrl.u32 v13, $0x3;
	v14 =	vld [tilespmem:s14+$0x20]  }
0x2a6: {  	v13 =	vshll.u32 v13, v1  }
0x2a7: {  	v13 =	vadd.s32 v13, v7  }
0x2a8: {  	v13 =	vbroadcast v13, $0x0  }
0x2a9: {  	v10 =	vmul.f32 v10, v11;
	v12 =	vmul.f32 v12, v11  }
0x2aa: {  	v11 =	vmul.f32 v14, v11  }
0x2ab: {  	[tilespmem:s14+$0x0] =	vst v12  }
0x2ac: {  	[tilespmem:s14+$0x20] =	vst v11  }
0x2ad: {  	[tilespmem:s14+$0x10] =	vst v10;
	v10 =	vld [tilespmem:s14+$0x40]  }
0x2ae: {  	s20 =	sadd.s32 $0xFFFFFFFF, s19;
	v11 =	vld.idx.msk [tilespmem:v13+s1+$0x0], $0xffff  }
0x2af: {  	v13 =	vmov s20;
	v12 =	vld [tilespmem:s14+$0x30]  }
0x2b0: {  	v13 =	vshrl.u32 v13, $0x3;
	v14 =	vld [tilespmem:s14+$0x50]  }
0x2b1: {  	v13 =	vshll.u32 v13, v1  }
0x2b2: {  	v13 =	vadd.s32 v13, v8  }
0x2b3: {  	v13 =	vbroadcast v13, $0x0  }
0x2b4: {  	v10 =	vmul.f32 v10, v11;
	v12 =	vmul.f32 v12, v11  }
0x2b5: {  	v11 =	vmul.f32 v14, v11  }
0x2b6: {  	[tilespmem:s14+$0x40] =	vst v10  }
0x2b7: {  	[tilespmem:s14+$0x50] =	vst v11  }
0x2b8: {  	[tilespmem:s14+$0x30] =	vst v12;
	v11 =	vld [tilespmem:s14+$0x60]  }
.Ltmp7:
0x2b9: {  	v10 =	vld.idx.msk [tilespmem:v13+s1+$0x0], $0xffff;
	(pc) =	sbr.rel @p1 .LBB2_12-.Ltmp7, $4  }
0x2ba: {  	v14 =	vmov s19;
	v12 =	vld [tilespmem:s14+$0x70]  }
0x2bb: {  	v14 =	vshrl.u32 v14, $0x3;
	v13 =	vld [tilespmem:s14+$0x80]  }
0x2bc: {  	v14 =	vshll.u32 v14, v1  }
0x2bd: {  	v14 =	vadd.s32 v14, v9  }
0x2be: {  	v2 =	vbroadcast v14, $0x0  }
0x2bf: {  	v3 =	vmul.f32 v11, v10  }
0x2c0: {  	v5 =	vmul.f32 v12, v10  }
0x2c1: {  	v4 =	vmul.f32 v13, v10;
	[tilespmem:s0+$0x60] =	vst v3  }
0x2c2: {  	[tilespmem:s0+$0x70] =	vst v5  }
0x2c3: {  	v3 =	vld [tilespmem:s0+$0x90];
	[tilespmem:s0+$0x80] =	vst v4  }
0x2c4: {  	v4 =	vld.idx.msk [tilespmem:v2+s1+$0x0], $0xffff  }
0x2c5: {  	v2 =	vld [tilespmem:s0+$0xA0]  }
0x2c6: {  	v5 =	vld [tilespmem:s0+$0xB0];
	_ =	sdelay $0x2  }
0x2c7: {  	s14 =	simm.s32 $0x0;
	v3 =	vmul.f32 v3, v4  }
0x2c8: {  	s4 =	sor.u32 $0x1, s4;
	v6 =	vmov s14;
	v7 =	vmul.f32 v2, v4  }
0x2c9: {  	s17 =	sshll.u32 s4, $0x7;
	v6 =	vshrl.u32 v6, $0x3;
	v4 =	vmul.f32 v5, v4;
	[tilespmem:s0+$0x90] =	vst v3  }
0x2ca: {  	v6 =	vshll.u32 v6, v1;
	v2 =	vmov s17;
	[tilespmem:s0+$0xA0] =	vst v7  }
0x2cb: {  	v3 =	vadd.s32 v2, v6;
	[tilespmem:s0+$0xB0] =	vst v4  }
0x2cc: {  	s19 =	sshll.u32 s13, $0xA;
	v3 =	vbroadcast v3, $0x0;
	_ =	swait.ge [sflag:s10], $0x1800  }
0x2cd: {  	s14 =	sshrl.u32 s19, $0x2;
	[sflag:s10] =	ssyncset.done $0x0  }
0x2ce: {  	s0 =	sadd.s32 $0x11800, s14;
	[sflag:s10] =	ssyncadd.s32 $0xFFFFE800  }
0x2cf: {  	[spmem:s2] =	stream.indirect.scatter.add.f32 [tilespmem:s6], [sflag:$0x3], $0x30, s0, s5, $0xb8;
	[tilespmem:$0x1A400] =	vst v63  }
0x2d0: {  	s0 =	simm.s32 $0x180C0  }
0x2d1: {  	s20 =	simm.s32 $0x1;
	v5 =	vld [tilespmem:s0+$0xFFFFFF40]  }
0x2d2: {  	v4 =	vld.idx.msk [tilespmem:v3+s1+$0x0], $0xffff;
	v3 =	vmov s20  }
0x2d3: {  	v6 =	vld [tilespmem:s0+$0xFFFFFF60];
	v7 =	vshrl.u32 v3, $0x3  }
0x2d4: {  	v8 =	vld [tilespmem:s0+$0xFFFFFF50];
	v3 =	vor.u32 $0x1, v2;
	v7 =	vshll.u32 v7, v1  }
0x2d5: {  	v7 =	vadd.s32 v7, v3  }
0x2d6: {  	v7 =	vbroadcast v7, $0x0  }
0x2d7: {  	v5 =	vmul.f32 v5, v4  }
0x2d8: {  	v6 =	vmul.f32 v6, v4  }
0x2d9: {  	v4 =	vmul.f32 v8, v4;
	[tilespmem:s0+$0xFFFFFF40] =	vst v5  }
0x2da: {  	[tilespmem:s0+$0xFFFFFF60] =	vst v6  }
0x2db: {  	s19 =	simm.s32 $0x2;
	[tilespmem:s0+$0xFFFFFF50] =	vst v4;
	v6 =	vld [tilespmem:s0+$0xFFFFFF70]  }
0x2dc: {  	v4 =	vmov s19;
	v5 =	vld.idx.msk [tilespmem:v7+s1+$0x0], $0xffff  }
0x2dd: {  	v8 =	vshrl.u32 v4, $0x3;
	v7 =	vld [tilespmem:s0+$0xFFFFFF80]  }
0x2de: {  	v9 =	vld [tilespmem:s0+$0xFFFFFF90];
	v4 =	vor.u32 $0x2, v2;
	v8 =	vshll.u32 v8, v1  }
0x2df: {  	v8 =	vadd.s32 v8, v4  }
0x2e0: {  	v8 =	vbroadcast v8, $0x0  }
0x2e1: {  	v6 =	vmul.f32 v6, v5  }
0x2e2: {  	v7 =	vmul.f32 v7, v5  }
0x2e3: {  	v5 =	vmul.f32 v9, v5;
	[tilespmem:s0+$0xFFFFFF70] =	vst v6  }
0x2e4: {  	[tilespmem:s0+$0xFFFFFF80] =	vst v7  }
0x2e5: {  	s20 =	simm.s32 $0x3;
	[tilespmem:s0+$0xFFFFFF90] =	vst v5;
	v7 =	vld [tilespmem:s0+$0xFFFFFFA0]  }
0x2e6: {  	v5 =	vmov s20;
	v6 =	vld.idx.msk [tilespmem:v8+s1+$0x0], $0xffff  }
0x2e7: {  	v8 =	vld [tilespmem:s0+$0xFFFFFFB0];
	v9 =	vshrl.u32 v5, $0x3  }
0x2e8: {  	v10 =	vld [tilespmem:s0+$0xFFFFFFC0];
	v5 =	vor.u32 $0x3, v2;
	v9 =	vshll.u32 v9, v1  }
0x2e9: {  	v9 =	vadd.s32 v9, v5  }
0x2ea: {  	v9 =	vbroadcast v9, $0x0  }
0x2eb: {  	v7 =	vmul.f32 v7, v6  }
0x2ec: {  	v8 =	vmul.f32 v8, v6  }
0x2ed: {  	v6 =	vmul.f32 v10, v6;
	[tilespmem:s0+$0xFFFFFFA0] =	vst v7  }
0x2ee: {  	[tilespmem:s0+$0xFFFFFFB0] =	vst v8  }
0x2ef: {  	s19 =	simm.s32 $0x4;
	[tilespmem:s0+$0xFFFFFFC0] =	vst v6;
	v8 =	vld [tilespmem:s0+$0xFFFFFFD0]  }
0x2f0: {  	v6 =	vmov s19;
	v7 =	vld.idx.msk [tilespmem:v9+s1+$0x0], $0xffff  }
0x2f1: {  	v10 =	vshrl.u32 v6, $0x3;
	v9 =	vld [tilespmem:s0+$0xFFFFFFE0]  }
0x2f2: {  	v11 =	vld [tilespmem:s0+$0xFFFFFFF0];
	v6 =	vor.u32 $0x4, v2;
	v10 =	vshll.u32 v10, v1  }
0x2f3: {  	v10 =	vadd.s32 v10, v6  }
0x2f4: {  	v10 =	vbroadcast v10, $0x0  }
0x2f5: {  	v8 =	vmul.f32 v8, v7  }
0x2f6: {  	v9 =	vmul.f32 v9, v7  }
0x2f7: {  	v7 =	vmul.f32 v11, v7;
	[tilespmem:s0+$0xFFFFFFD0] =	vst v8  }
0x2f8: {  	[tilespmem:s0+$0xFFFFFFE0] =	vst v9  }
0x2f9: {  	s20 =	simm.s32 $0x5;
	[tilespmem:s0+$0xFFFFFFF0] =	vst v7;
	v9 =	vld [tilespmem:s0+$0x0]  }
0x2fa: {  	v7 =	vmov s20;
	v8 =	vld.idx.msk [tilespmem:v10+s1+$0x0], $0xffff  }
0x2fb: {  	v10 =	vld [tilespmem:s0+$0x20];
	v12 =	vshrl.u32 v7, $0x3  }
0x2fc: {  	v11 =	vld [tilespmem:s0+$0x10];
	v7 =	vor.u32 $0x5, v2;
	v12 =	vshll.u32 v12, v1  }
0x2fd: {  	v12 =	vadd.s32 v12, v7  }
0x2fe: {  	v12 =	vbroadcast v12, $0x0  }
0x2ff: {  	v9 =	vmul.f32 v9, v8  }
0x300: {  	v10 =	vmul.f32 v10, v8  }
0x301: {  	v8 =	vmul.f32 v11, v8;
	[tilespmem:s0+$0x0] =	vst v9  }
0x302: {  	[tilespmem:s0+$0x20] =	vst v10  }
0x303: {  	s19 =	simm.s32 $0x6;
	[tilespmem:s0+$0x10] =	vst v8;
	v9 =	vld [tilespmem:s0+$0x40]  }
0x304: {  	v8 =	vmov s19;
	v10 =	vld.idx.msk [tilespmem:v12+s1+$0x0], $0xffff  }
0x305: {  	v11 =	vld [tilespmem:s0+$0x50];
	v13 =	vshrl.u32 v8, $0x3  }
0x306: {  	v8 =	vor.u32 $0x6, v2;
	v12 =	vld [tilespmem:s0+$0x30];
	v13 =	vshll.u32 v13, v1  }
0x307: {  	v13 =	vadd.s32 v13, v8  }
0x308: {  	v13 =	vbroadcast v13, $0x0  }
0x309: {  	v9 =	vmul.f32 v9, v10  }
0x30a: {  	v11 =	vmul.f32 v11, v10  }
0x30b: {  	v10 =	vmul.f32 v12, v10;
	[tilespmem:s0+$0x40] =	vst v9  }
0x30c: {  	s20 =	simm.s32 $0x7;
	v12 =	vld [tilespmem:s0+$0x70];
	[tilespmem:s0+$0x50] =	vst v11  }
0x30d: {  	[tilespmem:s0+$0x30] =	vst v10;
	v11 =	vld [tilespmem:s0+$0x60];
	v9 =	vmov s20  }
0x30e: {  	v10 =	vld.idx.msk [tilespmem:v13+s1+$0x0], $0xffff;
	v13 =	vshrl.u32 v9, $0x3  }
0x30f: {  	v9 =	vor.u32 $0x7, v2;
	v14 =	vshll.u32 v13, v1;
	v13 =	vld [tilespmem:s0+$0x80]  }
0x310: {  	s29 =	simm.s32 $0xF;
	s4 =	simm.s32 $0x180C0;
	v14 =	vadd.s32 v14, v9  }
.LBB2_14:
0x311: {  	p1 =	sne.s32 s29, $0x7F  }
0x312: {  	v14 =	vbroadcast v14, $0x0;
	s0 =	sadd.s32 $0x180, s0;
	s19 =	smov.u32 s29;
	s29 =	sadd.s32 $0x8, s29  }
0x313: {  	v11 =	vmul.f32 v11, v10;
	v12 =	vmul.f32 v12, v10  }
0x314: {  	v10 =	vmul.f32 v13, v10  }
0x315: {  	[tilespmem:s4+$0x60] =	vst v11  }
0x316: {  	[tilespmem:s4+$0x80] =	vst v10  }
0x317: {  	[tilespmem:s4+$0x70] =	vst v12;
	v10 =	vld [tilespmem:s4+$0x90]  }
0x318: {  	s20 =	sadd.s32 $0xFFFFFFF9, s19;
	v11 =	vld.idx.msk [tilespmem:v14+s1+$0x0], $0xffff  }
0x319: {  	v12 =	vmov s20;
	v13 =	vld [tilespmem:s4+$0xB0]  }
0x31a: {  	v12 =	vshrl.u32 v12, $0x3;
	v14 =	vld [tilespmem:s4+$0xA0]  }
0x31b: {  	v12 =	vshll.u32 v12, v1  }
0x31c: {  	v12 =	vadd.s32 v2, v12  }
0x31d: {  	v12 =	vbroadcast v12, $0x0  }
0x31e: {  	v10 =	vmul.f32 v10, v11;
	v13 =	vmul.f32 v13, v11  }
0x31f: {  	v11 =	vmul.f32 v14, v11  }
0x320: {  	[tilespmem:s4+$0x90] =	vst v10  }
0x321: {  	[tilespmem:s4+$0xA0] =	vst v11  }
0x322: {  	v10 =	vld [tilespmem:s0+$0xFFFFFF50];
	[tilespmem:s4+$0xB0] =	vst v13;
	s4 =	smov.u32 s0  }
0x323: {  	s20 =	sadd.s32 $0xFFFFFFFA, s19;
	v11 =	vld.idx.msk [tilespmem:v12+s1+$0x0], $0xffff  }
0x324: {  	v13 =	vmov s20;
	v12 =	vld [tilespmem:s0+$0xFFFFFF40]  }
0x325: {  	v13 =	vshrl.u32 v13, $0x3;
	v14 =	vld [tilespmem:s0+$0xFFFFFF60]  }
0x326: {  	v13 =	vshll.u32 v13, v1  }
0x327: {  	v13 =	vadd.s32 v13, v3  }
0x328: {  	v13 =	vbroadcast v13, $0x0  }
0x329: {  	v10 =	vmul.f32 v10, v11;
	v12 =	vmul.f32 v12, v11  }
0x32a: {  	v11 =	vmul.f32 v14, v11  }
0x32b: {  	[tilespmem:s0+$0xFFFFFF40] =	vst v12  }
0x32c: {  	[tilespmem:s0+$0xFFFFFF60] =	vst v11  }
0x32d: {  	[tilespmem:s0+$0xFFFFFF50] =	vst v10;
	v10 =	vld [tilespmem:s0+$0xFFFFFF80]  }
0x32e: {  	s20 =	sadd.s32 $0xFFFFFFFB, s19;
	v11 =	vld.idx.msk [tilespmem:v13+s1+$0x0], $0xffff  }
0x32f: {  	v13 =	vmov s20;
	v12 =	vld [tilespmem:s0+$0xFFFFFF70]  }
0x330: {  	v13 =	vshrl.u32 v13, $0x3;
	v14 =	vld [tilespmem:s0+$0xFFFFFF90]  }
0x331: {  	v13 =	vshll.u32 v13, v1  }
0x332: {  	v13 =	vadd.s32 v13, v4  }
0x333: {  	v13 =	vbroadcast v13, $0x0  }
0x334: {  	v10 =	vmul.f32 v10, v11;
	v12 =	vmul.f32 v12, v11  }
0x335: {  	v11 =	vmul.f32 v14, v11  }
0x336: {  	[tilespmem:s0+$0xFFFFFF70] =	vst v12  }
0x337: {  	[tilespmem:s0+$0xFFFFFF80] =	vst v10  }
0x338: {  	[tilespmem:s0+$0xFFFFFF90] =	vst v11;
	v10 =	vld [tilespmem:s0+$0xFFFFFFB0]  }
0x339: {  	s20 =	sadd.s32 $0xFFFFFFFC, s19;
	v11 =	vld.idx.msk [tilespmem:v13+s1+$0x0], $0xffff  }
0x33a: {  	v13 =	vmov s20;
	v12 =	vld [tilespmem:s0+$0xFFFFFFA0]  }
0x33b: {  	v13 =	vshrl.u32 v13, $0x3;
	v14 =	vld [tilespmem:s0+$0xFFFFFFC0]  }
0x33c: {  	v13 =	vshll.u32 v13, v1  }
0x33d: {  	v13 =	vadd.s32 v13, v5  }
0x33e: {  	v13 =	vbroadcast v13, $0x0  }
0x33f: {  	v10 =	vmul.f32 v10, v11;
	v12 =	vmul.f32 v12, v11  }
0x340: {  	v11 =	vmul.f32 v14, v11  }
0x341: {  	[tilespmem:s0+$0xFFFFFFA0] =	vst v12  }
0x342: {  	[tilespmem:s0+$0xFFFFFFB0] =	vst v10  }
0x343: {  	[tilespmem:s0+$0xFFFFFFC0] =	vst v11;
	v10 =	vld [tilespmem:s0+$0xFFFFFFE0]  }
0x344: {  	s20 =	sadd.s32 $0xFFFFFFFD, s19;
	v11 =	vld.idx.msk [tilespmem:v13+s1+$0x0], $0xffff  }
0x345: {  	v13 =	vmov s20;
	v12 =	vld [tilespmem:s0+$0xFFFFFFD0]  }
0x346: {  	v13 =	vshrl.u32 v13, $0x3;
	v14 =	vld [tilespmem:s0+$0xFFFFFFF0]  }
0x347: {  	v13 =	vshll.u32 v13, v1  }
0x348: {  	v13 =	vadd.s32 v13, v6  }
0x349: {  	v13 =	vbroadcast v13, $0x0  }
0x34a: {  	v10 =	vmul.f32 v10, v11;
	v12 =	vmul.f32 v12, v11  }
0x34b: {  	v11 =	vmul.f32 v14, v11  }
0x34c: {  	[tilespmem:s0+$0xFFFFFFD0] =	vst v12  }
0x34d: {  	[tilespmem:s0+$0xFFFFFFE0] =	vst v10  }
0x34e: {  	[tilespmem:s0+$0xFFFFFFF0] =	vst v11;
	v10 =	vld [tilespmem:s0+$0x10]  }
0x34f: {  	s20 =	sadd.s32 $0xFFFFFFFE, s19;
	v11 =	vld.idx.msk [tilespmem:v13+s1+$0x0], $0xffff  }
0x350: {  	v13 =	vmov s20;
	v12 =	vld [tilespmem:s0+$0x0]  }
0x351: {  	v13 =	vshrl.u32 v13, $0x3;
	v14 =	vld [tilespmem:s0+$0x20]  }
0x352: {  	v13 =	vshll.u32 v13, v1  }
0x353: {  	v13 =	vadd.s32 v13, v7  }
0x354: {  	v13 =	vbroadcast v13, $0x0  }
0x355: {  	v10 =	vmul.f32 v10, v11;
	v12 =	vmul.f32 v12, v11  }
0x356: {  	v11 =	vmul.f32 v14, v11  }
0x357: {  	[tilespmem:s0+$0x0] =	vst v12  }
0x358: {  	[tilespmem:s0+$0x20] =	vst v11  }
0x359: {  	[tilespmem:s0+$0x10] =	vst v10;
	v10 =	vld [tilespmem:s0+$0x40]  }
0x35a: {  	s20 =	sadd.s32 $0xFFFFFFFF, s19;
	v11 =	vld.idx.msk [tilespmem:v13+s1+$0x0], $0xffff  }
0x35b: {  	v13 =	vmov s20;
	v12 =	vld [tilespmem:s0+$0x30]  }
0x35c: {  	v13 =	vshrl.u32 v13, $0x3;
	v14 =	vld [tilespmem:s0+$0x50]  }
0x35d: {  	v13 =	vshll.u32 v13, v1  }
0x35e: {  	v13 =	vadd.s32 v13, v8  }
0x35f: {  	v13 =	vbroadcast v13, $0x0  }
0x360: {  	v10 =	vmul.f32 v10, v11;
	v12 =	vmul.f32 v12, v11  }
0x361: {  	v11 =	vmul.f32 v14, v11  }
0x362: {  	[tilespmem:s0+$0x40] =	vst v10  }
0x363: {  	[tilespmem:s0+$0x50] =	vst v11  }
0x364: {  	[tilespmem:s0+$0x30] =	vst v12;
	v11 =	vld [tilespmem:s0+$0x60]  }
.Ltmp8:
0x365: {  	v10 =	vld.idx.msk [tilespmem:v13+s1+$0x0], $0xffff;
	(pc) =	sbr.rel @p1 .LBB2_14-.Ltmp8, $4  }
0x366: {  	v14 =	vmov s19;
	v12 =	vld [tilespmem:s0+$0x70]  }
0x367: {  	v14 =	vshrl.u32 v14, $0x3;
	v13 =	vld [tilespmem:s0+$0x80]  }
0x368: {  	v14 =	vshll.u32 v14, v1  }
0x369: {  	v14 =	vadd.s32 v14, v9  }
0x36a: {  	v2 =	vbroadcast v14, $0x0  }
0x36b: {  	v3 =	vmul.f32 v11, v10  }
0x36c: {  	v5 =	vmul.f32 v12, v10  }
0x36d: {  	v4 =	vmul.f32 v13, v10;
	[tilespmem:s4+$0x60] =	vst v3  }
0x36e: {  	[tilespmem:s4+$0x70] =	vst v5  }
0x36f: {  	v3 =	vld [tilespmem:s4+$0x90];
	[tilespmem:s4+$0x80] =	vst v4  }
0x370: {  	v2 =	vld.idx.msk [tilespmem:v2+s1+$0x0], $0xffff  }
0x371: {  	v62 =	vld [tilespmem:s4+$0xA0]  }
0x372: {  	v63 =	vld [tilespmem:s4+$0xB0];
	_ =	sdelay $0x2  }
0x373: {  	v3 =	vmul.f32 v3, v2  }
0x374: {  	v4 =	vmul.f32 v62, v2  }
0x375: {  	v2 =	vmul.f32 v63, v2;
	[tilespmem:s4+$0x90] =	vst v3  }
0x376: {  	s0 =	sand.u32 $0x3FFFFF80, s17;
	p1 =	seq.s32 s13, $0x27;
	[tilespmem:s4+$0xA0] =	vst v4  }
.Ltmp9:
0x377: {  	s0 =	sadd.s32 $0x11800, s0;
	[tilespmem:s4+$0xB0] =	vst v2;
	(pc) =	sbr.rel @p1 .LBB2_17-.Ltmp9, $4  }
0x378: {  	[spmem:s2] =	stream.indirect.scatter.add.f32 [tilespmem:s8], [sflag:$0x4], $0x30, s0, s5, $0xb8;
	[tilespmem:$0x1A400] =	vst v63  }
0x379: {  	_ =	swait.ge [sflag:s7], $0x1800  }
0x37a: {  	[sflag:s7] =	ssyncset.done $0x0  }
0x37b: {  	[sflag:s7] =	ssyncadd.s32 $0xFFFFE800  }
0x37c: {  	s0 =	sadd.s32 $0xF100, s14  }
0x37d: {  	[tilespmem:s6], [sflag:$0x1] =	stream.indirect.gather [spmem:s3], $0x30, s0, s5, $0xb8;
	[tilespmem:$0x1A400] =	vst v63  }
.Ltmp10:
0x37e: {  	_ = 	snop;
	(pc) =	sbr.rel .LBB2_11-.Ltmp10, $4  }
0x37f: {  	_ =	swait.ge [sflag:s11], $0x1800  }
0x380: {  	[sflag:s11] =	ssyncset.done $0x0  }
0x381: {  	s29 =	sadd.s32 $0xF180, s14;
	s13 =	sadd.s32 $0x1, s13;
	[sflag:s11] =	ssyncadd.s32 $0xFFFFE800  }
0x382: {  	[tilespmem:s8], [sflag:$0x2] =	stream.indirect.gather [spmem:s3], $0x30, s29, s5, $0xb8;
	[tilespmem:$0x1A400] =	vst v63  }
.LBB2_18:
0x383: {  	_ =	sfence.sel $0x180000  }
0x384: {  	[bflag:$0x0] =	sbarrier.arrive $0xFFFF  }
0x385: {  	_ =	strace $0x9000004A  }
0x386: {  	s0 =	stileid.u32;
	[bflag:$0x2] =	sbarrier.arrive $0xFFFF  }
0x387: {  	p0 =	sne.s32 s0, $0x0;
	s0 =	rddreg [dreg:$0x4]  }
0x388: {  	s0 =	sadd.s32 @!p0 $0x100000, s0  }
0x389: {  	[sflag:s0] =	ssyncadd.tile.s32 @!p0 $0x1;
	_ =	shalt  }
.Lfunc_end2:
_tile_overlayer_lowered:
.L_overlay_start_2:
0x38a: {  	(tag) =	ssettag $0x2  }
0x38b: {  	s0 =	rddreg [dreg:$0x0];
	s2 =	stileid.u32  }
0x38c: {  	s1 =	rddreg [dreg:$0x1];
	p0 =	sne.s32 s2, $0x0  }
0x38d: {  	s3 =	rddreg [dreg:$0x2];
	[bflag:$0x3] =	sbarrier.arrive $0xFFFF;
	s2 =	simm.s32 @!p0 $0x1C05  }
0x38e: {  	[timem:s3], [sflag:s2] =	dma.local @!p0 [hbm:s0], s1  }
0x38f: {  	s0 =	simm.s32 @!p0 $0x5  }
0x390: {  	_ =	swait.ge @!p0 [sflag:s0], s1  }
0x391: {  	s1 =	ssub.s32 @!p0 $0x0, s1;
	[sflag:s0] =	ssyncset.done @!p0 $0x0  }
0x392: {  	[sflag:s0] =	ssyncadd.s32 @!p0 s1  }
0x393: {  	[bflag:$0x3] =	sbarrier.arrive $0xFFFF  }
0x394: {  	_ =	shalt  }

</sc_bundles>
